<compile_context>
chip_gen: v7x
topology: tpu7x:2x2x1
jax: 0.10.2.dev20260603
libtpu: 0.0.44.dev20260713+nightly
codegen_flags: <defaults>
</compile_context>

<pallas_src>
import functools

import jax
import jax.numpy as jnp
from jax import lax
from jax.experimental import pallas as pl
from jax.experimental.pallas import tpu as pltpu
from jax.experimental.pallas import tpu_sc as plsc


@functools.lru_cache(maxsize=None)
def _build_gather(B2, A, V, D):
    info = plsc.get_sparse_core_info()
    NC, NS = info.num_cores, info.num_subcores
    NW = NC * NS
    L = 128
    DG = D // 8
    JT = B2 // L
    j_per_w = JT // NW
    n_units = A * j_per_w
    assert JT % NW == 0 and D % 8 == 0 and n_units % 2 == 0

    mesh = plsc.VectorSubcoreMesh(core_axis_name="c", subcore_axis_name="s")

    @functools.partial(
        pl.kernel,
        mesh=mesh,
        compiler_params=pltpu.CompilerParams(
            use_tc_tiling_on_sc=False, needs_layout_passes=False),
        out_type=jax.ShapeDtypeStruct((A, DG, JT, 8, L), jnp.float32),
        scratch_types=[
            pltpu.VMEM((A * j_per_w * L,), jnp.int32),
            pltpu.VMEM((L, D), jnp.float32),
            pltpu.VMEM((L, D), jnp.float32),
            pltpu.VMEM((D, L), jnp.float32),
            pltpu.VMEM((D, L), jnp.float32),
            pltpu.SemaphoreType.DMA,
            pltpu.SemaphoreType.DMA,
            pltpu.SemaphoreType.DMA,
            pltpu.SemaphoreType.DMA,
            pltpu.SemaphoreType.DMA,
        ],
    )
    def k(xt_hbm, table_hbm, o5_hbm, idx_v, r0, r1, st0, st1,
          isem, g0, g1, s0, s1):
        wid = lax.axis_index("s") * NC + lax.axis_index("c")
        jbase = wid * j_per_w
        rows = (r0, r1)
        sts = (st0, st1)
        gsems = (g0, g1)
        ssems = (s0, s1)

        span = j_per_w * L

        def stage_idx(a, _):
            pltpu.async_copy(
                xt_hbm.at[pl.ds(a * B2 + jbase * L, span)],
                idx_v.at[pl.ds(a * span, span)], isem)
            return 0

        def drain_idx(a, _):
            pltpu.make_async_copy(
                xt_hbm.at[pl.ds(0, span)],
                idx_v.at[pl.ds(0, span)], isem).wait()
            return 0

        lax.fori_loop(0, A, stage_idx, 0, unroll=False)
        lax.fori_loop(0, A, drain_idx, 0, unroll=False)

        def gather(u, b):
            pltpu.async_copy(
                table_hbm.at[idx_v.at[pl.ds(u * L, L)]], rows[b], gsems[b])

        def wait_gather(b):
            pltpu.make_async_copy(
                table_hbm.at[pl.ds(0, L)], rows[b], gsems[b]).wait()

        def wait_store(b):
            for i in range(DG):
                pltpu.make_async_copy(
                    sts[b].at[pl.ds(8 * i, 8)],
                    o5_hbm.at[0, i, jbase], ssems[b]).wait()

        iota = lax.iota(jnp.int32, 16)
        rpat = [(iota + t) & 15 for t in range(16)]

        def do_unit(p, h):
            u = 2 * p + h
            a = u // j_per_w
            j = jbase + (u % j_per_w)
            @pl.when(p >= 1)
            def _():
                wait_store(h)
            wait_gather(h)
            if h == 0:
                gather(u + 1, 1)
            else:
                @pl.when(p < n_units // 2 - 1)
                def _():
                    gather(u + 1, 0)
            def tblock(lb, _):
                lvec = iota + lb * 16
                for t in range(16):
                    for c0 in range(0, D, 16):
                        cvec = rpat[t] + c0 if c0 else rpat[t]
                        v = plsc.load_gather(rows[h], [lvec, cvec])
                        plsc.store_scatter(sts[h], [cvec, lvec], v)
                return 0

            lax.fori_loop(0, L // 16, tblock, 0, unroll=2)
            for i in range(DG):
                pltpu.async_copy(
                    sts[h].at[pl.ds(8 * i, 8)], o5_hbm.at[a, i, j], ssems[h])

        gather(0, 0)

        def pair(p, _):
            do_unit(p, 0)
            do_unit(p, 1)
            return 0

        lax.fori_loop(0, n_units // 2, pair, 0, unroll=False)
        wait_store(0)
        wait_store(1)

    return k


def kernel(x, table):
    V, D = table.shape
    B2, A = x.shape
    xt = (jnp.transpose(x).reshape(-1) * 4).astype(jnp.int32)
    table4 = jnp.pad(table, ((0, 0), (0, 3 * D))).reshape(4 * V, D)
    o5 = _build_gather(B2, A, 4 * V, D)(xt, table4)
    out = o5.transpose(2, 4, 0, 1, 3).reshape(B2, A, D)
    return out

# --- scband reference (transcript-rebuilt; emitter-appended) ---
"""Pipeline reference for scband-embedding-encoder-58497454571819 (READ-ONLY COPY).

The authoritative reference and input builder live on the scoring server;
editing this copy changes nothing except your own understanding.
"""

import jax, jax.numpy as jnp
import numpy as np

VOCAB = 1000000
EMBED = 32

def setup_inputs(seed: int = 0) -> dict:
    key = jax.random.key(seed)
    k_idx, k_tab = jax.random.split(key)
    x = jax.random.randint(k_idx, (16384, 50), 0, VOCAB, dtype=jnp.int64 if jax.config.jax_enable_x64 else jnp.int32)
    table = jax.random.normal(k_tab, (VOCAB, EMBED), dtype=jnp.float32)
    # padding_idx=0: row 0 is zero, as in nn.Embedding(padding_idx=0)
    table = table.at[0].set(0.0)
    return {"x": x, "table": table}

def reference(x, table):
    # EmbeddingEncoder.forward: self.embed(x) -> gather rows of the embedding table
    return jnp.take(table, x, axis=0)

if __name__ == "__main__":
    import jax
    _d = setup_inputs()
    print(jax.jit(kernel)(*tuple(_d.values())))

</pallas_src>

<mosaic_0001>
#map = affine_map<(d0, d1) -> (0)>
#map1 = affine_map<(d0, d1) -> (0, 0)>
#map2 = affine_map<(d0, d1) -> (0, 0, 0, 0, 0)>
module attributes {stable_mosaic.version = 14 : i64} {
  func.func @k(%arg0: i32, %arg1: i32, %arg2: memref<819200xi32, #tpu.memory_space<hbm>>, %arg3: memref<4000000x32xf32, #tpu.memory_space<hbm>>, %arg4: memref<50x4x128x8x128xf32, #tpu.memory_space<hbm>>, %arg5: memref<25600xi32, #tpu.memory_space<vmem>>, %arg6: memref<128x32xf32, #tpu.memory_space<vmem>>, %arg7: memref<128x32xf32, #tpu.memory_space<vmem>>, %arg8: memref<32x128xf32, #tpu.memory_space<vmem>>, %arg9: memref<32x128xf32, #tpu.memory_space<vmem>>, %arg10: memref<!tpu.dma_semaphore, #tpu.memory_space<semaphore_mem>>, %arg11: memref<!tpu.dma_semaphore, #tpu.memory_space<semaphore_mem>>, %arg12: memref<!tpu.dma_semaphore, #tpu.memory_space<semaphore_mem>>, %arg13: memref<!tpu.dma_semaphore, #tpu.memory_space<semaphore_mem>>, %arg14: memref<!tpu.dma_semaphore, #tpu.memory_space<semaphore_mem>>) attributes {dimension_semantics = [#tpu.dimension_semantics<core_parallel>, #tpu.dimension_semantics<subcore_parallel>], iteration_bounds = array<i64: 2, 16>, scalar_prefetch = 0 : i64, scratch_operands = 10 : i64, tpu.core_type = #tpu.core_type<sc_vector_subcore>, window_params = [{transform_indices = #map}, {transform_indices = #map1}, {transform_indices = #map2}]} {
    %mul3A = arith.constant 2 : i32
    %mul3A_0 = arith.muli %arg1, %mul3A : i32
    %add3A = arith.addi %mul3A_0, %arg0 : i32
    %mul3A_1 = arith.constant 4 : i32
    %mul3A_2 = arith.muli %add3A, %mul3A_1 : i32
    %scan3A = arith.constant 0 : i32
    %scan3A_3 = arith.constant 0 : i32
    %scan3A_4 = arith.constant 50 : i32
    %scan3A_5 = arith.addi %scan3A_3, %scan3A_4 : i32
    %scan3A_6 = arith.constant 1 : i32
    %scan3A_7 = scf.for %scan3A_249 = %scan3A_3 to %scan3A_5 step %scan3A_6 iter_args(%scan3A_250 = %scan3A) -> (i32)  : i32 {
      %mul3A_251 = arith.constant 16384 : i32
      %mul3A_252 = arith.muli %scan3A_249, %mul3A_251 : i32
      %mul3A_253 = arith.constant 128 : i32
      %mul3A_254 = arith.muli %mul3A_2, %mul3A_253 : i32
      %add3A_255 = arith.addi %mul3A_252, %mul3A_254 : i32
      %mul3A_256 = arith.constant 512 : i32
      %mul3A_257 = arith.muli %scan3A_249, %mul3A_256 : i32
      %dma_start3A_258 = tpu.memref_slice %arg5[%mul3A_257] : memref<25600xi32, #tpu.memory_space<vmem>> -> memref<512xi32, #tpu.memory_space<vmem>>
      %dma_start3A_259 = tpu.memref_slice %arg2[%add3A_255] : memref<819200xi32, #tpu.memory_space<hbm>> -> memref<512xi32, #tpu.memory_space<hbm>>
      %dma_start3A_260 = tpu.memref_slice %arg5[%mul3A_257] : memref<25600xi32, #tpu.memory_space<vmem>> -> memref<512xi32, #tpu.memory_space<vmem>>
      %dma_start3A_261 = tpu.memref_slice %arg2[%add3A_255] : memref<819200xi32, #tpu.memory_space<hbm>> -> memref<512xi32, #tpu.memory_space<hbm>>
      tpu.enqueue_dma source(%dma_start3A_261 : memref<512xi32, #tpu.memory_space<hbm>>) target(%dma_start3A_260 : memref<512xi32, #tpu.memory_space<vmem>>) target_semaphore(%arg10 : memref<!tpu.dma_semaphore, #tpu.memory_space<semaphore_mem>>)
      %scan3A_262 = arith.constant 0 : i32
      scf.yield %scan3A_262 : i32
    }
    %scan3A_8 = arith.constant 50 : i32
    %scan3A_9 = arith.constant 0 : i32
    %scan3A_10 = arith.constant 0 : i32
    %scan3A_11 = arith.constant 50 : i32
    %scan3A_12 = arith.addi %scan3A_10, %scan3A_11 : i32
    %scan3A_13 = arith.constant 1 : i32
    %scan3A_14 = scf.for %scan3A_249 = %scan3A_10 to %scan3A_12 step %scan3A_13 iter_args(%scan3A_250 = %scan3A_9) -> (i32)  : i32 {
      %dma_wait3A_251 = arith.constant 0 : i32
      %dma_wait3A_252 = tpu.memref_slice %arg5[%dma_wait3A_251] : memref<25600xi32, #tpu.memory_space<vmem>> -> memref<512xi32, #tpu.memory_space<vmem>>
      %dma_wait3A_253 = arith.constant 0 : i32
      %dma_wait3A_254 = tpu.memref_slice %arg2[%dma_wait3A_253] : memref<819200xi32, #tpu.memory_space<hbm>> -> memref<512xi32, #tpu.memory_space<hbm>>
      %dma_wait3A_255 = arith.constant 0 : i32
      %dma_wait3A_256 = tpu.memref_slice %arg5[%dma_wait3A_255] : memref<25600xi32, #tpu.memory_space<vmem>> -> memref<512xi32, #tpu.memory_space<vmem>>
      %dma_wait3A_257 = arith.constant 0 : i32
      %dma_wait3A_258 = tpu.memref_slice %arg2[%dma_wait3A_257] : memref<819200xi32, #tpu.memory_space<hbm>> -> memref<512xi32, #tpu.memory_space<hbm>>
      tpu.wait_dma2 semaphore(%arg10 : memref<!tpu.dma_semaphore, #tpu.memory_space<semaphore_mem>>) src(%dma_wait3A_258 : memref<512xi32, #tpu.memory_space<hbm>>) dst(%dma_wait3A_256 : memref<512xi32, #tpu.memory_space<vmem>>)
      %scan3A_259 = arith.constant 0 : i32
      scf.yield %scan3A_259 : i32
    }
    %scan3A_15 = arith.constant 50 : i32
    %iota3A = tpu.iota {dimensions = array<i32: 0>} : vector<16xi32>
    %add3A_16 = arith.constant 0 : i32
    %add3A_17 = vector.broadcast %add3A_16 : i32 to vector<16xi32>
    %add3A_18 = arith.addi %iota3A, %add3A_17 : vector<16xi32>
    %and3A = arith.constant 15 : i32
    %and3A_19 = vector.broadcast %and3A : i32 to vector<16xi32>
    %and3A_20 = arith.andi %add3A_18, %and3A_19 : vector<16xi32>
    %add3A_21 = arith.constant 1 : i32
    %add3A_22 = vector.broadcast %add3A_21 : i32 to vector<16xi32>
    %add3A_23 = arith.addi %iota3A, %add3A_22 : vector<16xi32>
    %and3A_24 = arith.constant 15 : i32
    %and3A_25 = vector.broadcast %and3A_24 : i32 to vector<16xi32>
    %and3A_26 = arith.andi %add3A_23, %and3A_25 : vector<16xi32>
    %add3A_27 = arith.constant 2 : i32
    %add3A_28 = vector.broadcast %add3A_27 : i32 to vector<16xi32>
    %add3A_29 = arith.addi %iota3A, %add3A_28 : vector<16xi32>
    %and3A_30 = arith.constant 15 : i32
    %and3A_31 = vector.broadcast %and3A_30 : i32 to vector<16xi32>
    %and3A_32 = arith.andi %add3A_29, %and3A_31 : vector<16xi32>
    %add3A_33 = arith.constant 3 : i32
    %add3A_34 = vector.broadcast %add3A_33 : i32 to vector<16xi32>
    %add3A_35 = arith.addi %iota3A, %add3A_34 : vector<16xi32>
    %and3A_36 = arith.constant 15 : i32
    %and3A_37 = vector.broadcast %and3A_36 : i32 to vector<16xi32>
    %and3A_38 = arith.andi %add3A_35, %and3A_37 : vector<16xi32>
    %add3A_39 = arith.constant 4 : i32
    %add3A_40 = vector.broadcast %add3A_39 : i32 to vector<16xi32>
    %add3A_41 = arith.addi %iota3A, %add3A_40 : vector<16xi32>
    %and3A_42 = arith.constant 15 : i32
    %and3A_43 = vector.broadcast %and3A_42 : i32 to vector<16xi32>
    %and3A_44 = arith.andi %add3A_41, %and3A_43 : vector<16xi32>
    %add3A_45 = arith.constant 5 : i32
    %add3A_46 = vector.broadcast %add3A_45 : i32 to vector<16xi32>
    %add3A_47 = arith.addi %iota3A, %add3A_46 : vector<16xi32>
    %and3A_48 = arith.constant 15 : i32
    %and3A_49 = vector.broadcast %and3A_48 : i32 to vector<16xi32>
    %and3A_50 = arith.andi %add3A_47, %and3A_49 : vector<16xi32>
    %add3A_51 = arith.constant 6 : i32
    %add3A_52 = vector.broadcast %add3A_51 : i32 to vector<16xi32>
    %add3A_53 = arith.addi %iota3A, %add3A_52 : vector<16xi32>
    %and3A_54 = arith.constant 15 : i32
    %and3A_55 = vector.broadcast %and3A_54 : i32 to vector<16xi32>
    %and3A_56 = arith.andi %add3A_53, %and3A_55 : vector<16xi32>
    %add3A_57 = arith.constant 7 : i32
    %add3A_58 = vector.broadcast %add3A_57 : i32 to vector<16xi32>
    %add3A_59 = arith.addi %iota3A, %add3A_58 : vector<16xi32>
    %and3A_60 = arith.constant 15 : i32
    %and3A_61 = vector.broadcast %and3A_60 : i32 to vector<16xi32>
    %and3A_62 = arith.andi %add3A_59, %and3A_61 : vector<16xi32>
    %add3A_63 = arith.constant 8 : i32
    %add3A_64 = vector.broadcast %add3A_63 : i32 to vector<16xi32>
    %add3A_65 = arith.addi %iota3A, %add3A_64 : vector<16xi32>
    %and3A_66 = arith.constant 15 : i32
    %and3A_67 = vector.broadcast %and3A_66 : i32 to vector<16xi32>
    %and3A_68 = arith.andi %add3A_65, %and3A_67 : vector<16xi32>
    %add3A_69 = arith.constant 9 : i32
    %add3A_70 = vector.broadcast %add3A_69 : i32 to vector<16xi32>
    %add3A_71 = arith.addi %iota3A, %add3A_70 : vector<16xi32>
    %and3A_72 = arith.constant 15 : i32
    %and3A_73 = vector.broadcast %and3A_72 : i32 to vector<16xi32>
    %and3A_74 = arith.andi %add3A_71, %and3A_73 : vector<16xi32>
    %add3A_75 = arith.constant 10 : i32
    %add3A_76 = vector.broadcast %add3A_75 : i32 to vector<16xi32>
    %add3A_77 = arith.addi %iota3A, %add3A_76 : vector<16xi32>
    %and3A_78 = arith.constant 15 : i32
    %and3A_79 = vector.broadcast %and3A_78 : i32 to vector<16xi32>
    %and3A_80 = arith.andi %add3A_77, %and3A_79 : vector<16xi32>
    %add3A_81 = arith.constant 11 : i32
    %add3A_82 = vector.broadcast %add3A_81 : i32 to vector<16xi32>
    %add3A_83 = arith.addi %iota3A, %add3A_82 : vector<16xi32>
    %and3A_84 = arith.constant 15 : i32
    %and3A_85 = vector.broadcast %and3A_84 : i32 to vector<16xi32>
    %and3A_86 = arith.andi %add3A_83, %and3A_85 : vector<16xi32>
    %add3A_87 = arith.constant 12 : i32
    %add3A_88 = vector.broadcast %add3A_87 : i32 to vector<16xi32>
    %add3A_89 = arith.addi %iota3A, %add3A_88 : vector<16xi32>
    %and3A_90 = arith.constant 15 : i32
    %and3A_91 = vector.broadcast %and3A_90 : i32 to vector<16xi32>
    %and3A_92 = arith.andi %add3A_89, %and3A_91 : vector<16xi32>
    %add3A_93 = arith.constant 13 : i32
    %add3A_94 = vector.broadcast %add3A_93 : i32 to vector<16xi32>
    %add3A_95 = arith.addi %iota3A, %add3A_94 : vector<16xi32>
    %and3A_96 = arith.constant 15 : i32
    %and3A_97 = vector.broadcast %and3A_96 : i32 to vector<16xi32>
    %and3A_98 = arith.andi %add3A_95, %and3A_97 : vector<16xi32>
    %add3A_99 = arith.constant 14 : i32
    %add3A_100 = vector.broadcast %add3A_99 : i32 to vector<16xi32>
    %add3A_101 = arith.addi %iota3A, %add3A_100 : vector<16xi32>
    %and3A_102 = arith.constant 15 : i32
    %and3A_103 = vector.broadcast %and3A_102 : i32 to vector<16xi32>
    %and3A_104 = arith.andi %add3A_101, %and3A_103 : vector<16xi32>
    %add3A_105 = arith.constant 15 : i32
    %add3A_106 = vector.broadcast %add3A_105 : i32 to vector<16xi32>
    %add3A_107 = arith.addi %iota3A, %add3A_106 : vector<16xi32>
    %and3A_108 = arith.constant 15 : i32
    %and3A_109 = vector.broadcast %and3A_108 : i32 to vector<16xi32>
    %and3A_110 = arith.andi %add3A_107, %and3A_109 : vector<16xi32>
    %dma_start3A = arith.constant 0 : i32
    %dma_start3A_111 = tpu.memref_slice %arg5[%dma_start3A] : memref<25600xi32, #tpu.memory_space<vmem>> -> memref<128xi32, #tpu.memory_space<vmem>>
    %dma_start3A_112 = arith.constant 0 : i32
    %dma_start3A_113 = arith.constant 0 : i32
    %dma_start3A_114 = tpu.memref_slice %arg3[%dma_start3A_112, %dma_start3A_113] : memref<4000000x32xf32, #tpu.memory_space<hbm>> -> memref<4000000x32xf32, #tpu.memory_space<hbm>>
    tpu.enqueue_indirect_dma source(%dma_start3A_114 : memref<4000000x32xf32, #tpu.memory_space<hbm>>) target(%arg6 : memref<128x32xf32, #tpu.memory_space<vmem>>) offsets(%dma_start3A_111 : memref<128xi32, #tpu.memory_space<vmem>>) semaphore(%arg11 : memref<!tpu.dma_semaphore, #tpu.memory_space<semaphore_mem>>)
    %scan3A_115 = arith.constant 0 : i32
    %scan3A_116 = arith.constant 0 : i32
    %scan3A_117 = arith.constant 100 : i32
    %scan3A_118 = arith.addi %scan3A_116, %scan3A_117 : i32
    %scan3A_119 = arith.constant 1 : i32
    %scan3A_120 = scf.for %scan3A_249 = %scan3A_116 to %scan3A_118 step %scan3A_119 iter_args(%scan3A_250 = %scan3A_115) -> (i32)  : i32 {
      %mul3A_251 = arith.constant 2 : i32
      %mul3A_252 = arith.muli %mul3A_251, %scan3A_249 : i32
      %add3A_253 = arith.constant 0 : i32
      %add3A_254 = arith.addi %mul3A_252, %add3A_253 : i32
      %jit3A = arith.constant 4 : i32
      %div3A = arith.divsi %add3A_254, %jit3A : i32
      %sign3A = arith.constant 0 : i32
      %sign3A_255 = arith.cmpi sgt, %add3A_254, %sign3A : i32
      %sign3A_256 = arith.extui %sign3A_255 : i1 to i32
      %sign3A_257 = arith.constant 0 : i32
      %sign3A_258 = arith.cmpi slt, %add3A_254, %sign3A_257 : i32
      %sign3A_259 = arith.extui %sign3A_258 : i1 to i32
      %sign3A_260 = arith.subi %sign3A_256, %sign3A_259 : i32
      %sign3A_261 = arith.constant 0 : i32
      %sign3A_262 = arith.cmpi sgt, %jit3A, %sign3A_261 : i32
      %sign3A_263 = arith.extui %sign3A_262 : i1 to i32
      %sign3A_264 = arith.constant 0 : i32
      %sign3A_265 = arith.cmpi slt, %jit3A, %sign3A_264 : i32
      %sign3A_266 = arith.extui %sign3A_265 : i1 to i32
      %sign3A_267 = arith.subi %sign3A_263, %sign3A_266 : i32
      %ne3A = arith.cmpi ne, %sign3A_260, %sign3A_267 : i32
      %rem3A = arith.remsi %add3A_254, %jit3A : i32
      %ne3A_268 = arith.constant 0 : i32
      %ne3A_269 = arith.cmpi ne, %rem3A, %ne3A_268 : i32
      %and3A_270 = arith.andi %ne3A, %ne3A_269 : i1
      %sub3A = arith.constant 1 : i32
      %sub3A_271 = arith.subi %div3A, %sub3A : i32
      %select_n3A = arith.select %and3A_270, %sub3A_271, %div3A : i32
      %jit3A_272 = arith.constant 4 : i32
      %eq3A = arith.constant 0 : i32
      %eq3A_273 = arith.cmpi eq, %jit3A_272, %eq3A : i32
      %jit3A_274 = arith.constant 1 : i32
      %select_n3A_275 = arith.select %eq3A_273, %jit3A_274, %jit3A_272 : i32
      %rem3A_276 = arith.remsi %add3A_254, %select_n3A_275 : i32
      %ne3A_277 = arith.constant 0 : i32
      %ne3A_278 = arith.cmpi ne, %rem3A_276, %ne3A_277 : i32
      %lt3A = arith.constant 0 : i32
      %lt3A_279 = arith.cmpi slt, %rem3A_276, %lt3A : i32
      %lt3A_280 = arith.constant 0 : i32
      %lt3A_281 = arith.cmpi slt, %select_n3A_275, %lt3A_280 : i32
      %ne3A_282 = arith.xori %lt3A_279, %lt3A_281 : i1
      %and3A_283 = arith.andi %ne3A_282, %ne3A_278 : i1
      %add3A_284 = arith.addi %rem3A_276, %select_n3A_275 : i32
      %select_n3A_285 = arith.select %and3A_283, %add3A_284, %rem3A_276 : i32
      %add3A_286 = arith.addi %mul3A_2, %select_n3A_285 : i32
      %ge3A = arith.constant 1 : i32
      %ge3A_287 = arith.cmpi sge, %scan3A_249, %ge3A : i32
      %convert_element_type3A = arith.extui %ge3A_287 : i1 to i32
      %cond3A = arith.constant 0 : i32
      %cond3A_288 = arith.cmpi ne, %convert_element_type3A, %cond3A : i32
      scf.if %cond3A_288 {
        %dma_wait3A_499 = arith.constant 0 : i32
        %dma_wait3A_500 = arith.constant 0 : i32
        %dma_wait3A_501 = arith.constant 0 : i32
        %dma_wait3A_502 = arith.constant 0 : i32
        %dma_wait3A_503 = tpu.memref_slice %arg8[%dma_wait3A_501, %dma_wait3A_502] : memref<32x128xf32, #tpu.memory_space<vmem>> -> memref<8x128xf32, #tpu.memory_space<vmem>>
        %dma_wait3A_504 = arith.constant 0 : i32
        %dma_wait3A_505 = arith.constant 0 : i32
        %dma_wait3A_506 = tpu.memref_slice %arg4[%dma_wait3A_499, %dma_wait3A_500, %mul3A_2, %dma_wait3A_504, %dma_wait3A_505] : memref<50x4x128x8x128xf32, #tpu.memory_space<hbm>> -> memref<1x1x1x8x128xf32, #tpu.memory_space<hbm>>
        %dma_wait3A_507 = tpu.memref_squeeze %dma_wait3A_506 : memref<1x1x1x8x128xf32, #tpu.memory_space<hbm>> -> memref<8x128xf32, #tpu.memory_space<hbm>>
        %dma_wait3A_508 = arith.constant 0 : i32
        %dma_wait3A_509 = arith.constant 0 : i32
        %dma_wait3A_510 = tpu.memref_slice %arg4[%dma_wait3A_499, %dma_wait3A_500, %mul3A_2, %dma_wait3A_508, %dma_wait3A_509] : memref<50x4x128x8x128xf32, #tpu.memory_space<hbm>> -> memref<1x1x1x8x128xf32, #tpu.memory_space<hbm>>
        %dma_wait3A_511 = tpu.memref_squeeze %dma_wait3A_510 : memref<1x1x1x8x128xf32, #tpu.memory_space<hbm>> -> memref<8x128xf32, #tpu.memory_space<hbm>>
        %dma_wait3A_512 = arith.constant 0 : i32
        %dma_wait3A_513 = arith.constant 0 : i32
        %dma_wait3A_514 = tpu.memref_slice %arg8[%dma_wait3A_512, %dma_wait3A_513] : memref<32x128xf32, #tpu.memory_space<vmem>> -> memref<8x128xf32, #tpu.memory_space<vmem>>
        tpu.wait_dma2 semaphore(%arg13 : memref<!tpu.dma_semaphore, #tpu.memory_space<semaphore_mem>>) src(%dma_wait3A_514 : memref<8x128xf32, #tpu.memory_space<vmem>>) dst(%dma_wait3A_511 : memref<8x128xf32, #tpu.memory_space<hbm>>)
        %dma_wait3A_515 = arith.constant 0 : i32
        %dma_wait3A_516 = arith.constant 1 : i32
        %dma_wait3A_517 = arith.constant 8 : i32
        %dma_wait3A_518 = arith.constant 0 : i32
        %dma_wait3A_519 = tpu.memref_slice %arg8[%dma_wait3A_517, %dma_wait3A_518] : memref<32x128xf32, #tpu.memory_space<vmem>> -> memref<8x128xf32, #tpu.memory_space<vmem>>
        %dma_wait3A_520 = arith.constant 0 : i32
        %dma_wait3A_521 = arith.constant 0 : i32
        %dma_wait3A_522 = tpu.memref_slice %arg4[%dma_wait3A_515, %dma_wait3A_516, %mul3A_2, %dma_wait3A_520, %dma_wait3A_521] : memref<50x4x128x8x128xf32, #tpu.memory_space<hbm>> -> memref<1x1x1x8x128xf32, #tpu.memory_space<hbm>>
        %dma_wait3A_523 = tpu.memref_squeeze %dma_wait3A_522 : memref<1x1x1x8x128xf32, #tpu.memory_space<hbm>> -> memref<8x128xf32, #tpu.memory_space<hbm>>
        %dma_wait3A_524 = arith.constant 0 : i32
        %dma_wait3A_525 = arith.constant 0 : i32
        %dma_wait3A_526 = tpu.memref_slice %arg4[%dma_wait3A_515, %dma_wait3A_516, %mul3A_2, %dma_wait3A_524, %dma_wait3A_525] : memref<50x4x128x8x128xf32, #tpu.memory_space<hbm>> -> memref<1x1x1x8x128xf32, #tpu.memory_space<hbm>>
        %dma_wait3A_527 = tpu.memref_squeeze %dma_wait3A_526 : memref<1x1x1x8x128xf32, #tpu.memory_space<hbm>> -> memref<8x128xf32, #tpu.memory_space<hbm>>
        %dma_wait3A_528 = arith.constant 8 : i32
        %dma_wait3A_529 = arith.constant 0 : i32
        %dma_wait3A_530 = tpu.memref_slice %arg8[%dma_wait3A_528, %dma_wait3A_529] : memref<32x128xf32, #tpu.memory_space<vmem>> -> memref<8x128xf32, #tpu.memory_space<vmem>>
        tpu.wait_dma2 semaphore(%arg13 : memref<!tpu.dma_semaphore, #tpu.memory_space<semaphore_mem>>) src(%dma_wait3A_530 : memref<8x128xf32, #tpu.memory_space<vmem>>) dst(%dma_wait3A_527 : memref<8x128xf32, #tpu.memory_space<hbm>>)
        %dma_wait3A_531 = arith.constant 0 : i32
        %dma_wait3A_532 = arith.constant 2 : i32
        %dma_wait3A_533 = arith.constant 16 : i32
        %dma_wait3A_534 = arith.constant 0 : i32
        %dma_wait3A_535 = tpu.memref_slice %arg8[%dma_wait3A_533, %dma_wait3A_534] : memref<32x128xf32, #tpu.memory_space<vmem>> -> memref<8x128xf32, #tpu.memory_space<vmem>>
        %dma_wait3A_536 = arith.constant 0 : i32
        %dma_wait3A_537 = arith.constant 0 : i32
        %dma_wait3A_538 = tpu.memref_slice %arg4[%dma_wait3A_531, %dma_wait3A_532, %mul3A_2, %dma_wait3A_536, %dma_wait3A_537] : memref<50x4x128x8x128xf32, #tpu.memory_space<hbm>> -> memref<1x1x1x8x128xf32, #tpu.memory_space<hbm>>
        %dma_wait3A_539 = tpu.memref_squeeze %dma_wait3A_538 : memref<1x1x1x8x128xf32, #tpu.memory_space<hbm>> -> memref<8x128xf32, #tpu.memory_space<hbm>>
        %dma_wait3A_540 = arith.constant 0 : i32
        %dma_wait3A_541 = arith.constant 0 : i32
        %dma_wait3A_542 = tpu.memref_slice %arg4[%dma_wait3A_531, %dma_wait3A_532, %mul3A_2, %dma_wait3A_540, %dma_wait3A_541] : memref<50x4x128x8x128xf32, #tpu.memory_space<hbm>> -> memref<1x1x1x8x128xf32, #tpu.memory_space<hbm>>
        %dma_wait3A_543 = tpu.memref_squeeze %dma_wait3A_542 : memref<1x1x1x8x128xf32, #tpu.memory_space<hbm>> -> memref<8x128xf32, #tpu.memory_space<hbm>>
        %dma_wait3A_544 = arith.constant 16 : i32
        %dma_wait3A_545 = arith.constant 0 : i32
        %dma_wait3A_546 = tpu.memref_slice %arg8[%dma_wait3A_544, %dma_wait3A_545] : memref<32x128xf32, #tpu.memory_space<vmem>> -> memref<8x128xf32, #tpu.memory_space<vmem>>
        tpu.wait_dma2 semaphore(%arg13 : memref<!tpu.dma_semaphore, #tpu.memory_space<semaphore_mem>>) src(%dma_wait3A_546 : memref<8x128xf32, #tpu.memory_space<vmem>>) dst(%dma_wait3A_543 : memref<8x128xf32, #tpu.memory_space<hbm>>)
        %dma_wait3A_547 = arith.constant 0 : i32
        %dma_wait3A_548 = arith.constant 3 : i32
        %dma_wait3A_549 = arith.constant 24 : i32
        %dma_wait3A_550 = arith.constant 0 : i32
        %dma_wait3A_551 = tpu.memref_slice %arg8[%dma_wait3A_549, %dma_wait3A_550] : memref<32x128xf32, #tpu.memory_space<vmem>> -> memref<8x128xf32, #tpu.memory_space<vmem>>
        %dma_wait3A_552 = arith.constant 0 : i32
        %dma_wait3A_553 = arith.constant 0 : i32
        %dma_wait3A_554 = tpu.memref_slice %arg4[%dma_wait3A_547, %dma_wait3A_548, %mul3A_2, %dma_wait3A_552, %dma_wait3A_553] : memref<50x4x128x8x128xf32, #tpu.memory_space<hbm>> -> memref<1x1x1x8x128xf32, #tpu.memory_space<hbm>>
        %dma_wait3A_555 = tpu.memref_squeeze %dma_wait3A_554 : memref<1x1x1x8x128xf32, #tpu.memory_space<hbm>> -> memref<8x128xf32, #tpu.memory_space<hbm>>
        %dma_wait3A_556 = arith.constant 0 : i32
        %dma_wait3A_557 = arith.constant 0 : i32
        %dma_wait3A_558 = tpu.memref_slice %arg4[%dma_wait3A_547, %dma_wait3A_548, %mul3A_2, %dma_wait3A_556, %dma_wait3A_557] : memref<50x4x128x8x128xf32, #tpu.memory_space<hbm>> -> memref<1x1x1x8x128xf32, #tpu.memory_space<hbm>>
        %dma_wait3A_559 = tpu.memref_squeeze %dma_wait3A_558 : memref<1x1x1x8x128xf32, #tpu.memory_space<hbm>> -> memref<8x128xf32, #tpu.memory_space<hbm>>
        %dma_wait3A_560 = arith.constant 24 : i32
        %dma_wait3A_561 = arith.constant 0 : i32
        %dma_wait3A_562 = tpu.memref_slice %arg8[%dma_wait3A_560, %dma_wait3A_561] : memref<32x128xf32, #tpu.memory_space<vmem>> -> memref<8x128xf32, #tpu.memory_space<vmem>>
        tpu.wait_dma2 semaphore(%arg13 : memref<!tpu.dma_semaphore, #tpu.memory_space<semaphore_mem>>) src(%dma_wait3A_562 : memref<8x128xf32, #tpu.memory_space<vmem>>) dst(%dma_wait3A_559 : memref<8x128xf32, #tpu.memory_space<hbm>>)
      } else {
      }
      %dma_wait3A_289 = arith.constant 0 : i32
      %dma_wait3A_290 = arith.constant 0 : i32
      %dma_wait3A_291 = tpu.memref_slice %arg3[%dma_wait3A_289, %dma_wait3A_290] : memref<4000000x32xf32, #tpu.memory_space<hbm>> -> memref<128x32xf32, #tpu.memory_space<hbm>>
      %dma_wait3A_292 = arith.constant 0 : i32
      %dma_wait3A_293 = arith.constant 0 : i32
      %dma_wait3A_294 = tpu.memref_slice %arg3[%dma_wait3A_292, %dma_wait3A_293] : memref<4000000x32xf32, #tpu.memory_space<hbm>> -> memref<128x32xf32, #tpu.memory_space<hbm>>
      tpu.wait_dma2 semaphore(%arg11 : memref<!tpu.dma_semaphore, #tpu.memory_space<semaphore_mem>>) src(%dma_wait3A_294 : memref<128x32xf32, #tpu.memory_space<hbm>>) dst(%arg6 : memref<128x32xf32, #tpu.memory_space<vmem>>)
      %add3A_295 = arith.constant 1 : i32
      %add3A_296 = arith.addi %add3A_254, %add3A_295 : i32
      %mul3A_297 = arith.constant 128 : i32
      %mul3A_298 = arith.muli %add3A_296, %mul3A_297 : i32
      %dma_start3A_299 = tpu.memref_slice %arg5[%mul3A_298] : memref<25600xi32, #tpu.memory_space<vmem>> -> memref<128xi32, #tpu.memory_space<vmem>>
      %dma_start3A_300 = arith.constant 0 : i32
      %dma_start3A_301 = arith.constant 0 : i32
      %dma_start3A_302 = tpu.memref_slice %arg3[%dma_start3A_300, %dma_start3A_301] : memref<4000000x32xf32, #tpu.memory_space<hbm>> -> memref<4000000x32xf32, #tpu.memory_space<hbm>>
      tpu.enqueue_indirect_dma source(%dma_start3A_302 : memref<4000000x32xf32, #tpu.memory_space<hbm>>) target(%arg7 : memref<128x32xf32, #tpu.memory_space<vmem>>) offsets(%dma_start3A_299 : memref<128xi32, #tpu.memory_space<vmem>>) semaphore(%arg12 : memref<!tpu.dma_semaphore, #tpu.memory_space<semaphore_mem>>)
      %scan3A_303 = arith.constant 0 : i32
      %scan3A_304 = arith.constant 0 : i32
      %scan3A_305 = arith.constant 8 : i32
      %scan3A_306 = arith.addi %scan3A_304, %scan3A_305 : i32
      %scan3A_307 = arith.constant 2 : i32
      %scan3A_308 = scf.for %scan3A_499 = %scan3A_304 to %scan3A_306 step %scan3A_307 iter_args(%scan3A_500 = %scan3A_303) -> (i32)  : i32 {
        %mul3A_501 = arith.constant 16 : i32
        %mul3A_502 = arith.muli %scan3A_499, %mul3A_501 : i32
        %add3A_503 = vector.broadcast %mul3A_502 : i32 to vector<16xi32>
        %add3A_504 = arith.addi %iota3A, %add3A_503 : vector<16xi32>
        %gather3A = tpu.vector_load_idx %arg6[%add3A_504, %and3A_20] : memref<128x32xf32, #tpu.memory_space<vmem>>[vector<16xi32>, vector<16xi32>], vector<16xf32>,
        tpu.vector_store_idx %arg8[%and3A_20, %add3A_504], %gather3A : memref<32x128xf32, #tpu.memory_space<vmem>>[vector<16xi32>, vector<16xi32>], vector<16xf32>,
        %add3A_505 = arith.constant 16 : i32
        %add3A_506 = vector.broadcast %add3A_505 : i32 to vector<16xi32>
        %add3A_507 = arith.addi %and3A_20, %add3A_506 : vector<16xi32>
        %gather3A_508 = tpu.vector_load_idx %arg6[%add3A_504, %add3A_507] : memref<128x32xf32, #tpu.memory_space<vmem>>[vector<16xi32>, vector<16xi32>], vector<16xf32>,
        tpu.vector_store_idx %arg8[%add3A_507, %add3A_504], %gather3A_508 : memref<32x128xf32, #tpu.memory_space<vmem>>[vector<16xi32>, vector<16xi32>], vector<16xf32>,
        %gather3A_509 = tpu.vector_load_idx %arg6[%add3A_504, %and3A_26] : memref<128x32xf32, #tpu.memory_space<vmem>>[vector<16xi32>, vector<16xi32>], vector<16xf32>,
        tpu.vector_store_idx %arg8[%and3A_26, %add3A_504], %gather3A_509 : memref<32x128xf32, #tpu.memory_space<vmem>>[vector<16xi32>, vector<16xi32>], vector<16xf32>,
        %add3A_510 = arith.constant 16 : i32
        %add3A_511 = vector.broadcast %add3A_510 : i32 to vector<16xi32>
        %add3A_512 = arith.addi %and3A_26, %add3A_511 : vector<16xi32>
        %gather3A_513 = tpu.vector_load_idx %arg6[%add3A_504, %add3A_512] : memref<128x32xf32, #tpu.memory_space<vmem>>[vector<16xi32>, vector<16xi32>], vector<16xf32>,
        tpu.vector_store_idx %arg8[%add3A_512, %add3A_504], %gather3A_513 : memref<32x128xf32, #tpu.memory_space<vmem>>[vector<16xi32>, vector<16xi32>], vector<16xf32>,
        %gather3A_514 = tpu.vector_load_idx %arg6[%add3A_504, %and3A_32] : memref<128x32xf32, #tpu.memory_space<vmem>>[vector<16xi32>, vector<16xi32>], vector<16xf32>,
        tpu.vector_store_idx %arg8[%and3A_32, %add3A_504], %gather3A_514 : memref<32x128xf32, #tpu.memory_space<vmem>>[vector<16xi32>, vector<16xi32>], vector<16xf32>,
        %add3A_515 = arith.constant 16 : i32
        %add3A_516 = vector.broadcast %add3A_515 : i32 to vector<16xi32>
        %add3A_517 = arith.addi %and3A_32, %add3A_516 : vector<16xi32>
        %gather3A_518 = tpu.vector_load_idx %arg6[%add3A_504, %add3A_517] : memref<128x32xf32, #tpu.memory_space<vmem>>[vector<16xi32>, vector<16xi32>], vector<16xf32>,
        tpu.vector_store_idx %arg8[%add3A_517, %add3A_504], %gather3A_518 : memref<32x128xf32, #tpu.memory_space<vmem>>[vector<16xi32>, vector<16xi32>], vector<16xf32>,
        %gather3A_519 = tpu.vector_load_idx %arg6[%add3A_504, %and3A_38] : memref<128x32xf32, #tpu.memory_space<vmem>>[vector<16xi32>, vector<16xi32>], vector<16xf32>,
        tpu.vector_store_idx %arg8[%and3A_38, %add3A_504], %gather3A_519 : memref<32x128xf32, #tpu.memory_space<vmem>>[vector<16xi32>, vector<16xi32>], vector<16xf32>,
        %add3A_520 = arith.constant 16 : i32
        %add3A_521 = vector.broadcast %add3A_520 : i32 to vector<16xi32>
        %add3A_522 = arith.addi %and3A_38, %add3A_521 : vector<16xi32>
        %gather3A_523 = tpu.vector_load_idx %arg6[%add3A_504, %add3A_522] : memref<128x32xf32, #tpu.memory_space<vmem>>[vector<16xi32>, vector<16xi32>], vector<16xf32>,
        tpu.vector_store_idx %arg8[%add3A_522, %add3A_504], %gather3A_523 : memref<32x128xf32, #tpu.memory_space<vmem>>[vector<16xi32>, vector<16xi32>], vector<16xf32>,
        %gather3A_524 = tpu.vector_load_idx %arg6[%add3A_504, %and3A_44] : memref<128x32xf32, #tpu.memory_space<vmem>>[vector<16xi32>, vector<16xi32>], vector<16xf32>,
        tpu.vector_store_idx %arg8[%and3A_44, %add3A_504], %gather3A_524 : memref<32x128xf32, #tpu.memory_space<vmem>>[vector<16xi32>, vector<16xi32>], vector<16xf32>,
        %add3A_525 = arith.constant 16 : i32
        %add3A_526 = vector.broadcast %add3A_525 : i32 to vector<16xi32>
        %add3A_527 = arith.addi %and3A_44, %add3A_526 : vector<16xi32>
        %gather3A_528 = tpu.vector_load_idx %arg6[%add3A_504, %add3A_527] : memref<128x32xf32, #tpu.memory_space<vmem>>[vector<16xi32>, vector<16xi32>], vector<16xf32>,
        tpu.vector_store_idx %arg8[%add3A_527, %add3A_504], %gather3A_528 : memref<32x128xf32, #tpu.memory_space<vmem>>[vector<16xi32>, vector<16xi32>], vector<16xf32>,
        %gather3A_529 = tpu.vector_load_idx %arg6[%add3A_504, %and3A_50] : memref<128x32xf32, #tpu.memory_space<vmem>>[vector<16xi32>, vector<16xi32>], vector<16xf32>,
        tpu.vector_store_idx %arg8[%and3A_50, %add3A_504], %gather3A_529 : memref<32x128xf32, #tpu.memory_space<vmem>>[vector<16xi32>, vector<16xi32>], vector<16xf32>,
        %add3A_530 = arith.constant 16 : i32
        %add3A_531 = vector.broadcast %add3A_530 : i32 to vector<16xi32>
        %add3A_532 = arith.addi %and3A_50, %add3A_531 : vector<16xi32>
        %gather3A_533 = tpu.vector_load_idx %arg6[%add3A_504, %add3A_532] : memref<128x32xf32, #tpu.memory_space<vmem>>[vector<16xi32>, vector<16xi32>], vector<16xf32>,
        tpu.vector_store_idx %arg8[%add3A_532, %add3A_504], %gather3A_533 : memref<32x128xf32, #tpu.memory_space<vmem>>[vector<16xi32>, vector<16xi32>], vector<16xf32>,
        %gather3A_534 = tpu.vector_load_idx %arg6[%add3A_504, %and3A_56] : memref<128x32xf32, #tpu.memory_space<vmem>>[vector<16xi32>, vector<16xi32>], vector<16xf32>,
        tpu.vector_store_idx %arg8[%and3A_56, %add3A_504], %gather3A_534 : memref<32x128xf32, #tpu.memory_space<vmem>>[vector<16xi32>, vector<16xi32>], vector<16xf32>,
        %add3A_535 = arith.constant 16 : i32
        %add3A_536 = vector.broadcast %add3A_535 : i32 to vector<16xi32>
        %add3A_537 = arith.addi %and3A_56, %add3A_536 : vector<16xi32>
        %gather3A_538 = tpu.vector_load_idx %arg6[%add3A_504, %add3A_537] : memref<128x32xf32, #tpu.memory_space<vmem>>[vector<16xi32>, vector<16xi32>], vector<16xf32>,
        tpu.vector_store_idx %arg8[%add3A_537, %add3A_504], %gather3A_538 : memref<32x128xf32, #tpu.memory_space<vmem>>[vector<16xi32>, vector<16xi32>], vector<16xf32>,
        %gather3A_539 = tpu.vector_load_idx %arg6[%add3A_504, %and3A_62] : memref<128x32xf32, #tpu.memory_space<vmem>>[vector<16xi32>, vector<16xi32>], vector<16xf32>,
        tpu.vector_store_idx %arg8[%and3A_62, %add3A_504], %gather3A_539 : memref<32x128xf32, #tpu.memory_space<vmem>>[vector<16xi32>, vector<16xi32>], vector<16xf32>,
        %add3A_540 = arith.constant 16 : i32
        %add3A_541 = vector.broadcast %add3A_540 : i32 to vector<16xi32>
        %add3A_542 = arith.addi %and3A_62, %add3A_541 : vector<16xi32>
        %gather3A_543 = tpu.vector_load_idx %arg6[%add3A_504, %add3A_542] : memref<128x32xf32, #tpu.memory_space<vmem>>[vector<16xi32>, vector<16xi32>], vector<16xf32>,
        tpu.vector_store_idx %arg8[%add3A_542, %add3A_504], %gather3A_543 : memref<32x128xf32, #tpu.memory_space<vmem>>[vector<16xi32>, vector<16xi32>], vector<16xf32>,
        %gather3A_544 = tpu.vector_load_idx %arg6[%add3A_504, %and3A_68] : memref<128x32xf32, #tpu.memory_space<vmem>>[vector<16xi32>, vector<16xi32>], vector<16xf32>,
        tpu.vector_store_idx %arg8[%and3A_68, %add3A_504], %gather3A_544 : memref<32x128xf32, #tpu.memory_space<vmem>>[vector<16xi32>, vector<16xi32>], vector<16xf32>,
        %add3A_545 = arith.constant 16 : i32
        %add3A_546 = vector.broadcast %add3A_545 : i32 to vector<16xi32>
        %add3A_547 = arith.addi %and3A_68, %add3A_546 : vector<16xi32>
        %gather3A_548 = tpu.vector_load_idx %arg6[%add3A_504, %add3A_547] : memref<128x32xf32, #tpu.memory_space<vmem>>[vector<16xi32>, vector<16xi32>], vector<16xf32>,
        tpu.vector_store_idx %arg8[%add3A_547, %add3A_504], %gather3A_548 : memref<32x128xf32, #tpu.memory_space<vmem>>[vector<16xi32>, vector<16xi32>], vector<16xf32>,
        %gather3A_549 = tpu.vector_load_idx %arg6[%add3A_504, %and3A_74] : memref<128x32xf32, #tpu.memory_space<vmem>>[vector<16xi32>, vector<16xi32>], vector<16xf32>,
        tpu.vector_store_idx %arg8[%and3A_74, %add3A_504], %gather3A_549 : memref<32x128xf32, #tpu.memory_space<vmem>>[vector<16xi32>, vector<16xi32>], vector<16xf32>,
        %add3A_550 = arith.constant 16 : i32
        %add3A_551 = vector.broadcast %add3A_550 : i32 to vector<16xi32>
        %add3A_552 = arith.addi %and3A_74, %add3A_551 : vector<16xi32>
        %gather3A_553 = tpu.vector_load_idx %arg6[%add3A_504, %add3A_552] : memref<128x32xf32, #tpu.memory_space<vmem>>[vector<16xi32>, vector<16xi32>], vector<16xf32>,
        tpu.vector_store_idx %arg8[%add3A_552, %add3A_504], %gather3A_553 : memref<32x128xf32, #tpu.memory_space<vmem>>[vector<16xi32>, vector<16xi32>], vector<16xf32>,
        %gather3A_554 = tpu.vector_load_idx %arg6[%add3A_504, %and3A_80] : memref<128x32xf32, #tpu.memory_space<vmem>>[vector<16xi32>, vector<16xi32>], vector<16xf32>,
        tpu.vector_store_idx %arg8[%and3A_80, %add3A_504], %gather3A_554 : memref<32x128xf32, #tpu.memory_space<vmem>>[vector<16xi32>, vector<16xi32>], vector<16xf32>,
        %add3A_555 = arith.constant 16 : i32
        %add3A_556 = vector.broadcast %add3A_555 : i32 to vector<16xi32>
        %add3A_557 = arith.addi %and3A_80, %add3A_556 : vector<16xi32>
        %gather3A_558 = tpu.vector_load_idx %arg6[%add3A_504, %add3A_557] : memref<128x32xf32, #tpu.memory_space<vmem>>[vector<16xi32>, vector<16xi32>], vector<16xf32>,
        tpu.vector_store_idx %arg8[%add3A_557, %add3A_504], %gather3A_558 : memref<32x128xf32, #tpu.memory_space<vmem>>[vector<16xi32>, vector<16xi32>], vector<16xf32>,
        %gather3A_559 = tpu.vector_load_idx %arg6[%add3A_504, %and3A_86] : memref<128x32xf32, #tpu.memory_space<vmem>>[vector<16xi32>, vector<16xi32>], vector<16xf32>,
        tpu.vector_store_idx %arg8[%and3A_86, %add3A_504], %gather3A_559 : memref<32x128xf32, #tpu.memory_space<vmem>>[vector<16xi32>, vector<16xi32>], vector<16xf32>,
        %add3A_560 = arith.constant 16 : i32
        %add3A_561 = vector.broadcast %add3A_560 : i32 to vector<16xi32>
        %add3A_562 = arith.addi %and3A_86, %add3A_561 : vector<16xi32>
        %gather3A_563 = tpu.vector_load_idx %arg6[%add3A_504, %add3A_562] : memref<128x32xf32, #tpu.memory_space<vmem>>[vector<16xi32>, vector<16xi32>], vector<16xf32>,
        tpu.vector_store_idx %arg8[%add3A_562, %add3A_504], %gather3A_563 : memref<32x128xf32, #tpu.memory_space<vmem>>[vector<16xi32>, vector<16xi32>], vector<16xf32>,
        %gather3A_564 = tpu.vector_load_idx %arg6[%add3A_504, %and3A_92] : memref<128x32xf32, #tpu.memory_space<vmem>>[vector<16xi32>, vector<16xi32>], vector<16xf32>,
        tpu.vector_store_idx %arg8[%and3A_92, %add3A_504], %gather3A_564 : memref<32x128xf32, #tpu.memory_space<vmem>>[vector<16xi32>, vector<16xi32>], vector<16xf32>,
        %add3A_565 = arith.constant 16 : i32
        %add3A_566 = vector.broadcast %add3A_565 : i32 to vector<16xi32>
        %add3A_567 = arith.addi %and3A_92, %add3A_566 : vector<16xi32>
        %gather3A_568 = tpu.vector_load_idx %arg6[%add3A_504, %add3A_567] : memref<128x32xf32, #tpu.memory_space<vmem>>[vector<16xi32>, vector<16xi32>], vector<16xf32>,
        tpu.vector_store_idx %arg8[%add3A_567, %add3A_504], %gather3A_568 : memref<32x128xf32, #tpu.memory_space<vmem>>[vector<16xi32>, vector<16xi32>], vector<16xf32>,
        %gather3A_569 = tpu.vector_load_idx %arg6[%add3A_504, %and3A_98] : memref<128x32xf32, #tpu.memory_space<vmem>>[vector<16xi32>, vector<16xi32>], vector<16xf32>,
        tpu.vector_store_idx %arg8[%and3A_98, %add3A_504], %gather3A_569 : memref<32x128xf32, #tpu.memory_space<vmem>>[vector<16xi32>, vector<16xi32>], vector<16xf32>,
        %add3A_570 = arith.constant 16 : i32
        %add3A_571 = vector.broadcast %add3A_570 : i32 to vector<16xi32>
        %add3A_572 = arith.addi %and3A_98, %add3A_571 : vector<16xi32>
        %gather3A_573 = tpu.vector_load_idx %arg6[%add3A_504, %add3A_572] : memref<128x32xf32, #tpu.memory_space<vmem>>[vector<16xi32>, vector<16xi32>], vector<16xf32>,
        tpu.vector_store_idx %arg8[%add3A_572, %add3A_504], %gather3A_573 : memref<32x128xf32, #tpu.memory_space<vmem>>[vector<16xi32>, vector<16xi32>], vector<16xf32>,
        %gather3A_574 = tpu.vector_load_idx %arg6[%add3A_504, %and3A_104] : memref<128x32xf32, #tpu.memory_space<vmem>>[vector<16xi32>, vector<16xi32>], vector<16xf32>,
        tpu.vector_store_idx %arg8[%and3A_104, %add3A_504], %gather3A_574 : memref<32x128xf32, #tpu.memory_space<vmem>>[vector<16xi32>, vector<16xi32>], vector<16xf32>,
        %add3A_575 = arith.constant 16 : i32
        %add3A_576 = vector.broadcast %add3A_575 : i32 to vector<16xi32>
        %add3A_577 = arith.addi %and3A_104, %add3A_576 : vector<16xi32>
        %gather3A_578 = tpu.vector_load_idx %arg6[%add3A_504, %add3A_577] : memref<128x32xf32, #tpu.memory_space<vmem>>[vector<16xi32>, vector<16xi32>], vector<16xf32>,
        tpu.vector_store_idx %arg8[%add3A_577, %add3A_504], %gather3A_578 : memref<32x128xf32, #tpu.memory_space<vmem>>[vector<16xi32>, vector<16xi32>], vector<16xf32>,
        %gather3A_579 = tpu.vector_load_idx %arg6[%add3A_504, %and3A_110] : memref<128x32xf32, #tpu.memory_space<vmem>>[vector<16xi32>, vector<16xi32>], vector<16xf32>,
        tpu.vector_store_idx %arg8[%and3A_110, %add3A_504], %gather3A_579 : memref<32x128xf32, #tpu.memory_space<vmem>>[vector<16xi32>, vector<16xi32>], vector<16xf32>,
        %add3A_580 = arith.constant 16 : i32
        %add3A_581 = vector.broadcast %add3A_580 : i32 to vector<16xi32>
        %add3A_582 = arith.addi %and3A_110, %add3A_581 : vector<16xi32>
        %gather3A_583 = tpu.vector_load_idx %arg6[%add3A_504, %add3A_582] : memref<128x32xf32, #tpu.memory_space<vmem>>[vector<16xi32>, vector<16xi32>], vector<16xf32>,
        tpu.vector_store_idx %arg8[%add3A_582, %add3A_504], %gather3A_583 : memref<32x128xf32, #tpu.memory_space<vmem>>[vector<16xi32>, vector<16xi32>], vector<16xf32>,
        %scan3A_584 = arith.constant 0 : i32
        %scan3A_585 = arith.constant 1 : i32
        %scan3A_586 = arith.addi %scan3A_499, %scan3A_585 : i32
        %mul3A_587 = arith.constant 16 : i32
        %mul3A_588 = arith.muli %scan3A_586, %mul3A_587 : i32
        %add3A_589 = vector.broadcast %mul3A_588 : i32 to vector<16xi32>
        %add3A_590 = arith.addi %iota3A, %add3A_589 : vector<16xi32>
        %gather3A_591 = tpu.vector_load_idx %arg6[%add3A_590, %and3A_20] : memref<128x32xf32, #tpu.memory_space<vmem>>[vector<16xi32>, vector<16xi32>], vector<16xf32>,
        tpu.vector_store_idx %arg8[%and3A_20, %add3A_590], %gather3A_591 : memref<32x128xf32, #tpu.memory_space<vmem>>[vector<16xi32>, vector<16xi32>], vector<16xf32>,
        %add3A_592 = arith.constant 16 : i32
        %add3A_593 = vector.broadcast %add3A_592 : i32 to vector<16xi32>
        %add3A_594 = arith.addi %and3A_20, %add3A_593 : vector<16xi32>
        %gather3A_595 = tpu.vector_load_idx %arg6[%add3A_590, %add3A_594] : memref<128x32xf32, #tpu.memory_space<vmem>>[vector<16xi32>, vector<16xi32>], vector<16xf32>,
        tpu.vector_store_idx %arg8[%add3A_594, %add3A_590], %gather3A_595 : memref<32x128xf32, #tpu.memory_space<vmem>>[vector<16xi32>, vector<16xi32>], vector<16xf32>,
        %gather3A_596 = tpu.vector_load_idx %arg6[%add3A_590, %and3A_26] : memref<128x32xf32, #tpu.memory_space<vmem>>[vector<16xi32>, vector<16xi32>], vector<16xf32>,
        tpu.vector_store_idx %arg8[%and3A_26, %add3A_590], %gather3A_596 : memref<32x128xf32, #tpu.memory_space<vmem>>[vector<16xi32>, vector<16xi32>], vector<16xf32>,
        %add3A_597 = arith.constant 16 : i32
        %add3A_598 = vector.broadcast %add3A_597 : i32 to vector<16xi32>
        %add3A_599 = arith.addi %and3A_26, %add3A_598 : vector<16xi32>
        %gather3A_600 = tpu.vector_load_idx %arg6[%add3A_590, %add3A_599] : memref<128x32xf32, #tpu.memory_space<vmem>>[vector<16xi32>, vector<16xi32>], vector<16xf32>,
        tpu.vector_store_idx %arg8[%add3A_599, %add3A_590], %gather3A_600 : memref<32x128xf32, #tpu.memory_space<vmem>>[vector<16xi32>, vector<16xi32>], vector<16xf32>,
        %gather3A_601 = tpu.vector_load_idx %arg6[%add3A_590, %and3A_32] : memref<128x32xf32, #tpu.memory_space<vmem>>[vector<16xi32>, vector<16xi32>], vector<16xf32>,
        tpu.vector_store_idx %arg8[%and3A_32, %add3A_590], %gather3A_601 : memref<32x128xf32, #tpu.memory_space<vmem>>[vector<16xi32>, vector<16xi32>], vector<16xf32>,
        %add3A_602 = arith.constant 16 : i32
        %add3A_603 = vector.broadcast %add3A_602 : i32 to vector<16xi32>
        %add3A_604 = arith.addi %and3A_32, %add3A_603 : vector<16xi32>
        %gather3A_605 = tpu.vector_load_idx %arg6[%add3A_590, %add3A_604] : memref<128x32xf32, #tpu.memory_space<vmem>>[vector<16xi32>, vector<16xi32>], vector<16xf32>,
        tpu.vector_store_idx %arg8[%add3A_604, %add3A_590], %gather3A_605 : memref<32x128xf32, #tpu.memory_space<vmem>>[vector<16xi32>, vector<16xi32>], vector<16xf32>,
        %gather3A_606 = tpu.vector_load_idx %arg6[%add3A_590, %and3A_38] : memref<128x32xf32, #tpu.memory_space<vmem>>[vector<16xi32>, vector<16xi32>], vector<16xf32>,
        tpu.vector_store_idx %arg8[%and3A_38, %add3A_590], %gather3A_606 : memref<32x128xf32, #tpu.memory_space<vmem>>[vector<16xi32>, vector<16xi32>], vector<16xf32>,
        %add3A_607 = arith.constant 16 : i32
        %add3A_608 = vector.broadcast %add3A_607 : i32 to vector<16xi32>
        %add3A_609 = arith.addi %and3A_38, %add3A_608 : vector<16xi32>
        %gather3A_610 = tpu.vector_load_idx %arg6[%add3A_590, %add3A_609] : memref<128x32xf32, #tpu.memory_space<vmem>>[vector<16xi32>, vector<16xi32>], vector<16xf32>,
        tpu.vector_store_idx %arg8[%add3A_609, %add3A_590], %gather3A_610 : memref<32x128xf32, #tpu.memory_space<vmem>>[vector<16xi32>, vector<16xi32>], vector<16xf32>,
        %gather3A_611 = tpu.vector_load_idx %arg6[%add3A_590, %and3A_44] : memref<128x32xf32, #tpu.memory_space<vmem>>[vector<16xi32>, vector<16xi32>], vector<16xf32>,
        tpu.vector_store_idx %arg8[%and3A_44, %add3A_590], %gather3A_611 : memref<32x128xf32, #tpu.memory_space<vmem>>[vector<16xi32>, vector<16xi32>], vector<16xf32>,
        %add3A_612 = arith.constant 16 : i32
        %add3A_613 = vector.broadcast %add3A_612 : i32 to vector<16xi32>
        %add3A_614 = arith.addi %and3A_44, %add3A_613 : vector<16xi32>
        %gather3A_615 = tpu.vector_load_idx %arg6[%add3A_590, %add3A_614] : memref<128x32xf32, #tpu.memory_space<vmem>>[vector<16xi32>, vector<16xi32>], vector<16xf32>,
        tpu.vector_store_idx %arg8[%add3A_614, %add3A_590], %gather3A_615 : memref<32x128xf32, #tpu.memory_space<vmem>>[vector<16xi32>, vector<16xi32>], vector<16xf32>,
        %gather3A_616 = tpu.vector_load_idx %arg6[%add3A_590, %and3A_50] : memref<128x32xf32, #tpu.memory_space<vmem>>[vector<16xi32>, vector<16xi32>], vector<16xf32>,
        tpu.vector_store_idx %arg8[%and3A_50, %add3A_590], %gather3A_616 : memref<32x128xf32, #tpu.memory_space<vmem>>[vector<16xi32>, vector<16xi32>], vector<16xf32>,
        %add3A_617 = arith.constant 16 : i32
        %add3A_618 = vector.broadcast %add3A_617 : i32 to vector<16xi32>
        %add3A_619 = arith.addi %and3A_50, %add3A_618 : vector<16xi32>
        %gather3A_620 = tpu.vector_load_idx %arg6[%add3A_590, %add3A_619] : memref<128x32xf32, #tpu.memory_space<vmem>>[vector<16xi32>, vector<16xi32>], vector<16xf32>,
        tpu.vector_store_idx %arg8[%add3A_619, %add3A_590], %gather3A_620 : memref<32x128xf32, #tpu.memory_space<vmem>>[vector<16xi32>, vector<16xi32>], vector<16xf32>,
        %gather3A_621 = tpu.vector_load_idx %arg6[%add3A_590, %and3A_56] : memref<128x32xf32, #tpu.memory_space<vmem>>[vector<16xi32>, vector<16xi32>], vector<16xf32>,
        tpu.vector_store_idx %arg8[%and3A_56, %add3A_590], %gather3A_621 : memref<32x128xf32, #tpu.memory_space<vmem>>[vector<16xi32>, vector<16xi32>], vector<16xf32>,
        %add3A_622 = arith.constant 16 : i32
        %add3A_623 = vector.broadcast %add3A_622 : i32 to vector<16xi32>
        %add3A_624 = arith.addi %and3A_56, %add3A_623 : vector<16xi32>
        %gather3A_625 = tpu.vector_load_idx %arg6[%add3A_590, %add3A_624] : memref<128x32xf32, #tpu.memory_space<vmem>>[vector<16xi32>, vector<16xi32>], vector<16xf32>,
        tpu.vector_store_idx %arg8[%add3A_624, %add3A_590], %gather3A_625 : memref<32x128xf32, #tpu.memory_space<vmem>>[vector<16xi32>, vector<16xi32>], vector<16xf32>,
        %gather3A_626 = tpu.vector_load_idx %arg6[%add3A_590, %and3A_62] : memref<128x32xf32, #tpu.memory_space<vmem>>[vector<16xi32>, vector<16xi32>], vector<16xf32>,
        tpu.vector_store_idx %arg8[%and3A_62, %add3A_590], %gather3A_626 : memref<32x128xf32, #tpu.memory_space<vmem>>[vector<16xi32>, vector<16xi32>], vector<16xf32>,
        %add3A_627 = arith.constant 16 : i32
        %add3A_628 = vector.broadcast %add3A_627 : i32 to vector<16xi32>
        %add3A_629 = arith.addi %and3A_62, %add3A_628 : vector<16xi32>
        %gather3A_630 = tpu.vector_load_idx %arg6[%add3A_590, %add3A_629] : memref<128x32xf32, #tpu.memory_space<vmem>>[vector<16xi32>, vector<16xi32>], vector<16xf32>,
        tpu.vector_store_idx %arg8[%add3A_629, %add3A_590], %gather3A_630 : memref<32x128xf32, #tpu.memory_space<vmem>>[vector<16xi32>, vector<16xi32>], vector<16xf32>,
        %gather3A_631 = tpu.vector_load_idx %arg6[%add3A_590, %and3A_68] : memref<128x32xf32, #tpu.memory_space<vmem>>[vector<16xi32>, vector<16xi32>], vector<16xf32>,
        tpu.vector_store_idx %arg8[%and3A_68, %add3A_590], %gather3A_631 : memref<32x128xf32, #tpu.memory_space<vmem>>[vector<16xi32>, vector<16xi32>], vector<16xf32>,
        %add3A_632 = arith.constant 16 : i32
        %add3A_633 = vector.broadcast %add3A_632 : i32 to vector<16xi32>
        %add3A_634 = arith.addi %and3A_68, %add3A_633 : vector<16xi32>
        %gather3A_635 = tpu.vector_load_idx %arg6[%add3A_590, %add3A_634] : memref<128x32xf32, #tpu.memory_space<vmem>>[vector<16xi32>, vector<16xi32>], vector<16xf32>,
        tpu.vector_store_idx %arg8[%add3A_634, %add3A_590], %gather3A_635 : memref<32x128xf32, #tpu.memory_space<vmem>>[vector<16xi32>, vector<16xi32>], vector<16xf32>,
        %gather3A_636 = tpu.vector_load_idx %arg6[%add3A_590, %and3A_74] : memref<128x32xf32, #tpu.memory_space<vmem>>[vector<16xi32>, vector<16xi32>], vector<16xf32>,
        tpu.vector_store_idx %arg8[%and3A_74, %add3A_590], %gather3A_636 : memref<32x128xf32, #tpu.memory_space<vmem>>[vector<16xi32>, vector<16xi32>], vector<16xf32>,
        %add3A_637 = arith.constant 16 : i32
        %add3A_638 = vector.broadcast %add3A_637 : i32 to vector<16xi32>
        %add3A_639 = arith.addi %and3A_74, %add3A_638 : vector<16xi32>
        %gather3A_640 = tpu.vector_load_idx %arg6[%add3A_590, %add3A_639] : memref<128x32xf32, #tpu.memory_space<vmem>>[vector<16xi32>, vector<16xi32>], vector<16xf32>,
        tpu.vector_store_idx %arg8[%add3A_639, %add3A_590], %gather3A_640 : memref<32x128xf32, #tpu.memory_space<vmem>>[vector<16xi32>, vector<16xi32>], vector<16xf32>,
        %gather3A_641 = tpu.vector_load_idx %arg6[%add3A_590, %and3A_80] : memref<128x32xf32, #tpu.memory_space<vmem>>[vector<16xi32>, vector<16xi32>], vector<16xf32>,
        tpu.vector_store_idx %arg8[%and3A_80, %add3A_590], %gather3A_641 : memref<32x128xf32, #tpu.memory_space<vmem>>[vector<16xi32>, vector<16xi32>], vector<16xf32>,
        %add3A_642 = arith.constant 16 : i32
        %add3A_643 = vector.broadcast %add3A_642 : i32 to vector<16xi32>
        %add3A_644 = arith.addi %and3A_80, %add3A_643 : vector<16xi32>
        %gather3A_645 = tpu.vector_load_idx %arg6[%add3A_590, %add3A_644] : memref<128x32xf32, #tpu.memory_space<vmem>>[vector<16xi32>, vector<16xi32>], vector<16xf32>,
        tpu.vector_store_idx %arg8[%add3A_644, %add3A_590], %gather3A_645 : memref<32x128xf32, #tpu.memory_space<vmem>>[vector<16xi32>, vector<16xi32>], vector<16xf32>,
        %gather3A_646 = tpu.vector_load_idx %arg6[%add3A_590, %and3A_86] : memref<128x32xf32, #tpu.memory_space<vmem>>[vector<16xi32>, vector<16xi32>], vector<16xf32>,
        tpu.vector_store_idx %arg8[%and3A_86, %add3A_590], %gather3A_646 : memref<32x128xf32, #tpu.memory_space<vmem>>[vector<16xi32>, vector<16xi32>], vector<16xf32>,
        %add3A_647 = arith.constant 16 : i32
        %add3A_648 = vector.broadcast %add3A_647 : i32 to vector<16xi32>
        %add3A_649 = arith.addi %and3A_86, %add3A_648 : vector<16xi32>
        %gather3A_650 = tpu.vector_load_idx %arg6[%add3A_590, %add3A_649] : memref<128x32xf32, #tpu.memory_space<vmem>>[vector<16xi32>, vector<16xi32>], vector<16xf32>,
        tpu.vector_store_idx %arg8[%add3A_649, %add3A_590], %gather3A_650 : memref<32x128xf32, #tpu.memory_space<vmem>>[vector<16xi32>, vector<16xi32>], vector<16xf32>,
        %gather3A_651 = tpu.vector_load_idx %arg6[%add3A_590, %and3A_92] : memref<128x32xf32, #tpu.memory_space<vmem>>[vector<16xi32>, vector<16xi32>], vector<16xf32>,
        tpu.vector_store_idx %arg8[%and3A_92, %add3A_590], %gather3A_651 : memref<32x128xf32, #tpu.memory_space<vmem>>[vector<16xi32>, vector<16xi32>], vector<16xf32>,
        %add3A_652 = arith.constant 16 : i32
        %add3A_653 = vector.broadcast %add3A_652 : i32 to vector<16xi32>
        %add3A_654 = arith.addi %and3A_92, %add3A_653 : vector<16xi32>
        %gather3A_655 = tpu.vector_load_idx %arg6[%add3A_590, %add3A_654] : memref<128x32xf32, #tpu.memory_space<vmem>>[vector<16xi32>, vector<16xi32>], vector<16xf32>,
        tpu.vector_store_idx %arg8[%add3A_654, %add3A_590], %gather3A_655 : memref<32x128xf32, #tpu.memory_space<vmem>>[vector<16xi32>, vector<16xi32>], vector<16xf32>,
        %gather3A_656 = tpu.vector_load_idx %arg6[%add3A_590, %and3A_98] : memref<128x32xf32, #tpu.memory_space<vmem>>[vector<16xi32>, vector<16xi32>], vector<16xf32>,
        tpu.vector_store_idx %arg8[%and3A_98, %add3A_590], %gather3A_656 : memref<32x128xf32, #tpu.memory_space<vmem>>[vector<16xi32>, vector<16xi32>], vector<16xf32>,
        %add3A_657 = arith.constant 16 : i32
        %add3A_658 = vector.broadcast %add3A_657 : i32 to vector<16xi32>
        %add3A_659 = arith.addi %and3A_98, %add3A_658 : vector<16xi32>
        %gather3A_660 = tpu.vector_load_idx %arg6[%add3A_590, %add3A_659] : memref<128x32xf32, #tpu.memory_space<vmem>>[vector<16xi32>, vector<16xi32>], vector<16xf32>,
        tpu.vector_store_idx %arg8[%add3A_659, %add3A_590], %gather3A_660 : memref<32x128xf32, #tpu.memory_space<vmem>>[vector<16xi32>, vector<16xi32>], vector<16xf32>,
        %gather3A_661 = tpu.vector_load_idx %arg6[%add3A_590, %and3A_104] : memref<128x32xf32, #tpu.memory_space<vmem>>[vector<16xi32>, vector<16xi32>], vector<16xf32>,
        tpu.vector_store_idx %arg8[%and3A_104, %add3A_590], %gather3A_661 : memref<32x128xf32, #tpu.memory_space<vmem>>[vector<16xi32>, vector<16xi32>], vector<16xf32>,
        %add3A_662 = arith.constant 16 : i32
        %add3A_663 = vector.broadcast %add3A_662 : i32 to vector<16xi32>
        %add3A_664 = arith.addi %and3A_104, %add3A_663 : vector<16xi32>
        %gather3A_665 = tpu.vector_load_idx %arg6[%add3A_590, %add3A_664] : memref<128x32xf32, #tpu.memory_space<vmem>>[vector<16xi32>, vector<16xi32>], vector<16xf32>,
        tpu.vector_store_idx %arg8[%add3A_664, %add3A_590], %gather3A_665 : memref<32x128xf32, #tpu.memory_space<vmem>>[vector<16xi32>, vector<16xi32>], vector<16xf32>,
        %gather3A_666 = tpu.vector_load_idx %arg6[%add3A_590, %and3A_110] : memref<128x32xf32, #tpu.memory_space<vmem>>[vector<16xi32>, vector<16xi32>], vector<16xf32>,
        tpu.vector_store_idx %arg8[%and3A_110, %add3A_590], %gather3A_666 : memref<32x128xf32, #tpu.memory_space<vmem>>[vector<16xi32>, vector<16xi32>], vector<16xf32>,
        %add3A_667 = arith.constant 16 : i32
        %add3A_668 = vector.broadcast %add3A_667 : i32 to vector<16xi32>
        %add3A_669 = arith.addi %and3A_110, %add3A_668 : vector<16xi32>
        %gather3A_670 = tpu.vector_load_idx %arg6[%add3A_590, %add3A_669] : memref<128x32xf32, #tpu.memory_space<vmem>>[vector<16xi32>, vector<16xi32>], vector<16xf32>,
        tpu.vector_store_idx %arg8[%add3A_669, %add3A_590], %gather3A_670 : memref<32x128xf32, #tpu.memory_space<vmem>>[vector<16xi32>, vector<16xi32>], vector<16xf32>,
        %scan3A_671 = arith.constant 0 : i32
        scf.yield %scan3A_671 : i32
      }
      %scan3A_309 = arith.constant 8 : i32
      %dma_start3A_310 = arith.constant 0 : i32
      %dma_start3A_311 = arith.constant 0 : i32
      %dma_start3A_312 = arith.constant 0 : i32
      %dma_start3A_313 = tpu.memref_slice %arg8[%dma_start3A_311, %dma_start3A_312] : memref<32x128xf32, #tpu.memory_space<vmem>> -> memref<8x128xf32, #tpu.memory_space<vmem>>
      %dma_start3A_314 = arith.constant 0 : i32
      %dma_start3A_315 = arith.constant 0 : i32
      %dma_start3A_316 = tpu.memref_slice %arg4[%select_n3A, %dma_start3A_310, %add3A_286, %dma_start3A_314, %dma_start3A_315] : memref<50x4x128x8x128xf32, #tpu.memory_space<hbm>> -> memref<1x1x1x8x128xf32, #tpu.memory_space<hbm>>
      %dma_start3A_317 = tpu.memref_squeeze %dma_start3A_316 : memref<1x1x1x8x128xf32, #tpu.memory_space<hbm>> -> memref<8x128xf32, #tpu.memory_space<hbm>>
      %dma_start3A_318 = arith.constant 0 : i32
      %dma_start3A_319 = arith.constant 0 : i32
      %dma_start3A_320 = tpu.memref_slice %arg4[%select_n3A, %dma_start3A_310, %add3A_286, %dma_start3A_318, %dma_start3A_319] : memref<50x4x128x8x128xf32, #tpu.memory_space<hbm>> -> memref<1x1x1x8x128xf32, #tpu.memory_space<hbm>>
      %dma_start3A_321 = tpu.memref_squeeze %dma_start3A_320 : memref<1x1x1x8x128xf32, #tpu.memory_space<hbm>> -> memref<8x128xf32, #tpu.memory_space<hbm>>
      %dma_start3A_322 = arith.constant 0 : i32
      %dma_start3A_323 = arith.constant 0 : i32
      %dma_start3A_324 = tpu.memref_slice %arg8[%dma_start3A_322, %dma_start3A_323] : memref<32x128xf32, #tpu.memory_space<vmem>> -> memref<8x128xf32, #tpu.memory_space<vmem>>
      tpu.enqueue_dma source(%dma_start3A_324 : memref<8x128xf32, #tpu.memory_space<vmem>>) target(%dma_start3A_321 : memref<8x128xf32, #tpu.memory_space<hbm>>) target_semaphore(%arg13 : memref<!tpu.dma_semaphore, #tpu.memory_space<semaphore_mem>>)
      %dma_start3A_325 = arith.constant 1 : i32
      %dma_start3A_326 = arith.constant 8 : i32
      %dma_start3A_327 = arith.constant 0 : i32
      %dma_start3A_328 = tpu.memref_slice %arg8[%dma_start3A_326, %dma_start3A_327] : memref<32x128xf32, #tpu.memory_space<vmem>> -> memref<8x128xf32, #tpu.memory_space<vmem>>
      %dma_start3A_329 = arith.constant 0 : i32
      %dma_start3A_330 = arith.constant 0 : i32
      %dma_start3A_331 = tpu.memref_slice %arg4[%select_n3A, %dma_start3A_325, %add3A_286, %dma_start3A_329, %dma_start3A_330] : memref<50x4x128x8x128xf32, #tpu.memory_space<hbm>> -> memref<1x1x1x8x128xf32, #tpu.memory_space<hbm>>
      %dma_start3A_332 = tpu.memref_squeeze %dma_start3A_331 : memref<1x1x1x8x128xf32, #tpu.memory_space<hbm>> -> memref<8x128xf32, #tpu.memory_space<hbm>>
      %dma_start3A_333 = arith.constant 0 : i32
      %dma_start3A_334 = arith.constant 0 : i32
      %dma_start3A_335 = tpu.memref_slice %arg4[%select_n3A, %dma_start3A_325, %add3A_286, %dma_start3A_333, %dma_start3A_334] : memref<50x4x128x8x128xf32, #tpu.memory_space<hbm>> -> memref<1x1x1x8x128xf32, #tpu.memory_space<hbm>>
      %dma_start3A_336 = tpu.memref_squeeze %dma_start3A_335 : memref<1x1x1x8x128xf32, #tpu.memory_space<hbm>> -> memref<8x128xf32, #tpu.memory_space<hbm>>
      %dma_start3A_337 = arith.constant 8 : i32
      %dma_start3A_338 = arith.constant 0 : i32
      %dma_start3A_339 = tpu.memref_slice %arg8[%dma_start3A_337, %dma_start3A_338] : memref<32x128xf32, #tpu.memory_space<vmem>> -> memref<8x128xf32, #tpu.memory_space<vmem>>
      tpu.enqueue_dma source(%dma_start3A_339 : memref<8x128xf32, #tpu.memory_space<vmem>>) target(%dma_start3A_336 : memref<8x128xf32, #tpu.memory_space<hbm>>) target_semaphore(%arg13 : memref<!tpu.dma_semaphore, #tpu.memory_space<semaphore_mem>>)
      %dma_start3A_340 = arith.constant 2 : i32
      %dma_start3A_341 = arith.constant 16 : i32
      %dma_start3A_342 = arith.constant 0 : i32
      %dma_start3A_343 = tpu.memref_slice %arg8[%dma_start3A_341, %dma_start3A_342] : memref<32x128xf32, #tpu.memory_space<vmem>> -> memref<8x128xf32, #tpu.memory_space<vmem>>
      %dma_start3A_344 = arith.constant 0 : i32
      %dma_start3A_345 = arith.constant 0 : i32
      %dma_start3A_346 = tpu.memref_slice %arg4[%select_n3A, %dma_start3A_340, %add3A_286, %dma_start3A_344, %dma_start3A_345] : memref<50x4x128x8x128xf32, #tpu.memory_space<hbm>> -> memref<1x1x1x8x128xf32, #tpu.memory_space<hbm>>
      %dma_start3A_347 = tpu.memref_squeeze %dma_start3A_346 : memref<1x1x1x8x128xf32, #tpu.memory_space<hbm>> -> memref<8x128xf32, #tpu.memory_space<hbm>>
      %dma_start3A_348 = arith.constant 0 : i32
      %dma_start3A_349 = arith.constant 0 : i32
      %dma_start3A_350 = tpu.memref_slice %arg4[%select_n3A, %dma_start3A_340, %add3A_286, %dma_start3A_348, %dma_start3A_349] : memref<50x4x128x8x128xf32, #tpu.memory_space<hbm>> -> memref<1x1x1x8x128xf32, #tpu.memory_space<hbm>>
      %dma_start3A_351 = tpu.memref_squeeze %dma_start3A_350 : memref<1x1x1x8x128xf32, #tpu.memory_space<hbm>> -> memref<8x128xf32, #tpu.memory_space<hbm>>
      %dma_start3A_352 = arith.constant 16 : i32
      %dma_start3A_353 = arith.constant 0 : i32
      %dma_start3A_354 = tpu.memref_slice %arg8[%dma_start3A_352, %dma_start3A_353] : memref<32x128xf32, #tpu.memory_space<vmem>> -> memref<8x128xf32, #tpu.memory_space<vmem>>
      tpu.enqueue_dma source(%dma_start3A_354 : memref<8x128xf32, #tpu.memory_space<vmem>>) target(%dma_start3A_351 : memref<8x128xf32, #tpu.memory_space<hbm>>) target_semaphore(%arg13 : memref<!tpu.dma_semaphore, #tpu.memory_space<semaphore_mem>>)
      %dma_start3A_355 = arith.constant 3 : i32
      %dma_start3A_356 = arith.constant 24 : i32
      %dma_start3A_357 = arith.constant 0 : i32
      %dma_start3A_358 = tpu.memref_slice %arg8[%dma_start3A_356, %dma_start3A_357] : memref<32x128xf32, #tpu.memory_space<vmem>> -> memref<8x128xf32, #tpu.memory_space<vmem>>
      %dma_start3A_359 = arith.constant 0 : i32
      %dma_start3A_360 = arith.constant 0 : i32
      %dma_start3A_361 = tpu.memref_slice %arg4[%select_n3A, %dma_start3A_355, %add3A_286, %dma_start3A_359, %dma_start3A_360] : memref<50x4x128x8x128xf32, #tpu.memory_space<hbm>> -> memref<1x1x1x8x128xf32, #tpu.memory_space<hbm>>
      %dma_start3A_362 = tpu.memref_squeeze %dma_start3A_361 : memref<1x1x1x8x128xf32, #tpu.memory_space<hbm>> -> memref<8x128xf32, #tpu.memory_space<hbm>>
      %dma_start3A_363 = arith.constant 0 : i32
      %dma_start3A_364 = arith.constant 0 : i32
      %dma_start3A_365 = tpu.memref_slice %arg4[%select_n3A, %dma_start3A_355, %add3A_286, %dma_start3A_363, %dma_start3A_364] : memref<50x4x128x8x128xf32, #tpu.memory_space<hbm>> -> memref<1x1x1x8x128xf32, #tpu.memory_space<hbm>>
      %dma_start3A_366 = tpu.memref_squeeze %dma_start3A_365 : memref<1x1x1x8x128xf32, #tpu.memory_space<hbm>> -> memref<8x128xf32, #tpu.memory_space<hbm>>
      %dma_start3A_367 = arith.constant 24 : i32
      %dma_start3A_368 = arith.constant 0 : i32
      %dma_start3A_369 = tpu.memref_slice %arg8[%dma_start3A_367, %dma_start3A_368] : memref<32x128xf32, #tpu.memory_space<vmem>> -> memref<8x128xf32, #tpu.memory_space<vmem>>
      tpu.enqueue_dma source(%dma_start3A_369 : memref<8x128xf32, #tpu.memory_space<vmem>>) target(%dma_start3A_366 : memref<8x128xf32, #tpu.memory_space<hbm>>) target_semaphore(%arg13 : memref<!tpu.dma_semaphore, #tpu.memory_space<semaphore_mem>>)
      %mul3A_370 = arith.constant 2 : i32
      %mul3A_371 = arith.muli %mul3A_370, %scan3A_249 : i32
      %add3A_372 = arith.constant 1 : i32
      %add3A_373 = arith.addi %mul3A_371, %add3A_372 : i32
      %jit3A_374 = arith.constant 4 : i32
      %div3A_375 = arith.divsi %add3A_373, %jit3A_374 : i32
      %sign3A_376 = arith.constant 0 : i32
      %sign3A_377 = arith.cmpi sgt, %add3A_373, %sign3A_376 : i32
      %sign3A_378 = arith.extui %sign3A_377 : i1 to i32
      %sign3A_379 = arith.constant 0 : i32
      %sign3A_380 = arith.cmpi slt, %add3A_373, %sign3A_379 : i32
      %sign3A_381 = arith.extui %sign3A_380 : i1 to i32
      %sign3A_382 = arith.subi %sign3A_378, %sign3A_381 : i32
      %sign3A_383 = arith.constant 0 : i32
      %sign3A_384 = arith.cmpi sgt, %jit3A_374, %sign3A_383 : i32
      %sign3A_385 = arith.extui %sign3A_384 : i1 to i32
      %sign3A_386 = arith.constant 0 : i32
      %sign3A_387 = arith.cmpi slt, %jit3A_374, %sign3A_386 : i32
      %sign3A_388 = arith.extui %sign3A_387 : i1 to i32
      %sign3A_389 = arith.subi %sign3A_385, %sign3A_388 : i32
      %ne3A_390 = arith.cmpi ne, %sign3A_382, %sign3A_389 : i32
      %rem3A_391 = arith.remsi %add3A_373, %jit3A_374 : i32
      %ne3A_392 = arith.constant 0 : i32
      %ne3A_393 = arith.cmpi ne, %rem3A_391, %ne3A_392 : i32
      %and3A_394 = arith.andi %ne3A_390, %ne3A_393 : i1
      %sub3A_395 = arith.constant 1 : i32
      %sub3A_396 = arith.subi %div3A_375, %sub3A_395 : i32
      %select_n3A_397 = arith.select %and3A_394, %sub3A_396, %div3A_375 : i32
      %jit3A_398 = arith.constant 4 : i32
      %eq3A_399 = arith.constant 0 : i32
      %eq3A_400 = arith.cmpi eq, %jit3A_398, %eq3A_399 : i32
      %jit3A_401 = arith.constant 1 : i32
      %select_n3A_402 = arith.select %eq3A_400, %jit3A_401, %jit3A_398 : i32
      %rem3A_403 = arith.remsi %add3A_373, %select_n3A_402 : i32
      %ne3A_404 = arith.constant 0 : i32
      %ne3A_405 = arith.cmpi ne, %rem3A_403, %ne3A_404 : i32
      %lt3A_406 = arith.constant 0 : i32
      %lt3A_407 = arith.cmpi slt, %rem3A_403, %lt3A_406 : i32
      %lt3A_408 = arith.constant 0 : i32
      %lt3A_409 = arith.cmpi slt, %select_n3A_402, %lt3A_408 : i32
      %ne3A_410 = arith.xori %lt3A_407, %lt3A_409 : i1
      %and3A_411 = arith.andi %ne3A_410, %ne3A_405 : i1
      %add3A_412 = arith.addi %rem3A_403, %select_n3A_402 : i32
      %select_n3A_413 = arith.select %and3A_411, %add3A_412, %rem3A_403 : i32
      %add3A_414 = arith.addi %mul3A_2, %select_n3A_413 : i32
      %ge3A_415 = arith.constant 1 : i32
      %ge3A_416 = arith.cmpi sge, %scan3A_249, %ge3A_415 : i32
      %convert_element_type3A_417 = arith.extui %ge3A_416 : i1 to i32
      %cond3A_418 = arith.constant 0 : i32
      %cond3A_419 = arith.cmpi ne, %convert_element_type3A_417, %cond3A_418 : i32
      scf.if %cond3A_419 {
        %dma_wait3A_499 = arith.constant 0 : i32
        %dma_wait3A_500 = arith.constant 0 : i32
        %dma_wait3A_501 = arith.constant 0 : i32
        %dma_wait3A_502 = arith.constant 0 : i32
        %dma_wait3A_503 = tpu.memref_slice %arg9[%dma_wait3A_501, %dma_wait3A_502] : memref<32x128xf32, #tpu.memory_space<vmem>> -> memref<8x128xf32, #tpu.memory_space<vmem>>
        %dma_wait3A_504 = arith.constant 0 : i32
        %dma_wait3A_505 = arith.constant 0 : i32
        %dma_wait3A_506 = tpu.memref_slice %arg4[%dma_wait3A_499, %dma_wait3A_500, %mul3A_2, %dma_wait3A_504, %dma_wait3A_505] : memref<50x4x128x8x128xf32, #tpu.memory_space<hbm>> -> memref<1x1x1x8x128xf32, #tpu.memory_space<hbm>>
        %dma_wait3A_507 = tpu.memref_squeeze %dma_wait3A_506 : memref<1x1x1x8x128xf32, #tpu.memory_space<hbm>> -> memref<8x128xf32, #tpu.memory_space<hbm>>
        %dma_wait3A_508 = arith.constant 0 : i32
        %dma_wait3A_509 = arith.constant 0 : i32
        %dma_wait3A_510 = tpu.memref_slice %arg4[%dma_wait3A_499, %dma_wait3A_500, %mul3A_2, %dma_wait3A_508, %dma_wait3A_509] : memref<50x4x128x8x128xf32, #tpu.memory_space<hbm>> -> memref<1x1x1x8x128xf32, #tpu.memory_space<hbm>>
        %dma_wait3A_511 = tpu.memref_squeeze %dma_wait3A_510 : memref<1x1x1x8x128xf32, #tpu.memory_space<hbm>> -> memref<8x128xf32, #tpu.memory_space<hbm>>
        %dma_wait3A_512 = arith.constant 0 : i32
        %dma_wait3A_513 = arith.constant 0 : i32
        %dma_wait3A_514 = tpu.memref_slice %arg9[%dma_wait3A_512, %dma_wait3A_513] : memref<32x128xf32, #tpu.memory_space<vmem>> -> memref<8x128xf32, #tpu.memory_space<vmem>>
        tpu.wait_dma2 semaphore(%arg14 : memref<!tpu.dma_semaphore, #tpu.memory_space<semaphore_mem>>) src(%dma_wait3A_514 : memref<8x128xf32, #tpu.memory_space<vmem>>) dst(%dma_wait3A_511 : memref<8x128xf32, #tpu.memory_space<hbm>>)
        %dma_wait3A_515 = arith.constant 0 : i32
        %dma_wait3A_516 = arith.constant 1 : i32
        %dma_wait3A_517 = arith.constant 8 : i32
        %dma_wait3A_518 = arith.constant 0 : i32
        %dma_wait3A_519 = tpu.memref_slice %arg9[%dma_wait3A_517, %dma_wait3A_518] : memref<32x128xf32, #tpu.memory_space<vmem>> -> memref<8x128xf32, #tpu.memory_space<vmem>>
        %dma_wait3A_520 = arith.constant 0 : i32
        %dma_wait3A_521 = arith.constant 0 : i32
        %dma_wait3A_522 = tpu.memref_slice %arg4[%dma_wait3A_515, %dma_wait3A_516, %mul3A_2, %dma_wait3A_520, %dma_wait3A_521] : memref<50x4x128x8x128xf32, #tpu.memory_space<hbm>> -> memref<1x1x1x8x128xf32, #tpu.memory_space<hbm>>
        %dma_wait3A_523 = tpu.memref_squeeze %dma_wait3A_522 : memref<1x1x1x8x128xf32, #tpu.memory_space<hbm>> -> memref<8x128xf32, #tpu.memory_space<hbm>>
        %dma_wait3A_524 = arith.constant 0 : i32
        %dma_wait3A_525 = arith.constant 0 : i32
        %dma_wait3A_526 = tpu.memref_slice %arg4[%dma_wait3A_515, %dma_wait3A_516, %mul3A_2, %dma_wait3A_524, %dma_wait3A_525] : memref<50x4x128x8x128xf32, #tpu.memory_space<hbm>> -> memref<1x1x1x8x128xf32, #tpu.memory_space<hbm>>
        %dma_wait3A_527 = tpu.memref_squeeze %dma_wait3A_526 : memref<1x1x1x8x128xf32, #tpu.memory_space<hbm>> -> memref<8x128xf32, #tpu.memory_space<hbm>>
        %dma_wait3A_528 = arith.constant 8 : i32
        %dma_wait3A_529 = arith.constant 0 : i32
        %dma_wait3A_530 = tpu.memref_slice %arg9[%dma_wait3A_528, %dma_wait3A_529] : memref<32x128xf32, #tpu.memory_space<vmem>> -> memref<8x128xf32, #tpu.memory_space<vmem>>
        tpu.wait_dma2 semaphore(%arg14 : memref<!tpu.dma_semaphore, #tpu.memory_space<semaphore_mem>>) src(%dma_wait3A_530 : memref<8x128xf32, #tpu.memory_space<vmem>>) dst(%dma_wait3A_527 : memref<8x128xf32, #tpu.memory_space<hbm>>)
        %dma_wait3A_531 = arith.constant 0 : i32
        %dma_wait3A_532 = arith.constant 2 : i32
        %dma_wait3A_533 = arith.constant 16 : i32
        %dma_wait3A_534 = arith.constant 0 : i32
        %dma_wait3A_535 = tpu.memref_slice %arg9[%dma_wait3A_533, %dma_wait3A_534] : memref<32x128xf32, #tpu.memory_space<vmem>> -> memref<8x128xf32, #tpu.memory_space<vmem>>
        %dma_wait3A_536 = arith.constant 0 : i32
        %dma_wait3A_537 = arith.constant 0 : i32
        %dma_wait3A_538 = tpu.memref_slice %arg4[%dma_wait3A_531, %dma_wait3A_532, %mul3A_2, %dma_wait3A_536, %dma_wait3A_537] : memref<50x4x128x8x128xf32, #tpu.memory_space<hbm>> -> memref<1x1x1x8x128xf32, #tpu.memory_space<hbm>>
        %dma_wait3A_539 = tpu.memref_squeeze %dma_wait3A_538 : memref<1x1x1x8x128xf32, #tpu.memory_space<hbm>> -> memref<8x128xf32, #tpu.memory_space<hbm>>
        %dma_wait3A_540 = arith.constant 0 : i32
        %dma_wait3A_541 = arith.constant 0 : i32
        %dma_wait3A_542 = tpu.memref_slice %arg4[%dma_wait3A_531, %dma_wait3A_532, %mul3A_2, %dma_wait3A_540, %dma_wait3A_541] : memref<50x4x128x8x128xf32, #tpu.memory_space<hbm>> -> memref<1x1x1x8x128xf32, #tpu.memory_space<hbm>>
        %dma_wait3A_543 = tpu.memref_squeeze %dma_wait3A_542 : memref<1x1x1x8x128xf32, #tpu.memory_space<hbm>> -> memref<8x128xf32, #tpu.memory_space<hbm>>
        %dma_wait3A_544 = arith.constant 16 : i32
        %dma_wait3A_545 = arith.constant 0 : i32
        %dma_wait3A_546 = tpu.memref_slice %arg9[%dma_wait3A_544, %dma_wait3A_545] : memref<32x128xf32, #tpu.memory_space<vmem>> -> memref<8x128xf32, #tpu.memory_space<vmem>>
        tpu.wait_dma2 semaphore(%arg14 : memref<!tpu.dma_semaphore, #tpu.memory_space<semaphore_mem>>) src(%dma_wait3A_546 : memref<8x128xf32, #tpu.memory_space<vmem>>) dst(%dma_wait3A_543 : memref<8x128xf32, #tpu.memory_space<hbm>>)
        %dma_wait3A_547 = arith.constant 0 : i32
        %dma_wait3A_548 = arith.constant 3 : i32
        %dma_wait3A_549 = arith.constant 24 : i32
        %dma_wait3A_550 = arith.constant 0 : i32
        %dma_wait3A_551 = tpu.memref_slice %arg9[%dma_wait3A_549, %dma_wait3A_550] : memref<32x128xf32, #tpu.memory_space<vmem>> -> memref<8x128xf32, #tpu.memory_space<vmem>>
        %dma_wait3A_552 = arith.constant 0 : i32
        %dma_wait3A_553 = arith.constant 0 : i32
        %dma_wait3A_554 = tpu.memref_slice %arg4[%dma_wait3A_547, %dma_wait3A_548, %mul3A_2, %dma_wait3A_552, %dma_wait3A_553] : memref<50x4x128x8x128xf32, #tpu.memory_space<hbm>> -> memref<1x1x1x8x128xf32, #tpu.memory_space<hbm>>
        %dma_wait3A_555 = tpu.memref_squeeze %dma_wait3A_554 : memref<1x1x1x8x128xf32, #tpu.memory_space<hbm>> -> memref<8x128xf32, #tpu.memory_space<hbm>>
        %dma_wait3A_556 = arith.constant 0 : i32
        %dma_wait3A_557 = arith.constant 0 : i32
        %dma_wait3A_558 = tpu.memref_slice %arg4[%dma_wait3A_547, %dma_wait3A_548, %mul3A_2, %dma_wait3A_556, %dma_wait3A_557] : memref<50x4x128x8x128xf32, #tpu.memory_space<hbm>> -> memref<1x1x1x8x128xf32, #tpu.memory_space<hbm>>
        %dma_wait3A_559 = tpu.memref_squeeze %dma_wait3A_558 : memref<1x1x1x8x128xf32, #tpu.memory_space<hbm>> -> memref<8x128xf32, #tpu.memory_space<hbm>>
        %dma_wait3A_560 = arith.constant 24 : i32
        %dma_wait3A_561 = arith.constant 0 : i32
        %dma_wait3A_562 = tpu.memref_slice %arg9[%dma_wait3A_560, %dma_wait3A_561] : memref<32x128xf32, #tpu.memory_space<vmem>> -> memref<8x128xf32, #tpu.memory_space<vmem>>
        tpu.wait_dma2 semaphore(%arg14 : memref<!tpu.dma_semaphore, #tpu.memory_space<semaphore_mem>>) src(%dma_wait3A_562 : memref<8x128xf32, #tpu.memory_space<vmem>>) dst(%dma_wait3A_559 : memref<8x128xf32, #tpu.memory_space<hbm>>)
      } else {
      }
      %dma_wait3A_420 = arith.constant 0 : i32
      %dma_wait3A_421 = arith.constant 0 : i32
      %dma_wait3A_422 = tpu.memref_slice %arg3[%dma_wait3A_420, %dma_wait3A_421] : memref<4000000x32xf32, #tpu.memory_space<hbm>> -> memref<128x32xf32, #tpu.memory_space<hbm>>
      %dma_wait3A_423 = arith.constant 0 : i32
      %dma_wait3A_424 = arith.constant 0 : i32
      %dma_wait3A_425 = tpu.memref_slice %arg3[%dma_wait3A_423, %dma_wait3A_424] : memref<4000000x32xf32, #tpu.memory_space<hbm>> -> memref<128x32xf32, #tpu.memory_space<hbm>>
      tpu.wait_dma2 semaphore(%arg12 : memref<!tpu.dma_semaphore, #tpu.memory_space<semaphore_mem>>) src(%dma_wait3A_425 : memref<128x32xf32, #tpu.memory_space<hbm>>) dst(%arg7 : memref<128x32xf32, #tpu.memory_space<vmem>>)
      %lt3A_426 = arith.constant 99 : i32
      %lt3A_427 = arith.cmpi slt, %scan3A_249, %lt3A_426 : i32
      %convert_element_type3A_428 = arith.extui %lt3A_427 : i1 to i32
      %cond3A_429 = arith.constant 0 : i32
      %cond3A_430 = arith.cmpi ne, %convert_element_type3A_428, %cond3A_429 : i32
      scf.if %cond3A_430 {
        %add3A_499 = arith.constant 1 : i32
        %add3A_500 = arith.addi %add3A_373, %add3A_499 : i32
        %mul3A_501 = arith.constant 128 : i32
        %mul3A_502 = arith.muli %add3A_500, %mul3A_501 : i32
        %dma_start3A_503 = tpu.memref_slice %arg5[%mul3A_502] : memref<25600xi32, #tpu.memory_space<vmem>> -> memref<128xi32, #tpu.memory_space<vmem>>
        %dma_start3A_504 = arith.constant 0 : i32
        %dma_start3A_505 = arith.constant 0 : i32
        %dma_start3A_506 = tpu.memref_slice %arg3[%dma_start3A_504, %dma_start3A_505] : memref<4000000x32xf32, #tpu.memory_space<hbm>> -> memref<4000000x32xf32, #tpu.memory_space<hbm>>
        tpu.enqueue_indirect_dma source(%dma_start3A_506 : memref<4000000x32xf32, #tpu.memory_space<hbm>>) target(%arg6 : memref<128x32xf32, #tpu.memory_space<vmem>>) offsets(%dma_start3A_503 : memref<128xi32, #tpu.memory_space<vmem>>) semaphore(%arg11 : memref<!tpu.dma_semaphore, #tpu.memory_space<semaphore_mem>>)
      } else {
      }
      %scan3A_431 = arith.constant 0 : i32
      %scan3A_432 = arith.constant 0 : i32
      %scan3A_433 = arith.constant 8 : i32
      %scan3A_434 = arith.addi %scan3A_432, %scan3A_433 : i32
      %scan3A_435 = arith.constant 2 : i32
      %scan3A_436 = scf.for %scan3A_499 = %scan3A_432 to %scan3A_434 step %scan3A_435 iter_args(%scan3A_500 = %scan3A_431) -> (i32)  : i32 {
        %mul3A_501 = arith.constant 16 : i32
        %mul3A_502 = arith.muli %scan3A_499, %mul3A_501 : i32
        %add3A_503 = vector.broadcast %mul3A_502 : i32 to vector<16xi32>
        %add3A_504 = arith.addi %iota3A, %add3A_503 : vector<16xi32>
        %gather3A = tpu.vector_load_idx %arg7[%add3A_504, %and3A_20] : memref<128x32xf32, #tpu.memory_space<vmem>>[vector<16xi32>, vector<16xi32>], vector<16xf32>,
        tpu.vector_store_idx %arg9[%and3A_20, %add3A_504], %gather3A : memref<32x128xf32, #tpu.memory_space<vmem>>[vector<16xi32>, vector<16xi32>], vector<16xf32>,
        %add3A_505 = arith.constant 16 : i32
        %add3A_506 = vector.broadcast %add3A_505 : i32 to vector<16xi32>
        %add3A_507 = arith.addi %and3A_20, %add3A_506 : vector<16xi32>
        %gather3A_508 = tpu.vector_load_idx %arg7[%add3A_504, %add3A_507] : memref<128x32xf32, #tpu.memory_space<vmem>>[vector<16xi32>, vector<16xi32>], vector<16xf32>,
        tpu.vector_store_idx %arg9[%add3A_507, %add3A_504], %gather3A_508 : memref<32x128xf32, #tpu.memory_space<vmem>>[vector<16xi32>, vector<16xi32>], vector<16xf32>,
        %gather3A_509 = tpu.vector_load_idx %arg7[%add3A_504, %and3A_26] : memref<128x32xf32, #tpu.memory_space<vmem>>[vector<16xi32>, vector<16xi32>], vector<16xf32>,
        tpu.vector_store_idx %arg9[%and3A_26, %add3A_504], %gather3A_509 : memref<32x128xf32, #tpu.memory_space<vmem>>[vector<16xi32>, vector<16xi32>], vector<16xf32>,
        %add3A_510 = arith.constant 16 : i32
        %add3A_511 = vector.broadcast %add3A_510 : i32 to vector<16xi32>
        %add3A_512 = arith.addi %and3A_26, %add3A_511 : vector<16xi32>
        %gather3A_513 = tpu.vector_load_idx %arg7[%add3A_504, %add3A_512] : memref<128x32xf32, #tpu.memory_space<vmem>>[vector<16xi32>, vector<16xi32>], vector<16xf32>,
        tpu.vector_store_idx %arg9[%add3A_512, %add3A_504], %gather3A_513 : memref<32x128xf32, #tpu.memory_space<vmem>>[vector<16xi32>, vector<16xi32>], vector<16xf32>,
        %gather3A_514 = tpu.vector_load_idx %arg7[%add3A_504, %and3A_32] : memref<128x32xf32, #tpu.memory_space<vmem>>[vector<16xi32>, vector<16xi32>], vector<16xf32>,
        tpu.vector_store_idx %arg9[%and3A_32, %add3A_504], %gather3A_514 : memref<32x128xf32, #tpu.memory_space<vmem>>[vector<16xi32>, vector<16xi32>], vector<16xf32>,
        %add3A_515 = arith.constant 16 : i32
        %add3A_516 = vector.broadcast %add3A_515 : i32 to vector<16xi32>
        %add3A_517 = arith.addi %and3A_32, %add3A_516 : vector<16xi32>
        %gather3A_518 = tpu.vector_load_idx %arg7[%add3A_504, %add3A_517] : memref<128x32xf32, #tpu.memory_space<vmem>>[vector<16xi32>, vector<16xi32>], vector<16xf32>,
        tpu.vector_store_idx %arg9[%add3A_517, %add3A_504], %gather3A_518 : memref<32x128xf32, #tpu.memory_space<vmem>>[vector<16xi32>, vector<16xi32>], vector<16xf32>,
        %gather3A_519 = tpu.vector_load_idx %arg7[%add3A_504, %and3A_38] : memref<128x32xf32, #tpu.memory_space<vmem>>[vector<16xi32>, vector<16xi32>], vector<16xf32>,
        tpu.vector_store_idx %arg9[%and3A_38, %add3A_504], %gather3A_519 : memref<32x128xf32, #tpu.memory_space<vmem>>[vector<16xi32>, vector<16xi32>], vector<16xf32>,
        %add3A_520 = arith.constant 16 : i32
        %add3A_521 = vector.broadcast %add3A_520 : i32 to vector<16xi32>
        %add3A_522 = arith.addi %and3A_38, %add3A_521 : vector<16xi32>
        %gather3A_523 = tpu.vector_load_idx %arg7[%add3A_504, %add3A_522] : memref<128x32xf32, #tpu.memory_space<vmem>>[vector<16xi32>, vector<16xi32>], vector<16xf32>,
        tpu.vector_store_idx %arg9[%add3A_522, %add3A_504], %gather3A_523 : memref<32x128xf32, #tpu.memory_space<vmem>>[vector<16xi32>, vector<16xi32>], vector<16xf32>,
        %gather3A_524 = tpu.vector_load_idx %arg7[%add3A_504, %and3A_44] : memref<128x32xf32, #tpu.memory_space<vmem>>[vector<16xi32>, vector<16xi32>], vector<16xf32>,
        tpu.vector_store_idx %arg9[%and3A_44, %add3A_504], %gather3A_524 : memref<32x128xf32, #tpu.memory_space<vmem>>[vector<16xi32>, vector<16xi32>], vector<16xf32>,
        %add3A_525 = arith.constant 16 : i32
        %add3A_526 = vector.broadcast %add3A_525 : i32 to vector<16xi32>
        %add3A_527 = arith.addi %and3A_44, %add3A_526 : vector<16xi32>
        %gather3A_528 = tpu.vector_load_idx %arg7[%add3A_504, %add3A_527] : memref<128x32xf32, #tpu.memory_space<vmem>>[vector<16xi32>, vector<16xi32>], vector<16xf32>,
        tpu.vector_store_idx %arg9[%add3A_527, %add3A_504], %gather3A_528 : memref<32x128xf32, #tpu.memory_space<vmem>>[vector<16xi32>, vector<16xi32>], vector<16xf32>,
        %gather3A_529 = tpu.vector_load_idx %arg7[%add3A_504, %and3A_50] : memref<128x32xf32, #tpu.memory_space<vmem>>[vector<16xi32>, vector<16xi32>], vector<16xf32>,
        tpu.vector_store_idx %arg9[%and3A_50, %add3A_504], %gather3A_529 : memref<32x128xf32, #tpu.memory_space<vmem>>[vector<16xi32>, vector<16xi32>], vector<16xf32>,
        %add3A_530 = arith.constant 16 : i32
        %add3A_531 = vector.broadcast %add3A_530 : i32 to vector<16xi32>
        %add3A_532 = arith.addi %and3A_50, %add3A_531 : vector<16xi32>
        %gather3A_533 = tpu.vector_load_idx %arg7[%add3A_504, %add3A_532] : memref<128x32xf32, #tpu.memory_space<vmem>>[vector<16xi32>, vector<16xi32>], vector<16xf32>,
        tpu.vector_store_idx %arg9[%add3A_532, %add3A_504], %gather3A_533 : memref<32x128xf32, #tpu.memory_space<vmem>>[vector<16xi32>, vector<16xi32>], vector<16xf32>,
        %gather3A_534 = tpu.vector_load_idx %arg7[%add3A_504, %and3A_56] : memref<128x32xf32, #tpu.memory_space<vmem>>[vector<16xi32>, vector<16xi32>], vector<16xf32>,
        tpu.vector_store_idx %arg9[%and3A_56, %add3A_504], %gather3A_534 : memref<32x128xf32, #tpu.memory_space<vmem>>[vector<16xi32>, vector<16xi32>], vector<16xf32>,
        %add3A_535 = arith.constant 16 : i32
        %add3A_536 = vector.broadcast %add3A_535 : i32 to vector<16xi32>
        %add3A_537 = arith.addi %and3A_56, %add3A_536 : vector<16xi32>
        %gather3A_538 = tpu.vector_load_idx %arg7[%add3A_504, %add3A_537] : memref<128x32xf32, #tpu.memory_space<vmem>>[vector<16xi32>, vector<16xi32>], vector<16xf32>,
        tpu.vector_store_idx %arg9[%add3A_537, %add3A_504], %gather3A_538 : memref<32x128xf32, #tpu.memory_space<vmem>>[vector<16xi32>, vector<16xi32>], vector<16xf32>,
        %gather3A_539 = tpu.vector_load_idx %arg7[%add3A_504, %and3A_62] : memref<128x32xf32, #tpu.memory_space<vmem>>[vector<16xi32>, vector<16xi32>], vector<16xf32>,
        tpu.vector_store_idx %arg9[%and3A_62, %add3A_504], %gather3A_539 : memref<32x128xf32, #tpu.memory_space<vmem>>[vector<16xi32>, vector<16xi32>], vector<16xf32>,
        %add3A_540 = arith.constant 16 : i32
        %add3A_541 = vector.broadcast %add3A_540 : i32 to vector<16xi32>
        %add3A_542 = arith.addi %and3A_62, %add3A_541 : vector<16xi32>
        %gather3A_543 = tpu.vector_load_idx %arg7[%add3A_504, %add3A_542] : memref<128x32xf32, #tpu.memory_space<vmem>>[vector<16xi32>, vector<16xi32>], vector<16xf32>,
        tpu.vector_store_idx %arg9[%add3A_542, %add3A_504], %gather3A_543 : memref<32x128xf32, #tpu.memory_space<vmem>>[vector<16xi32>, vector<16xi32>], vector<16xf32>,
        %gather3A_544 = tpu.vector_load_idx %arg7[%add3A_504, %and3A_68] : memref<128x32xf32, #tpu.memory_space<vmem>>[vector<16xi32>, vector<16xi32>], vector<16xf32>,
        tpu.vector_store_idx %arg9[%and3A_68, %add3A_504], %gather3A_544 : memref<32x128xf32, #tpu.memory_space<vmem>>[vector<16xi32>, vector<16xi32>], vector<16xf32>,
        %add3A_545 = arith.constant 16 : i32
        %add3A_546 = vector.broadcast %add3A_545 : i32 to vector<16xi32>
        %add3A_547 = arith.addi %and3A_68, %add3A_546 : vector<16xi32>
        %gather3A_548 = tpu.vector_load_idx %arg7[%add3A_504, %add3A_547] : memref<128x32xf32, #tpu.memory_space<vmem>>[vector<16xi32>, vector<16xi32>], vector<16xf32>,
        tpu.vector_store_idx %arg9[%add3A_547, %add3A_504], %gather3A_548 : memref<32x128xf32, #tpu.memory_space<vmem>>[vector<16xi32>, vector<16xi32>], vector<16xf32>,
        %gather3A_549 = tpu.vector_load_idx %arg7[%add3A_504, %and3A_74] : memref<128x32xf32, #tpu.memory_space<vmem>>[vector<16xi32>, vector<16xi32>], vector<16xf32>,
        tpu.vector_store_idx %arg9[%and3A_74, %add3A_504], %gather3A_549 : memref<32x128xf32, #tpu.memory_space<vmem>>[vector<16xi32>, vector<16xi32>], vector<16xf32>,
        %add3A_550 = arith.constant 16 : i32
        %add3A_551 = vector.broadcast %add3A_550 : i32 to vector<16xi32>
        %add3A_552 = arith.addi %and3A_74, %add3A_551 : vector<16xi32>
        %gather3A_553 = tpu.vector_load_idx %arg7[%add3A_504, %add3A_552] : memref<128x32xf32, #tpu.memory_space<vmem>>[vector<16xi32>, vector<16xi32>], vector<16xf32>,
        tpu.vector_store_idx %arg9[%add3A_552, %add3A_504], %gather3A_553 : memref<32x128xf32, #tpu.memory_space<vmem>>[vector<16xi32>, vector<16xi32>], vector<16xf32>,
        %gather3A_554 = tpu.vector_load_idx %arg7[%add3A_504, %and3A_80] : memref<128x32xf32, #tpu.memory_space<vmem>>[vector<16xi32>, vector<16xi32>], vector<16xf32>,
        tpu.vector_store_idx %arg9[%and3A_80, %add3A_504], %gather3A_554 : memref<32x128xf32, #tpu.memory_space<vmem>>[vector<16xi32>, vector<16xi32>], vector<16xf32>,
        %add3A_555 = arith.constant 16 : i32
        %add3A_556 = vector.broadcast %add3A_555 : i32 to vector<16xi32>
        %add3A_557 = arith.addi %and3A_80, %add3A_556 : vector<16xi32>
        %gather3A_558 = tpu.vector_load_idx %arg7[%add3A_504, %add3A_557] : memref<128x32xf32, #tpu.memory_space<vmem>>[vector<16xi32>, vector<16xi32>], vector<16xf32>,
        tpu.vector_store_idx %arg9[%add3A_557, %add3A_504], %gather3A_558 : memref<32x128xf32, #tpu.memory_space<vmem>>[vector<16xi32>, vector<16xi32>], vector<16xf32>,
        %gather3A_559 = tpu.vector_load_idx %arg7[%add3A_504, %and3A_86] : memref<128x32xf32, #tpu.memory_space<vmem>>[vector<16xi32>, vector<16xi32>], vector<16xf32>,
        tpu.vector_store_idx %arg9[%and3A_86, %add3A_504], %gather3A_559 : memref<32x128xf32, #tpu.memory_space<vmem>>[vector<16xi32>, vector<16xi32>], vector<16xf32>,
        %add3A_560 = arith.constant 16 : i32
        %add3A_561 = vector.broadcast %add3A_560 : i32 to vector<16xi32>
        %add3A_562 = arith.addi %and3A_86, %add3A_561 : vector<16xi32>
        %gather3A_563 = tpu.vector_load_idx %arg7[%add3A_504, %add3A_562] : memref<128x32xf32, #tpu.memory_space<vmem>>[vector<16xi32>, vector<16xi32>], vector<16xf32>,
        tpu.vector_store_idx %arg9[%add3A_562, %add3A_504], %gather3A_563 : memref<32x128xf32, #tpu.memory_space<vmem>>[vector<16xi32>, vector<16xi32>], vector<16xf32>,
        %gather3A_564 = tpu.vector_load_idx %arg7[%add3A_504, %and3A_92] : memref<128x32xf32, #tpu.memory_space<vmem>>[vector<16xi32>, vector<16xi32>], vector<16xf32>,
        tpu.vector_store_idx %arg9[%and3A_92, %add3A_504], %gather3A_564 : memref<32x128xf32, #tpu.memory_space<vmem>>[vector<16xi32>, vector<16xi32>], vector<16xf32>,
        %add3A_565 = arith.constant 16 : i32
        %add3A_566 = vector.broadcast %add3A_565 : i32 to vector<16xi32>
        %add3A_567 = arith.addi %and3A_92, %add3A_566 : vector<16xi32>
        %gather3A_568 = tpu.vector_load_idx %arg7[%add3A_504, %add3A_567] : memref<128x32xf32, #tpu.memory_space<vmem>>[vector<16xi32>, vector<16xi32>], vector<16xf32>,
        tpu.vector_store_idx %arg9[%add3A_567, %add3A_504], %gather3A_568 : memref<32x128xf32, #tpu.memory_space<vmem>>[vector<16xi32>, vector<16xi32>], vector<16xf32>,
        %gather3A_569 = tpu.vector_load_idx %arg7[%add3A_504, %and3A_98] : memref<128x32xf32, #tpu.memory_space<vmem>>[vector<16xi32>, vector<16xi32>], vector<16xf32>,
        tpu.vector_store_idx %arg9[%and3A_98, %add3A_504], %gather3A_569 : memref<32x128xf32, #tpu.memory_space<vmem>>[vector<16xi32>, vector<16xi32>], vector<16xf32>,
        %add3A_570 = arith.constant 16 : i32
        %add3A_571 = vector.broadcast %add3A_570 : i32 to vector<16xi32>
        %add3A_572 = arith.addi %and3A_98, %add3A_571 : vector<16xi32>
        %gather3A_573 = tpu.vector_load_idx %arg7[%add3A_504, %add3A_572] : memref<128x32xf32, #tpu.memory_space<vmem>>[vector<16xi32>, vector<16xi32>], vector<16xf32>,
        tpu.vector_store_idx %arg9[%add3A_572, %add3A_504], %gather3A_573 : memref<32x128xf32, #tpu.memory_space<vmem>>[vector<16xi32>, vector<16xi32>], vector<16xf32>,
        %gather3A_574 = tpu.vector_load_idx %arg7[%add3A_504, %and3A_104] : memref<128x32xf32, #tpu.memory_space<vmem>>[vector<16xi32>, vector<16xi32>], vector<16xf32>,
        tpu.vector_store_idx %arg9[%and3A_104, %add3A_504], %gather3A_574 : memref<32x128xf32, #tpu.memory_space<vmem>>[vector<16xi32>, vector<16xi32>], vector<16xf32>,
        %add3A_575 = arith.constant 16 : i32
        %add3A_576 = vector.broadcast %add3A_575 : i32 to vector<16xi32>
        %add3A_577 = arith.addi %and3A_104, %add3A_576 : vector<16xi32>
        %gather3A_578 = tpu.vector_load_idx %arg7[%add3A_504, %add3A_577] : memref<128x32xf32, #tpu.memory_space<vmem>>[vector<16xi32>, vector<16xi32>], vector<16xf32>,
        tpu.vector_store_idx %arg9[%add3A_577, %add3A_504], %gather3A_578 : memref<32x128xf32, #tpu.memory_space<vmem>>[vector<16xi32>, vector<16xi32>], vector<16xf32>,
        %gather3A_579 = tpu.vector_load_idx %arg7[%add3A_504, %and3A_110] : memref<128x32xf32, #tpu.memory_space<vmem>>[vector<16xi32>, vector<16xi32>], vector<16xf32>,
        tpu.vector_store_idx %arg9[%and3A_110, %add3A_504], %gather3A_579 : memref<32x128xf32, #tpu.memory_space<vmem>>[vector<16xi32>, vector<16xi32>], vector<16xf32>,
        %add3A_580 = arith.constant 16 : i32
        %add3A_581 = vector.broadcast %add3A_580 : i32 to vector<16xi32>
        %add3A_582 = arith.addi %and3A_110, %add3A_581 : vector<16xi32>
        %gather3A_583 = tpu.vector_load_idx %arg7[%add3A_504, %add3A_582] : memref<128x32xf32, #tpu.memory_space<vmem>>[vector<16xi32>, vector<16xi32>], vector<16xf32>,
        tpu.vector_store_idx %arg9[%add3A_582, %add3A_504], %gather3A_583 : memref<32x128xf32, #tpu.memory_space<vmem>>[vector<16xi32>, vector<16xi32>], vector<16xf32>,
        %scan3A_584 = arith.constant 0 : i32
        %scan3A_585 = arith.constant 1 : i32
        %scan3A_586 = arith.addi %scan3A_499, %scan3A_585 : i32
        %mul3A_587 = arith.constant 16 : i32
        %mul3A_588 = arith.muli %scan3A_586, %mul3A_587 : i32
        %add3A_589 = vector.broadcast %mul3A_588 : i32 to vector<16xi32>
        %add3A_590 = arith.addi %iota3A, %add3A_589 : vector<16xi32>
        %gather3A_591 = tpu.vector_load_idx %arg7[%add3A_590, %and3A_20] : memref<128x32xf32, #tpu.memory_space<vmem>>[vector<16xi32>, vector<16xi32>], vector<16xf32>,
        tpu.vector_store_idx %arg9[%and3A_20, %add3A_590], %gather3A_591 : memref<32x128xf32, #tpu.memory_space<vmem>>[vector<16xi32>, vector<16xi32>], vector<16xf32>,
        %add3A_592 = arith.constant 16 : i32
        %add3A_593 = vector.broadcast %add3A_592 : i32 to vector<16xi32>
        %add3A_594 = arith.addi %and3A_20, %add3A_593 : vector<16xi32>
        %gather3A_595 = tpu.vector_load_idx %arg7[%add3A_590, %add3A_594] : memref<128x32xf32, #tpu.memory_space<vmem>>[vector<16xi32>, vector<16xi32>], vector<16xf32>,
        tpu.vector_store_idx %arg9[%add3A_594, %add3A_590], %gather3A_595 : memref<32x128xf32, #tpu.memory_space<vmem>>[vector<16xi32>, vector<16xi32>], vector<16xf32>,
        %gather3A_596 = tpu.vector_load_idx %arg7[%add3A_590, %and3A_26] : memref<128x32xf32, #tpu.memory_space<vmem>>[vector<16xi32>, vector<16xi32>], vector<16xf32>,
        tpu.vector_store_idx %arg9[%and3A_26, %add3A_590], %gather3A_596 : memref<32x128xf32, #tpu.memory_space<vmem>>[vector<16xi32>, vector<16xi32>], vector<16xf32>,
        %add3A_597 = arith.constant 16 : i32
        %add3A_598 = vector.broadcast %add3A_597 : i32 to vector<16xi32>
        %add3A_599 = arith.addi %and3A_26, %add3A_598 : vector<16xi32>
        %gather3A_600 = tpu.vector_load_idx %arg7[%add3A_590, %add3A_599] : memref<128x32xf32, #tpu.memory_space<vmem>>[vector<16xi32>, vector<16xi32>], vector<16xf32>,
        tpu.vector_store_idx %arg9[%add3A_599, %add3A_590], %gather3A_600 : memref<32x128xf32, #tpu.memory_space<vmem>>[vector<16xi32>, vector<16xi32>], vector<16xf32>,
        %gather3A_601 = tpu.vector_load_idx %arg7[%add3A_590, %and3A_32] : memref<128x32xf32, #tpu.memory_space<vmem>>[vector<16xi32>, vector<16xi32>], vector<16xf32>,
        tpu.vector_store_idx %arg9[%and3A_32, %add3A_590], %gather3A_601 : memref<32x128xf32, #tpu.memory_space<vmem>>[vector<16xi32>, vector<16xi32>], vector<16xf32>,
        %add3A_602 = arith.constant 16 : i32
        %add3A_603 = vector.broadcast %add3A_602 : i32 to vector<16xi32>
        %add3A_604 = arith.addi %and3A_32, %add3A_603 : vector<16xi32>
        %gather3A_605 = tpu.vector_load_idx %arg7[%add3A_590, %add3A_604] : memref<128x32xf32, #tpu.memory_space<vmem>>[vector<16xi32>, vector<16xi32>], vector<16xf32>,
        tpu.vector_store_idx %arg9[%add3A_604, %add3A_590], %gather3A_605 : memref<32x128xf32, #tpu.memory_space<vmem>>[vector<16xi32>, vector<16xi32>], vector<16xf32>,
        %gather3A_606 = tpu.vector_load_idx %arg7[%add3A_590, %and3A_38] : memref<128x32xf32, #tpu.memory_space<vmem>>[vector<16xi32>, vector<16xi32>], vector<16xf32>,
        tpu.vector_store_idx %arg9[%and3A_38, %add3A_590], %gather3A_606 : memref<32x128xf32, #tpu.memory_space<vmem>>[vector<16xi32>, vector<16xi32>], vector<16xf32>,
        %add3A_607 = arith.constant 16 : i32
        %add3A_608 = vector.broadcast %add3A_607 : i32 to vector<16xi32>
        %add3A_609 = arith.addi %and3A_38, %add3A_608 : vector<16xi32>
        %gather3A_610 = tpu.vector_load_idx %arg7[%add3A_590, %add3A_609] : memref<128x32xf32, #tpu.memory_space<vmem>>[vector<16xi32>, vector<16xi32>], vector<16xf32>,
        tpu.vector_store_idx %arg9[%add3A_609, %add3A_590], %gather3A_610 : memref<32x128xf32, #tpu.memory_space<vmem>>[vector<16xi32>, vector<16xi32>], vector<16xf32>,
        %gather3A_611 = tpu.vector_load_idx %arg7[%add3A_590, %and3A_44] : memref<128x32xf32, #tpu.memory_space<vmem>>[vector<16xi32>, vector<16xi32>], vector<16xf32>,
        tpu.vector_store_idx %arg9[%and3A_44, %add3A_590], %gather3A_611 : memref<32x128xf32, #tpu.memory_space<vmem>>[vector<16xi32>, vector<16xi32>], vector<16xf32>,
        %add3A_612 = arith.constant 16 : i32
        %add3A_613 = vector.broadcast %add3A_612 : i32 to vector<16xi32>
        %add3A_614 = arith.addi %and3A_44, %add3A_613 : vector<16xi32>
        %gather3A_615 = tpu.vector_load_idx %arg7[%add3A_590, %add3A_614] : memref<128x32xf32, #tpu.memory_space<vmem>>[vector<16xi32>, vector<16xi32>], vector<16xf32>,
        tpu.vector_store_idx %arg9[%add3A_614, %add3A_590], %gather3A_615 : memref<32x128xf32, #tpu.memory_space<vmem>>[vector<16xi32>, vector<16xi32>], vector<16xf32>,
        %gather3A_616 = tpu.vector_load_idx %arg7[%add3A_590, %and3A_50] : memref<128x32xf32, #tpu.memory_space<vmem>>[vector<16xi32>, vector<16xi32>], vector<16xf32>,
        tpu.vector_store_idx %arg9[%and3A_50, %add3A_590], %gather3A_616 : memref<32x128xf32, #tpu.memory_space<vmem>>[vector<16xi32>, vector<16xi32>], vector<16xf32>,
        %add3A_617 = arith.constant 16 : i32
        %add3A_618 = vector.broadcast %add3A_617 : i32 to vector<16xi32>
        %add3A_619 = arith.addi %and3A_50, %add3A_618 : vector<16xi32>
        %gather3A_620 = tpu.vector_load_idx %arg7[%add3A_590, %add3A_619] : memref<128x32xf32, #tpu.memory_space<vmem>>[vector<16xi32>, vector<16xi32>], vector<16xf32>,
        tpu.vector_store_idx %arg9[%add3A_619, %add3A_590], %gather3A_620 : memref<32x128xf32, #tpu.memory_space<vmem>>[vector<16xi32>, vector<16xi32>], vector<16xf32>,
        %gather3A_621 = tpu.vector_load_idx %arg7[%add3A_590, %and3A_56] : memref<128x32xf32, #tpu.memory_space<vmem>>[vector<16xi32>, vector<16xi32>], vector<16xf32>,
        tpu.vector_store_idx %arg9[%and3A_56, %add3A_590], %gather3A_621 : memref<32x128xf32, #tpu.memory_space<vmem>>[vector<16xi32>, vector<16xi32>], vector<16xf32>,
        %add3A_622 = arith.constant 16 : i32
        %add3A_623 = vector.broadcast %add3A_622 : i32 to vector<16xi32>
        %add3A_624 = arith.addi %and3A_56, %add3A_623 : vector<16xi32>
        %gather3A_625 = tpu.vector_load_idx %arg7[%add3A_590, %add3A_624] : memref<128x32xf32, #tpu.memory_space<vmem>>[vector<16xi32>, vector<16xi32>], vector<16xf32>,
        tpu.vector_store_idx %arg9[%add3A_624, %add3A_590], %gather3A_625 : memref<32x128xf32, #tpu.memory_space<vmem>>[vector<16xi32>, vector<16xi32>], vector<16xf32>,
        %gather3A_626 = tpu.vector_load_idx %arg7[%add3A_590, %and3A_62] : memref<128x32xf32, #tpu.memory_space<vmem>>[vector<16xi32>, vector<16xi32>], vector<16xf32>,
        tpu.vector_store_idx %arg9[%and3A_62, %add3A_590], %gather3A_626 : memref<32x128xf32, #tpu.memory_space<vmem>>[vector<16xi32>, vector<16xi32>], vector<16xf32>,
        %add3A_627 = arith.constant 16 : i32
        %add3A_628 = vector.broadcast %add3A_627 : i32 to vector<16xi32>
        %add3A_629 = arith.addi %and3A_62, %add3A_628 : vector<16xi32>
        %gather3A_630 = tpu.vector_load_idx %arg7[%add3A_590, %add3A_629] : memref<128x32xf32, #tpu.memory_space<vmem>>[vector<16xi32>, vector<16xi32>], vector<16xf32>,
        tpu.vector_store_idx %arg9[%add3A_629, %add3A_590], %gather3A_630 : memref<32x128xf32, #tpu.memory_space<vmem>>[vector<16xi32>, vector<16xi32>], vector<16xf32>,
        %gather3A_631 = tpu.vector_load_idx %arg7[%add3A_590, %and3A_68] : memref<128x32xf32, #tpu.memory_space<vmem>>[vector<16xi32>, vector<16xi32>], vector<16xf32>,
        tpu.vector_store_idx %arg9[%and3A_68, %add3A_590], %gather3A_631 : memref<32x128xf32, #tpu.memory_space<vmem>>[vector<16xi32>, vector<16xi32>], vector<16xf32>,
        %add3A_632 = arith.constant 16 : i32
        %add3A_633 = vector.broadcast %add3A_632 : i32 to vector<16xi32>
        %add3A_634 = arith.addi %and3A_68, %add3A_633 : vector<16xi32>
        %gather3A_635 = tpu.vector_load_idx %arg7[%add3A_590, %add3A_634] : memref<128x32xf32, #tpu.memory_space<vmem>>[vector<16xi32>, vector<16xi32>], vector<16xf32>,
        tpu.vector_store_idx %arg9[%add3A_634, %add3A_590], %gather3A_635 : memref<32x128xf32, #tpu.memory_space<vmem>>[vector<16xi32>, vector<16xi32>], vector<16xf32>,
        %gather3A_636 = tpu.vector_load_idx %arg7[%add3A_590, %and3A_74] : memref<128x32xf32, #tpu.memory_space<vmem>>[vector<16xi32>, vector<16xi32>], vector<16xf32>,
        tpu.vector_store_idx %arg9[%and3A_74, %add3A_590], %gather3A_636 : memref<32x128xf32, #tpu.memory_space<vmem>>[vector<16xi32>, vector<16xi32>], vector<16xf32>,
        %add3A_637 = arith.constant 16 : i32
        %add3A_638 = vector.broadcast %add3A_637 : i32 to vector<16xi32>
        %add3A_639 = arith.addi %and3A_74, %add3A_638 : vector<16xi32>
        %gather3A_640 = tpu.vector_load_idx %arg7[%add3A_590, %add3A_639] : memref<128x32xf32, #tpu.memory_space<vmem>>[vector<16xi32>, vector<16xi32>], vector<16xf32>,
        tpu.vector_store_idx %arg9[%add3A_639, %add3A_590], %gather3A_640 : memref<32x128xf32, #tpu.memory_space<vmem>>[vector<16xi32>, vector<16xi32>], vector<16xf32>,
        %gather3A_641 = tpu.vector_load_idx %arg7[%add3A_590, %and3A_80] : memref<128x32xf32, #tpu.memory_space<vmem>>[vector<16xi32>, vector<16xi32>], vector<16xf32>,
        tpu.vector_store_idx %arg9[%and3A_80, %add3A_590], %gather3A_641 : memref<32x128xf32, #tpu.memory_space<vmem>>[vector<16xi32>, vector<16xi32>], vector<16xf32>,
        %add3A_642 = arith.constant 16 : i32
        %add3A_643 = vector.broadcast %add3A_642 : i32 to vector<16xi32>
        %add3A_644 = arith.addi %and3A_80, %add3A_643 : vector<16xi32>
        %gather3A_645 = tpu.vector_load_idx %arg7[%add3A_590, %add3A_644] : memref<128x32xf32, #tpu.memory_space<vmem>>[vector<16xi32>, vector<16xi32>], vector<16xf32>,
        tpu.vector_store_idx %arg9[%add3A_644, %add3A_590], %gather3A_645 : memref<32x128xf32, #tpu.memory_space<vmem>>[vector<16xi32>, vector<16xi32>], vector<16xf32>,
        %gather3A_646 = tpu.vector_load_idx %arg7[%add3A_590, %and3A_86] : memref<128x32xf32, #tpu.memory_space<vmem>>[vector<16xi32>, vector<16xi32>], vector<16xf32>,
        tpu.vector_store_idx %arg9[%and3A_86, %add3A_590], %gather3A_646 : memref<32x128xf32, #tpu.memory_space<vmem>>[vector<16xi32>, vector<16xi32>], vector<16xf32>,
        %add3A_647 = arith.constant 16 : i32
        %add3A_648 = vector.broadcast %add3A_647 : i32 to vector<16xi32>
        %add3A_649 = arith.addi %and3A_86, %add3A_648 : vector<16xi32>
        %gather3A_650 = tpu.vector_load_idx %arg7[%add3A_590, %add3A_649] : memref<128x32xf32, #tpu.memory_space<vmem>>[vector<16xi32>, vector<16xi32>], vector<16xf32>,
        tpu.vector_store_idx %arg9[%add3A_649, %add3A_590], %gather3A_650 : memref<32x128xf32, #tpu.memory_space<vmem>>[vector<16xi32>, vector<16xi32>], vector<16xf32>,
        %gather3A_651 = tpu.vector_load_idx %arg7[%add3A_590, %and3A_92] : memref<128x32xf32, #tpu.memory_space<vmem>>[vector<16xi32>, vector<16xi32>], vector<16xf32>,
        tpu.vector_store_idx %arg9[%and3A_92, %add3A_590], %gather3A_651 : memref<32x128xf32, #tpu.memory_space<vmem>>[vector<16xi32>, vector<16xi32>], vector<16xf32>,
        %add3A_652 = arith.constant 16 : i32
        %add3A_653 = vector.broadcast %add3A_652 : i32 to vector<16xi32>
        %add3A_654 = arith.addi %and3A_92, %add3A_653 : vector<16xi32>
        %gather3A_655 = tpu.vector_load_idx %arg7[%add3A_590, %add3A_654] : memref<128x32xf32, #tpu.memory_space<vmem>>[vector<16xi32>, vector<16xi32>], vector<16xf32>,
        tpu.vector_store_idx %arg9[%add3A_654, %add3A_590], %gather3A_655 : memref<32x128xf32, #tpu.memory_space<vmem>>[vector<16xi32>, vector<16xi32>], vector<16xf32>,
        %gather3A_656 = tpu.vector_load_idx %arg7[%add3A_590, %and3A_98] : memref<128x32xf32, #tpu.memory_space<vmem>>[vector<16xi32>, vector<16xi32>], vector<16xf32>,
        tpu.vector_store_idx %arg9[%and3A_98, %add3A_590], %gather3A_656 : memref<32x128xf32, #tpu.memory_space<vmem>>[vector<16xi32>, vector<16xi32>], vector<16xf32>,
        %add3A_657 = arith.constant 16 : i32
        %add3A_658 = vector.broadcast %add3A_657 : i32 to vector<16xi32>
        %add3A_659 = arith.addi %and3A_98, %add3A_658 : vector<16xi32>
        %gather3A_660 = tpu.vector_load_idx %arg7[%add3A_590, %add3A_659] : memref<128x32xf32, #tpu.memory_space<vmem>>[vector<16xi32>, vector<16xi32>], vector<16xf32>,
        tpu.vector_store_idx %arg9[%add3A_659, %add3A_590], %gather3A_660 : memref<32x128xf32, #tpu.memory_space<vmem>>[vector<16xi32>, vector<16xi32>], vector<16xf32>,
        %gather3A_661 = tpu.vector_load_idx %arg7[%add3A_590, %and3A_104] : memref<128x32xf32, #tpu.memory_space<vmem>>[vector<16xi32>, vector<16xi32>], vector<16xf32>,
        tpu.vector_store_idx %arg9[%and3A_104, %add3A_590], %gather3A_661 : memref<32x128xf32, #tpu.memory_space<vmem>>[vector<16xi32>, vector<16xi32>], vector<16xf32>,
        %add3A_662 = arith.constant 16 : i32
        %add3A_663 = vector.broadcast %add3A_662 : i32 to vector<16xi32>
        %add3A_664 = arith.addi %and3A_104, %add3A_663 : vector<16xi32>
        %gather3A_665 = tpu.vector_load_idx %arg7[%add3A_590, %add3A_664] : memref<128x32xf32, #tpu.memory_space<vmem>>[vector<16xi32>, vector<16xi32>], vector<16xf32>,
        tpu.vector_store_idx %arg9[%add3A_664, %add3A_590], %gather3A_665 : memref<32x128xf32, #tpu.memory_space<vmem>>[vector<16xi32>, vector<16xi32>], vector<16xf32>,
        %gather3A_666 = tpu.vector_load_idx %arg7[%add3A_590, %and3A_110] : memref<128x32xf32, #tpu.memory_space<vmem>>[vector<16xi32>, vector<16xi32>], vector<16xf32>,
        tpu.vector_store_idx %arg9[%and3A_110, %add3A_590], %gather3A_666 : memref<32x128xf32, #tpu.memory_space<vmem>>[vector<16xi32>, vector<16xi32>], vector<16xf32>,
        %add3A_667 = arith.constant 16 : i32
        %add3A_668 = vector.broadcast %add3A_667 : i32 to vector<16xi32>
        %add3A_669 = arith.addi %and3A_110, %add3A_668 : vector<16xi32>
        %gather3A_670 = tpu.vector_load_idx %arg7[%add3A_590, %add3A_669] : memref<128x32xf32, #tpu.memory_space<vmem>>[vector<16xi32>, vector<16xi32>], vector<16xf32>,
        tpu.vector_store_idx %arg9[%add3A_669, %add3A_590], %gather3A_670 : memref<32x128xf32, #tpu.memory_space<vmem>>[vector<16xi32>, vector<16xi32>], vector<16xf32>,
        %scan3A_671 = arith.constant 0 : i32
        scf.yield %scan3A_671 : i32
      }
      %scan3A_437 = arith.constant 8 : i32
      %dma_start3A_438 = arith.constant 0 : i32
      %dma_start3A_439 = arith.constant 0 : i32
      %dma_start3A_440 = arith.constant 0 : i32
      %dma_start3A_441 = tpu.memref_slice %arg9[%dma_start3A_439, %dma_start3A_440] : memref<32x128xf32, #tpu.memory_space<vmem>> -> memref<8x128xf32, #tpu.memory_space<vmem>>
      %dma_start3A_442 = arith.constant 0 : i32
      %dma_start3A_443 = arith.constant 0 : i32
      %dma_start3A_444 = tpu.memref_slice %arg4[%select_n3A_397, %dma_start3A_438, %add3A_414, %dma_start3A_442, %dma_start3A_443] : memref<50x4x128x8x128xf32, #tpu.memory_space<hbm>> -> memref<1x1x1x8x128xf32, #tpu.memory_space<hbm>>
      %dma_start3A_445 = tpu.memref_squeeze %dma_start3A_444 : memref<1x1x1x8x128xf32, #tpu.memory_space<hbm>> -> memref<8x128xf32, #tpu.memory_space<hbm>>
      %dma_start3A_446 = arith.constant 0 : i32
      %dma_start3A_447 = arith.constant 0 : i32
      %dma_start3A_448 = tpu.memref_slice %arg4[%select_n3A_397, %dma_start3A_438, %add3A_414, %dma_start3A_446, %dma_start3A_447] : memref<50x4x128x8x128xf32, #tpu.memory_space<hbm>> -> memref<1x1x1x8x128xf32, #tpu.memory_space<hbm>>
      %dma_start3A_449 = tpu.memref_squeeze %dma_start3A_448 : memref<1x1x1x8x128xf32, #tpu.memory_space<hbm>> -> memref<8x128xf32, #tpu.memory_space<hbm>>
      %dma_start3A_450 = arith.constant 0 : i32
      %dma_start3A_451 = arith.constant 0 : i32
      %dma_start3A_452 = tpu.memref_slice %arg9[%dma_start3A_450, %dma_start3A_451] : memref<32x128xf32, #tpu.memory_space<vmem>> -> memref<8x128xf32, #tpu.memory_space<vmem>>
      tpu.enqueue_dma source(%dma_start3A_452 : memref<8x128xf32, #tpu.memory_space<vmem>>) target(%dma_start3A_449 : memref<8x128xf32, #tpu.memory_space<hbm>>) target_semaphore(%arg14 : memref<!tpu.dma_semaphore, #tpu.memory_space<semaphore_mem>>)
      %dma_start3A_453 = arith.constant 1 : i32
      %dma_start3A_454 = arith.constant 8 : i32
      %dma_start3A_455 = arith.constant 0 : i32
      %dma_start3A_456 = tpu.memref_slice %arg9[%dma_start3A_454, %dma_start3A_455] : memref<32x128xf32, #tpu.memory_space<vmem>> -> memref<8x128xf32, #tpu.memory_space<vmem>>
      %dma_start3A_457 = arith.constant 0 : i32
      %dma_start3A_458 = arith.constant 0 : i32
      %dma_start3A_459 = tpu.memref_slice %arg4[%select_n3A_397, %dma_start3A_453, %add3A_414, %dma_start3A_457, %dma_start3A_458] : memref<50x4x128x8x128xf32, #tpu.memory_space<hbm>> -> memref<1x1x1x8x128xf32, #tpu.memory_space<hbm>>
      %dma_start3A_460 = tpu.memref_squeeze %dma_start3A_459 : memref<1x1x1x8x128xf32, #tpu.memory_space<hbm>> -> memref<8x128xf32, #tpu.memory_space<hbm>>
      %dma_start3A_461 = arith.constant 0 : i32
      %dma_start3A_462 = arith.constant 0 : i32
      %dma_start3A_463 = tpu.memref_slice %arg4[%select_n3A_397, %dma_start3A_453, %add3A_414, %dma_start3A_461, %dma_start3A_462] : memref<50x4x128x8x128xf32, #tpu.memory_space<hbm>> -> memref<1x1x1x8x128xf32, #tpu.memory_space<hbm>>
      %dma_start3A_464 = tpu.memref_squeeze %dma_start3A_463 : memref<1x1x1x8x128xf32, #tpu.memory_space<hbm>> -> memref<8x128xf32, #tpu.memory_space<hbm>>
      %dma_start3A_465 = arith.constant 8 : i32
      %dma_start3A_466 = arith.constant 0 : i32
      %dma_start3A_467 = tpu.memref_slice %arg9[%dma_start3A_465, %dma_start3A_466] : memref<32x128xf32, #tpu.memory_space<vmem>> -> memref<8x128xf32, #tpu.memory_space<vmem>>
      tpu.enqueue_dma source(%dma_start3A_467 : memref<8x128xf32, #tpu.memory_space<vmem>>) target(%dma_start3A_464 : memref<8x128xf32, #tpu.memory_space<hbm>>) target_semaphore(%arg14 : memref<!tpu.dma_semaphore, #tpu.memory_space<semaphore_mem>>)
      %dma_start3A_468 = arith.constant 2 : i32
      %dma_start3A_469 = arith.constant 16 : i32
      %dma_start3A_470 = arith.constant 0 : i32
      %dma_start3A_471 = tpu.memref_slice %arg9[%dma_start3A_469, %dma_start3A_470] : memref<32x128xf32, #tpu.memory_space<vmem>> -> memref<8x128xf32, #tpu.memory_space<vmem>>
      %dma_start3A_472 = arith.constant 0 : i32
      %dma_start3A_473 = arith.constant 0 : i32
      %dma_start3A_474 = tpu.memref_slice %arg4[%select_n3A_397, %dma_start3A_468, %add3A_414, %dma_start3A_472, %dma_start3A_473] : memref<50x4x128x8x128xf32, #tpu.memory_space<hbm>> -> memref<1x1x1x8x128xf32, #tpu.memory_space<hbm>>
      %dma_start3A_475 = tpu.memref_squeeze %dma_start3A_474 : memref<1x1x1x8x128xf32, #tpu.memory_space<hbm>> -> memref<8x128xf32, #tpu.memory_space<hbm>>
      %dma_start3A_476 = arith.constant 0 : i32
      %dma_start3A_477 = arith.constant 0 : i32
      %dma_start3A_478 = tpu.memref_slice %arg4[%select_n3A_397, %dma_start3A_468, %add3A_414, %dma_start3A_476, %dma_start3A_477] : memref<50x4x128x8x128xf32, #tpu.memory_space<hbm>> -> memref<1x1x1x8x128xf32, #tpu.memory_space<hbm>>
      %dma_start3A_479 = tpu.memref_squeeze %dma_start3A_478 : memref<1x1x1x8x128xf32, #tpu.memory_space<hbm>> -> memref<8x128xf32, #tpu.memory_space<hbm>>
      %dma_start3A_480 = arith.constant 16 : i32
      %dma_start3A_481 = arith.constant 0 : i32
      %dma_start3A_482 = tpu.memref_slice %arg9[%dma_start3A_480, %dma_start3A_481] : memref<32x128xf32, #tpu.memory_space<vmem>> -> memref<8x128xf32, #tpu.memory_space<vmem>>
      tpu.enqueue_dma source(%dma_start3A_482 : memref<8x128xf32, #tpu.memory_space<vmem>>) target(%dma_start3A_479 : memref<8x128xf32, #tpu.memory_space<hbm>>) target_semaphore(%arg14 : memref<!tpu.dma_semaphore, #tpu.memory_space<semaphore_mem>>)
      %dma_start3A_483 = arith.constant 3 : i32
      %dma_start3A_484 = arith.constant 24 : i32
      %dma_start3A_485 = arith.constant 0 : i32
      %dma_start3A_486 = tpu.memref_slice %arg9[%dma_start3A_484, %dma_start3A_485] : memref<32x128xf32, #tpu.memory_space<vmem>> -> memref<8x128xf32, #tpu.memory_space<vmem>>
      %dma_start3A_487 = arith.constant 0 : i32
      %dma_start3A_488 = arith.constant 0 : i32
      %dma_start3A_489 = tpu.memref_slice %arg4[%select_n3A_397, %dma_start3A_483, %add3A_414, %dma_start3A_487, %dma_start3A_488] : memref<50x4x128x8x128xf32, #tpu.memory_space<hbm>> -> memref<1x1x1x8x128xf32, #tpu.memory_space<hbm>>
      %dma_start3A_490 = tpu.memref_squeeze %dma_start3A_489 : memref<1x1x1x8x128xf32, #tpu.memory_space<hbm>> -> memref<8x128xf32, #tpu.memory_space<hbm>>
      %dma_start3A_491 = arith.constant 0 : i32
      %dma_start3A_492 = arith.constant 0 : i32
      %dma_start3A_493 = tpu.memref_slice %arg4[%select_n3A_397, %dma_start3A_483, %add3A_414, %dma_start3A_491, %dma_start3A_492] : memref<50x4x128x8x128xf32, #tpu.memory_space<hbm>> -> memref<1x1x1x8x128xf32, #tpu.memory_space<hbm>>
      %dma_start3A_494 = tpu.memref_squeeze %dma_start3A_493 : memref<1x1x1x8x128xf32, #tpu.memory_space<hbm>> -> memref<8x128xf32, #tpu.memory_space<hbm>>
      %dma_start3A_495 = arith.constant 24 : i32
      %dma_start3A_496 = arith.constant 0 : i32
      %dma_start3A_497 = tpu.memref_slice %arg9[%dma_start3A_495, %dma_start3A_496] : memref<32x128xf32, #tpu.memory_space<vmem>> -> memref<8x128xf32, #tpu.memory_space<vmem>>
      tpu.enqueue_dma source(%dma_start3A_497 : memref<8x128xf32, #tpu.memory_space<vmem>>) target(%dma_start3A_494 : memref<8x128xf32, #tpu.memory_space<hbm>>) target_semaphore(%arg14 : memref<!tpu.dma_semaphore, #tpu.memory_space<semaphore_mem>>)
      %scan3A_498 = arith.constant 0 : i32
      scf.yield %scan3A_498 : i32
    }
    %scan3A_121 = arith.constant 100 : i32
    %dma_wait3A = arith.constant 0 : i32
    %dma_wait3A_122 = arith.constant 0 : i32
    %dma_wait3A_123 = arith.constant 0 : i32
    %dma_wait3A_124 = arith.constant 0 : i32
    %dma_wait3A_125 = tpu.memref_slice %arg8[%dma_wait3A_123, %dma_wait3A_124] : memref<32x128xf32, #tpu.memory_space<vmem>> -> memref<8x128xf32, #tpu.memory_space<vmem>>
    %dma_wait3A_126 = arith.constant 0 : i32
    %dma_wait3A_127 = arith.constant 0 : i32
    %dma_wait3A_128 = tpu.memref_slice %arg4[%dma_wait3A, %dma_wait3A_122, %mul3A_2, %dma_wait3A_126, %dma_wait3A_127] : memref<50x4x128x8x128xf32, #tpu.memory_space<hbm>> -> memref<1x1x1x8x128xf32, #tpu.memory_space<hbm>>
    %dma_wait3A_129 = tpu.memref_squeeze %dma_wait3A_128 : memref<1x1x1x8x128xf32, #tpu.memory_space<hbm>> -> memref<8x128xf32, #tpu.memory_space<hbm>>
    %dma_wait3A_130 = arith.constant 0 : i32
    %dma_wait3A_131 = arith.constant 0 : i32
    %dma_wait3A_132 = tpu.memref_slice %arg4[%dma_wait3A, %dma_wait3A_122, %mul3A_2, %dma_wait3A_130, %dma_wait3A_131] : memref<50x4x128x8x128xf32, #tpu.memory_space<hbm>> -> memref<1x1x1x8x128xf32, #tpu.memory_space<hbm>>
    %dma_wait3A_133 = tpu.memref_squeeze %dma_wait3A_132 : memref<1x1x1x8x128xf32, #tpu.memory_space<hbm>> -> memref<8x128xf32, #tpu.memory_space<hbm>>
    %dma_wait3A_134 = arith.constant 0 : i32
    %dma_wait3A_135 = arith.constant 0 : i32
    %dma_wait3A_136 = tpu.memref_slice %arg8[%dma_wait3A_134, %dma_wait3A_135] : memref<32x128xf32, #tpu.memory_space<vmem>> -> memref<8x128xf32, #tpu.memory_space<vmem>>
    tpu.wait_dma2 semaphore(%arg13 : memref<!tpu.dma_semaphore, #tpu.memory_space<semaphore_mem>>) src(%dma_wait3A_136 : memref<8x128xf32, #tpu.memory_space<vmem>>) dst(%dma_wait3A_133 : memref<8x128xf32, #tpu.memory_space<hbm>>)
    %dma_wait3A_137 = arith.constant 0 : i32
    %dma_wait3A_138 = arith.constant 1 : i32
    %dma_wait3A_139 = arith.constant 8 : i32
    %dma_wait3A_140 = arith.constant 0 : i32
    %dma_wait3A_141 = tpu.memref_slice %arg8[%dma_wait3A_139, %dma_wait3A_140] : memref<32x128xf32, #tpu.memory_space<vmem>> -> memref<8x128xf32, #tpu.memory_space<vmem>>
    %dma_wait3A_142 = arith.constant 0 : i32
    %dma_wait3A_143 = arith.constant 0 : i32
    %dma_wait3A_144 = tpu.memref_slice %arg4[%dma_wait3A_137, %dma_wait3A_138, %mul3A_2, %dma_wait3A_142, %dma_wait3A_143] : memref<50x4x128x8x128xf32, #tpu.memory_space<hbm>> -> memref<1x1x1x8x128xf32, #tpu.memory_space<hbm>>
    %dma_wait3A_145 = tpu.memref_squeeze %dma_wait3A_144 : memref<1x1x1x8x128xf32, #tpu.memory_space<hbm>> -> memref<8x128xf32, #tpu.memory_space<hbm>>
    %dma_wait3A_146 = arith.constant 0 : i32
    %dma_wait3A_147 = arith.constant 0 : i32
    %dma_wait3A_148 = tpu.memref_slice %arg4[%dma_wait3A_137, %dma_wait3A_138, %mul3A_2, %dma_wait3A_146, %dma_wait3A_147] : memref<50x4x128x8x128xf32, #tpu.memory_space<hbm>> -> memref<1x1x1x8x128xf32, #tpu.memory_space<hbm>>
    %dma_wait3A_149 = tpu.memref_squeeze %dma_wait3A_148 : memref<1x1x1x8x128xf32, #tpu.memory_space<hbm>> -> memref<8x128xf32, #tpu.memory_space<hbm>>
    %dma_wait3A_150 = arith.constant 8 : i32
    %dma_wait3A_151 = arith.constant 0 : i32
    %dma_wait3A_152 = tpu.memref_slice %arg8[%dma_wait3A_150, %dma_wait3A_151] : memref<32x128xf32, #tpu.memory_space<vmem>> -> memref<8x128xf32, #tpu.memory_space<vmem>>
    tpu.wait_dma2 semaphore(%arg13 : memref<!tpu.dma_semaphore, #tpu.memory_space<semaphore_mem>>) src(%dma_wait3A_152 : memref<8x128xf32, #tpu.memory_space<vmem>>) dst(%dma_wait3A_149 : memref<8x128xf32, #tpu.memory_space<hbm>>)
    %dma_wait3A_153 = arith.constant 0 : i32
    %dma_wait3A_154 = arith.constant 2 : i32
    %dma_wait3A_155 = arith.constant 16 : i32
    %dma_wait3A_156 = arith.constant 0 : i32
    %dma_wait3A_157 = tpu.memref_slice %arg8[%dma_wait3A_155, %dma_wait3A_156] : memref<32x128xf32, #tpu.memory_space<vmem>> -> memref<8x128xf32, #tpu.memory_space<vmem>>
    %dma_wait3A_158 = arith.constant 0 : i32
    %dma_wait3A_159 = arith.constant 0 : i32
    %dma_wait3A_160 = tpu.memref_slice %arg4[%dma_wait3A_153, %dma_wait3A_154, %mul3A_2, %dma_wait3A_158, %dma_wait3A_159] : memref<50x4x128x8x128xf32, #tpu.memory_space<hbm>> -> memref<1x1x1x8x128xf32, #tpu.memory_space<hbm>>
    %dma_wait3A_161 = tpu.memref_squeeze %dma_wait3A_160 : memref<1x1x1x8x128xf32, #tpu.memory_space<hbm>> -> memref<8x128xf32, #tpu.memory_space<hbm>>
    %dma_wait3A_162 = arith.constant 0 : i32
    %dma_wait3A_163 = arith.constant 0 : i32
    %dma_wait3A_164 = tpu.memref_slice %arg4[%dma_wait3A_153, %dma_wait3A_154, %mul3A_2, %dma_wait3A_162, %dma_wait3A_163] : memref<50x4x128x8x128xf32, #tpu.memory_space<hbm>> -> memref<1x1x1x8x128xf32, #tpu.memory_space<hbm>>
    %dma_wait3A_165 = tpu.memref_squeeze %dma_wait3A_164 : memref<1x1x1x8x128xf32, #tpu.memory_space<hbm>> -> memref<8x128xf32, #tpu.memory_space<hbm>>
    %dma_wait3A_166 = arith.constant 16 : i32
    %dma_wait3A_167 = arith.constant 0 : i32
    %dma_wait3A_168 = tpu.memref_slice %arg8[%dma_wait3A_166, %dma_wait3A_167] : memref<32x128xf32, #tpu.memory_space<vmem>> -> memref<8x128xf32, #tpu.memory_space<vmem>>
    tpu.wait_dma2 semaphore(%arg13 : memref<!tpu.dma_semaphore, #tpu.memory_space<semaphore_mem>>) src(%dma_wait3A_168 : memref<8x128xf32, #tpu.memory_space<vmem>>) dst(%dma_wait3A_165 : memref<8x128xf32, #tpu.memory_space<hbm>>)
    %dma_wait3A_169 = arith.constant 0 : i32
    %dma_wait3A_170 = arith.constant 3 : i32
    %dma_wait3A_171 = arith.constant 24 : i32
    %dma_wait3A_172 = arith.constant 0 : i32
    %dma_wait3A_173 = tpu.memref_slice %arg8[%dma_wait3A_171, %dma_wait3A_172] : memref<32x128xf32, #tpu.memory_space<vmem>> -> memref<8x128xf32, #tpu.memory_space<vmem>>
    %dma_wait3A_174 = arith.constant 0 : i32
    %dma_wait3A_175 = arith.constant 0 : i32
    %dma_wait3A_176 = tpu.memref_slice %arg4[%dma_wait3A_169, %dma_wait3A_170, %mul3A_2, %dma_wait3A_174, %dma_wait3A_175] : memref<50x4x128x8x128xf32, #tpu.memory_space<hbm>> -> memref<1x1x1x8x128xf32, #tpu.memory_space<hbm>>
    %dma_wait3A_177 = tpu.memref_squeeze %dma_wait3A_176 : memref<1x1x1x8x128xf32, #tpu.memory_space<hbm>> -> memref<8x128xf32, #tpu.memory_space<hbm>>
    %dma_wait3A_178 = arith.constant 0 : i32
    %dma_wait3A_179 = arith.constant 0 : i32
    %dma_wait3A_180 = tpu.memref_slice %arg4[%dma_wait3A_169, %dma_wait3A_170, %mul3A_2, %dma_wait3A_178, %dma_wait3A_179] : memref<50x4x128x8x128xf32, #tpu.memory_space<hbm>> -> memref<1x1x1x8x128xf32, #tpu.memory_space<hbm>>
    %dma_wait3A_181 = tpu.memref_squeeze %dma_wait3A_180 : memref<1x1x1x8x128xf32, #tpu.memory_space<hbm>> -> memref<8x128xf32, #tpu.memory_space<hbm>>
    %dma_wait3A_182 = arith.constant 24 : i32
    %dma_wait3A_183 = arith.constant 0 : i32
    %dma_wait3A_184 = tpu.memref_slice %arg8[%dma_wait3A_182, %dma_wait3A_183] : memref<32x128xf32, #tpu.memory_space<vmem>> -> memref<8x128xf32, #tpu.memory_space<vmem>>
    tpu.wait_dma2 semaphore(%arg13 : memref<!tpu.dma_semaphore, #tpu.memory_space<semaphore_mem>>) src(%dma_wait3A_184 : memref<8x128xf32, #tpu.memory_space<vmem>>) dst(%dma_wait3A_181 : memref<8x128xf32, #tpu.memory_space<hbm>>)
    %dma_wait3A_185 = arith.constant 0 : i32
    %dma_wait3A_186 = arith.constant 0 : i32
    %dma_wait3A_187 = arith.constant 0 : i32
    %dma_wait3A_188 = arith.constant 0 : i32
    %dma_wait3A_189 = tpu.memref_slice %arg9[%dma_wait3A_187, %dma_wait3A_188] : memref<32x128xf32, #tpu.memory_space<vmem>> -> memref<8x128xf32, #tpu.memory_space<vmem>>
    %dma_wait3A_190 = arith.constant 0 : i32
    %dma_wait3A_191 = arith.constant 0 : i32
    %dma_wait3A_192 = tpu.memref_slice %arg4[%dma_wait3A_185, %dma_wait3A_186, %mul3A_2, %dma_wait3A_190, %dma_wait3A_191] : memref<50x4x128x8x128xf32, #tpu.memory_space<hbm>> -> memref<1x1x1x8x128xf32, #tpu.memory_space<hbm>>
    %dma_wait3A_193 = tpu.memref_squeeze %dma_wait3A_192 : memref<1x1x1x8x128xf32, #tpu.memory_space<hbm>> -> memref<8x128xf32, #tpu.memory_space<hbm>>
    %dma_wait3A_194 = arith.constant 0 : i32
    %dma_wait3A_195 = arith.constant 0 : i32
    %dma_wait3A_196 = tpu.memref_slice %arg4[%dma_wait3A_185, %dma_wait3A_186, %mul3A_2, %dma_wait3A_194, %dma_wait3A_195] : memref<50x4x128x8x128xf32, #tpu.memory_space<hbm>> -> memref<1x1x1x8x128xf32, #tpu.memory_space<hbm>>
    %dma_wait3A_197 = tpu.memref_squeeze %dma_wait3A_196 : memref<1x1x1x8x128xf32, #tpu.memory_space<hbm>> -> memref<8x128xf32, #tpu.memory_space<hbm>>
    %dma_wait3A_198 = arith.constant 0 : i32
    %dma_wait3A_199 = arith.constant 0 : i32
    %dma_wait3A_200 = tpu.memref_slice %arg9[%dma_wait3A_198, %dma_wait3A_199] : memref<32x128xf32, #tpu.memory_space<vmem>> -> memref<8x128xf32, #tpu.memory_space<vmem>>
    tpu.wait_dma2 semaphore(%arg14 : memref<!tpu.dma_semaphore, #tpu.memory_space<semaphore_mem>>) src(%dma_wait3A_200 : memref<8x128xf32, #tpu.memory_space<vmem>>) dst(%dma_wait3A_197 : memref<8x128xf32, #tpu.memory_space<hbm>>)
    %dma_wait3A_201 = arith.constant 0 : i32
    %dma_wait3A_202 = arith.constant 1 : i32
    %dma_wait3A_203 = arith.constant 8 : i32
    %dma_wait3A_204 = arith.constant 0 : i32
    %dma_wait3A_205 = tpu.memref_slice %arg9[%dma_wait3A_203, %dma_wait3A_204] : memref<32x128xf32, #tpu.memory_space<vmem>> -> memref<8x128xf32, #tpu.memory_space<vmem>>
    %dma_wait3A_206 = arith.constant 0 : i32
    %dma_wait3A_207 = arith.constant 0 : i32
    %dma_wait3A_208 = tpu.memref_slice %arg4[%dma_wait3A_201, %dma_wait3A_202, %mul3A_2, %dma_wait3A_206, %dma_wait3A_207] : memref<50x4x128x8x128xf32, #tpu.memory_space<hbm>> -> memref<1x1x1x8x128xf32, #tpu.memory_space<hbm>>
    %dma_wait3A_209 = tpu.memref_squeeze %dma_wait3A_208 : memref<1x1x1x8x128xf32, #tpu.memory_space<hbm>> -> memref<8x128xf32, #tpu.memory_space<hbm>>
    %dma_wait3A_210 = arith.constant 0 : i32
    %dma_wait3A_211 = arith.constant 0 : i32
    %dma_wait3A_212 = tpu.memref_slice %arg4[%dma_wait3A_201, %dma_wait3A_202, %mul3A_2, %dma_wait3A_210, %dma_wait3A_211] : memref<50x4x128x8x128xf32, #tpu.memory_space<hbm>> -> memref<1x1x1x8x128xf32, #tpu.memory_space<hbm>>
    %dma_wait3A_213 = tpu.memref_squeeze %dma_wait3A_212 : memref<1x1x1x8x128xf32, #tpu.memory_space<hbm>> -> memref<8x128xf32, #tpu.memory_space<hbm>>
    %dma_wait3A_214 = arith.constant 8 : i32
    %dma_wait3A_215 = arith.constant 0 : i32
    %dma_wait3A_216 = tpu.memref_slice %arg9[%dma_wait3A_214, %dma_wait3A_215] : memref<32x128xf32, #tpu.memory_space<vmem>> -> memref<8x128xf32, #tpu.memory_space<vmem>>
    tpu.wait_dma2 semaphore(%arg14 : memref<!tpu.dma_semaphore, #tpu.memory_space<semaphore_mem>>) src(%dma_wait3A_216 : memref<8x128xf32, #tpu.memory_space<vmem>>) dst(%dma_wait3A_213 : memref<8x128xf32, #tpu.memory_space<hbm>>)
    %dma_wait3A_217 = arith.constant 0 : i32
    %dma_wait3A_218 = arith.constant 2 : i32
    %dma_wait3A_219 = arith.constant 16 : i32
    %dma_wait3A_220 = arith.constant 0 : i32
    %dma_wait3A_221 = tpu.memref_slice %arg9[%dma_wait3A_219, %dma_wait3A_220] : memref<32x128xf32, #tpu.memory_space<vmem>> -> memref<8x128xf32, #tpu.memory_space<vmem>>
    %dma_wait3A_222 = arith.constant 0 : i32
    %dma_wait3A_223 = arith.constant 0 : i32
    %dma_wait3A_224 = tpu.memref_slice %arg4[%dma_wait3A_217, %dma_wait3A_218, %mul3A_2, %dma_wait3A_222, %dma_wait3A_223] : memref<50x4x128x8x128xf32, #tpu.memory_space<hbm>> -> memref<1x1x1x8x128xf32, #tpu.memory_space<hbm>>
    %dma_wait3A_225 = tpu.memref_squeeze %dma_wait3A_224 : memref<1x1x1x8x128xf32, #tpu.memory_space<hbm>> -> memref<8x128xf32, #tpu.memory_space<hbm>>
    %dma_wait3A_226 = arith.constant 0 : i32
    %dma_wait3A_227 = arith.constant 0 : i32
    %dma_wait3A_228 = tpu.memref_slice %arg4[%dma_wait3A_217, %dma_wait3A_218, %mul3A_2, %dma_wait3A_226, %dma_wait3A_227] : memref<50x4x128x8x128xf32, #tpu.memory_space<hbm>> -> memref<1x1x1x8x128xf32, #tpu.memory_space<hbm>>
    %dma_wait3A_229 = tpu.memref_squeeze %dma_wait3A_228 : memref<1x1x1x8x128xf32, #tpu.memory_space<hbm>> -> memref<8x128xf32, #tpu.memory_space<hbm>>
    %dma_wait3A_230 = arith.constant 16 : i32
    %dma_wait3A_231 = arith.constant 0 : i32
    %dma_wait3A_232 = tpu.memref_slice %arg9[%dma_wait3A_230, %dma_wait3A_231] : memref<32x128xf32, #tpu.memory_space<vmem>> -> memref<8x128xf32, #tpu.memory_space<vmem>>
    tpu.wait_dma2 semaphore(%arg14 : memref<!tpu.dma_semaphore, #tpu.memory_space<semaphore_mem>>) src(%dma_wait3A_232 : memref<8x128xf32, #tpu.memory_space<vmem>>) dst(%dma_wait3A_229 : memref<8x128xf32, #tpu.memory_space<hbm>>)
    %dma_wait3A_233 = arith.constant 0 : i32
    %dma_wait3A_234 = arith.constant 3 : i32
    %dma_wait3A_235 = arith.constant 24 : i32
    %dma_wait3A_236 = arith.constant 0 : i32
    %dma_wait3A_237 = tpu.memref_slice %arg9[%dma_wait3A_235, %dma_wait3A_236] : memref<32x128xf32, #tpu.memory_space<vmem>> -> memref<8x128xf32, #tpu.memory_space<vmem>>
    %dma_wait3A_238 = arith.constant 0 : i32
    %dma_wait3A_239 = arith.constant 0 : i32
    %dma_wait3A_240 = tpu.memref_slice %arg4[%dma_wait3A_233, %dma_wait3A_234, %mul3A_2, %dma_wait3A_238, %dma_wait3A_239] : memref<50x4x128x8x128xf32, #tpu.memory_space<hbm>> -> memref<1x1x1x8x128xf32, #tpu.memory_space<hbm>>
    %dma_wait3A_241 = tpu.memref_squeeze %dma_wait3A_240 : memref<1x1x1x8x128xf32, #tpu.memory_space<hbm>> -> memref<8x128xf32, #tpu.memory_space<hbm>>
    %dma_wait3A_242 = arith.constant 0 : i32
    %dma_wait3A_243 = arith.constant 0 : i32
    %dma_wait3A_244 = tpu.memref_slice %arg4[%dma_wait3A_233, %dma_wait3A_234, %mul3A_2, %dma_wait3A_242, %dma_wait3A_243] : memref<50x4x128x8x128xf32, #tpu.memory_space<hbm>> -> memref<1x1x1x8x128xf32, #tpu.memory_space<hbm>>
    %dma_wait3A_245 = tpu.memref_squeeze %dma_wait3A_244 : memref<1x1x1x8x128xf32, #tpu.memory_space<hbm>> -> memref<8x128xf32, #tpu.memory_space<hbm>>
    %dma_wait3A_246 = arith.constant 24 : i32
    %dma_wait3A_247 = arith.constant 0 : i32
    %dma_wait3A_248 = tpu.memref_slice %arg9[%dma_wait3A_246, %dma_wait3A_247] : memref<32x128xf32, #tpu.memory_space<vmem>> -> memref<8x128xf32, #tpu.memory_space<vmem>>
    tpu.wait_dma2 semaphore(%arg14 : memref<!tpu.dma_semaphore, #tpu.memory_space<semaphore_mem>>) src(%dma_wait3A_248 : memref<8x128xf32, #tpu.memory_space<vmem>>) dst(%dma_wait3A_245 : memref<8x128xf32, #tpu.memory_space<hbm>>)
    return
  }
}

</mosaic_0001>

<sc_bundles>
// kernel: kernel.3.cloned.1.call-start
scs
__scs_entry_jumppad:
0x0: {  	(pc) =	sbr.rel $0x88, $3  }
0x1: {  	(tag) =	ssettag $0x0;
	lr =	simm.s32 $0x1  }
0x2: {  	[smem:$0x3F9F] =	sst lr;
	_ =	strace $0xD0000000  }
0x3: {  	_ = 	snop  }
0x4: {  	_ = 	snop  }
0x5: {  	_ = 	snop  }
0x6: {  	_ = 	snop  }
0x7: {  	_ = 	snop  }
__scs_overlays_trampoline_lowered:
0x8: {  	[smem:$0x3FAE] =	sst s0  }
0x9: {  	[smem:$0x3FAF] =	sst s1  }
0xa: {  	[smem:$0x3FB0] =	sst s2  }
0xb: {  	[smem:$0x3FB1] =	sst s3  }
0xc: {  	[smem:$0x3FB2] =	sst s4  }
0xd: {  	[smem:$0x3FB3] =	sst s5  }
0xe: {  	[smem:$0x3FB4] =	sst s6  }
0xf: {  	[smem:$0x3FB5] =	sst s7  }
0x10: {  	[smem:$0x3FB6] =	sst s8  }
0x11: {  	[smem:$0x3FB7] =	sst s9;
	s0 =	simm.s32 @!p0 $0x0  }
0x12: {  	s1 =	sld [smem:$0x3F9D];
	s0 =	simm.s32 @p0 $0x1  }
0x13: {  	[smem:$0x3FB8] =	sst s0;
	s0 =	simm.s32 @!p1 $0x0  }
0x14: {  	s2 =	sld [smem:$0x3F9C];
	s0 =	simm.s32 @p1 $0x1  }
0x15: {  	[smem:$0x3FB9] =	sst s0;
	s0 =	simm.s32 @!p2 $0x0  }
0x16: {  	s3 =	sld [smem:$0x3FDB];
	s0 =	simm.s32 @p2 $0x1  }
0x17: {  	s4 =	simm.s32 $0x1BF5;
	[smem:$0x3FBB] =	sst s0  }
0x18: {  	s0 =	sld [smem:$0x3F9E];
	_ =	swait.ge [sflag:s4], $0x0  }
0x19: {  	s7 =	sld [smem:$0x3F9F]  }
0x1a: {  	s8 =	sadd.s32 $0xFFFFE003, lr  }
0x1b: {  	s9 =	sadd.s32 $0xFFFFFEF7, lr;
	s5 =	simm.s32 $0xFFFFFFFF;
	p2 =	slt.u32 s8, $0xFFFFF086  }
0x1c: {  	p1 =	slt.u32 s9, $0xF7A;
	s5 =	simm.s32 @!p2 $0x0  }
0x1d: {  	s5 =	simm.s32 @p1 $0x1;
	p0 =	seq.s32 s7, s2  }
0x1e: {  	s7 =	smul.u32 @!p0 $0xF7A, s2;
	p2 =	seq.s32 @!p0 s5, $0x0  }
0x1f: {  	s9 =	smul.u32 $0xF7A, s1;
	s8 =	simm.s32 @!p0 $0x1BF5;
	p2 =	por !p2, p0  }
0x20: {  	[sflag:s8] =	ssyncset.s32 @!p0 $0xFFFFF086;
	s6 =	sadd.s32 @!p0 s3, s7;
	s7 =	simm.s32 @!p0 $0x108  }
0x21: {  	s3 =	sadd.s32 s3, s9;
	s6 =	sadd.s32 @!p0 $0x88, s6;
	s7 =	simm.s32 @p2 $0x1082  }
0x22: {  	[simem:s7], [sflag:s8] =	dma.local @!p0 [hbm:s6], $0xF7A  }
0x23: {  	s9 =	sor.u32 $0xD0000000, s2;
	s6 =	simm.s32 $0x108;
	_ =	swait.ge @!p0 [sflag:s8], $0x0  }
0x24: {  	s3 =	sadd.s32 $0x88, s3;
	s6 =	simm.s32 @!p1 $0x1082;
	[sflag:s4] =	ssyncset.s32 $0xFFFFF086  }
0x25: {  	[simem:s6], [sflag:s4] =	dma.local [hbm:s3], $0xF7A  }
0x26: {  	[smem:$0x3F9F] =	sst s1;
	(tag) =	ssettag s2;
	_ =	strace s9  }
0x27: {  	s1 =	sld [smem:$0x3FAF]  }
0x28: {  	s2 =	sld [smem:$0x3FB0]  }
0x29: {  	s4 =	sld [smem:$0x3FB2]  }
0x2a: {  	p0 =	seq.s32 s5, $0x0;
	s5 =	sld [smem:$0x3FB3]  }
0x2b: {  	s6 =	sld [smem:$0x3FB4]  }
0x2c: {  	s7 =	sld [smem:$0x3FB5]  }
0x2d: {  	s3 =	simm.s32 $0x108;
	s8 =	sld [smem:$0x3FB6]  }
0x2e: {  	s3 =	simm.s32 @!p0 $0x1082;
	s9 =	sld [smem:$0x3FB7]  }
0x2f: {  	lr =	sadd.s32 s0, s3;
	s0 =	sld [smem:$0x3FAE]  }
0x30: {  	s3 =	sld [smem:$0x3FB1]  }
0x31: {  	[smem:$0x3FBA] =	sst s10  }
0x32: {  	s10 =	sld [smem:$0x3FB8];
	_ =	sdelay $0x3  }
0x33: {  	p0 =	seq.s32 s10, $0x1;
	s10 =	sld [smem:$0x3FBA];
	_ =	sdelay $0x3  }
0x34: {  	[smem:$0x3FBA] =	sst s10  }
0x35: {  	s10 =	sld [smem:$0x3FB9];
	_ =	sdelay $0x3  }
0x36: {  	p1 =	seq.s32 s10, $0x1;
	s10 =	sld [smem:$0x3FBA];
	_ =	sdelay $0x3  }
0x37: {  	[smem:$0x3FBA] =	sst s10  }
0x38: {  	s10 =	sld [smem:$0x3FBB]  }
0x39: {  	_ = 	snop;
	(pc) =	sbr.ind lr, $3  }
0x3a: {  	_ = 	snop  }
0x3b: {  	_ = 	snop  }
0x3c: {  	p2 =	seq.s32 s10, $0x1;
	s10 =	sld [smem:$0x3FBA]  }
0x3d: {  	_ =	shalt  }
0x3e: {  	_ =	shalt  }
0x3f: {  	_ =	shalt  }
0x40: {  	_ =	shalt  }
0x41: {  	_ =	shalt  }
0x42: {  	_ =	shalt  }
0x43: {  	_ =	shalt  }
0x44: {  	_ =	shalt  }
0x45: {  	_ =	shalt  }
0x46: {  	_ =	shalt  }
0x47: {  	_ =	shalt  }
0x48: {  	_ =	shalt  }
0x49: {  	_ =	shalt  }
0x4a: {  	_ =	shalt  }
0x4b: {  	_ =	shalt  }
0x4c: {  	_ =	shalt  }
0x4d: {  	_ =	shalt  }
0x4e: {  	_ =	shalt  }
0x4f: {  	_ =	shalt  }
0x50: {  	_ =	shalt  }
0x51: {  	_ =	shalt  }
0x52: {  	_ =	shalt  }
0x53: {  	_ =	shalt  }
0x54: {  	_ =	shalt  }
0x55: {  	_ =	shalt  }
0x56: {  	_ =	shalt  }
0x57: {  	_ =	shalt  }
0x58: {  	_ =	shalt  }
0x59: {  	_ =	shalt  }
0x5a: {  	_ =	shalt  }
0x5b: {  	_ =	shalt  }
0x5c: {  	_ =	shalt  }
0x5d: {  	_ =	shalt  }
0x5e: {  	_ =	shalt  }
0x5f: {  	_ =	shalt  }
0x60: {  	_ =	shalt  }
0x61: {  	_ =	shalt  }
0x62: {  	_ =	shalt  }
0x63: {  	_ =	shalt  }
0x64: {  	_ =	shalt  }
0x65: {  	_ =	shalt  }
0x66: {  	_ =	shalt  }
0x67: {  	_ =	shalt  }
0x68: {  	_ =	shalt  }
0x69: {  	_ =	shalt  }
0x6a: {  	_ =	shalt  }
0x6b: {  	_ =	shalt  }
0x6c: {  	_ =	shalt  }
0x6d: {  	_ =	shalt  }
0x6e: {  	_ =	shalt  }
0x6f: {  	_ =	shalt  }
0x70: {  	_ =	shalt  }
0x71: {  	_ =	shalt  }
0x72: {  	_ =	shalt  }
0x73: {  	_ =	shalt  }
0x74: {  	_ =	shalt  }
0x75: {  	_ =	shalt  }
0x76: {  	_ =	shalt  }
0x77: {  	_ =	shalt  }
0x78: {  	_ =	shalt  }
0x79: {  	_ =	shalt  }
0x7a: {  	_ =	shalt  }
0x7b: {  	_ =	shalt  }
0x7c: {  	_ =	shalt  }
0x7d: {  	_ =	shalt  }
0x7e: {  	_ =	shalt  }
0x7f: {  	_ =	shalt  }
0x80: {  	_ =	shalt  }
0x81: {  	_ =	shalt  }
0x82: {  	_ =	shalt  }
0x83: {  	_ =	shalt  }
0x84: {  	_ =	shalt  }
0x85: {  	_ =	shalt  }
0x86: {  	_ =	shalt  }
0x87: {  	_ =	shalt  }
.Lfunc_end0:
.L_simem_size_0:
called_computation.1_lowered:
.L_overlay_start_0:
0x88: {  	s2 =	sld [smem:$0x3FD9]  }
0x89: {  	s3 =	sld [smem:$0x3FFE];
	_ =	sdelay $0x1  }
0x8a: {  	s1 =	srdreg.scid  }
0x8b: {  	s0 =	sand.u32 $0x1, s1  }
0x8c: {  	s17 =	sshll.u32 s0, $0xA;
	s2 =	sadd.s32 s3, s2  }
0x8d: {  	s2 =	sadd.s32 s2, s17  }
0x8e: {  	[smem:$0x3FC6] =	sst s2  }
0x8f: {  	_ = 	snop  }
0x90: {  	s2 =	sld [smem:$0x3FD0];
	(tm) =	ssettm $0x1  }
0x91: {  	s18 =	sld [smem:$0x3FFB];
	_ =	sdelay $0x3  }
0x92: {  	_ =	strace s18  }
0x93: {  	s3 =	sld [smem:$0x3FFC];
	_ =	sdelay $0x3  }
0x94: {  	_ =	strace s3  }
0x95: {  	s3 =	sld [smem:$0x3FFD];
	_ =	sdelay $0x3  }
0x96: {  	_ =	strace s3  }
0x97: {  	_ =	strace $0x8FFFFFFF  }
0x98: {  	s19 =	sld [smem:$0x3FDB];
	_ =	sdelay $0x1  }
0x99: {  	s4 =	simm.s32 $_scs_section_size  }
0x9a: {  	s5 =	simm.s32 $_size__tile_overlayer_lowered;
	s6 =	simm.s32 $_tile_overlayer_lowered  }
0x9b: {  	s22 =	simm.s32 $0x1BFF;
	s21 =	sshll.u32 s6, $0x1;
	s3 =	sadd.s32 s4, s19  }
0x9c: {  	s7 =	simm.s32 $0x0;
	s20 =	sshll.u32 s5, $0x1;
	s5 =	sadd.s32 s21, s3  }
0x9d: {  	[timem:s7], [sflag:s22] =	dma.local [hbm:s5], s20  }
0x9e: {  	_ =	swait.ge [sflag:s22], s20  }
0x9f: {  	s4 =	ssub.s32 $0x0, s20;
	[sflag:s22] =	ssyncset.done $0x0  }
0xa0: {  	[sflag:s22] =	ssyncadd.s32 s4;
	_ =	sdelay $0x1  }
0xa1: {  	s23 =	simm.s32 $0x1B8B  }
0xa2: {  	_ =	swait.ge [sflag:s23], $0x1  }
0xa3: {  	[sflag:s23] =	ssyncset.done $0x0  }
0xa4: {  	s25 =	simm.s32 $0x1B8E;
	s24 =	sld [smem:$0x3FFE];
	[sflag:s23] =	ssyncadd.s32 $0xFFFFFFFF  }
0xa5: {  	s26 =	simm.s32 $execute0_lowered;
	[smem:$0x3FD2] =	sst s25  }
0xa6: {  	s5 =	sshll.u32 s26, $0x1;
	_ =	strace $0x80000049;
	[dreg:$0x1] =	wrdreg $0xFFFFFFFF  }
0xa7: {  	s28 =	simm.s32 $_size_execute0_lowered;
	s3 =	sadd.s32 s3, s5;
	[dreg:$0x0] =	wrdreg $0x0  }
0xa8: {  	s5 =	sshll.u32 s28, $0x1;
	[dreg:$0x2] =	wrdreg s3  }
0xa9: {  	[dreg:$0x3] =	wrdreg s5  }
0xaa: {  	[dreg:$0x4] =	wrdreg $0xC0  }
0xab: {  	_ =	task [dreg:s7], $0x5FFFF  }
0xac: {  	[dreg:$0x1] =	wrdreg $0xFFFFFFFF  }
0xad: {  	[dreg:$0x0] =	wrdreg $0x60  }
0xae: {  	[dreg:$0x2] =	wrdreg s24  }
0xaf: {  	[dreg:$0x3] =	wrdreg s2  }
0xb0: {  	[dreg:$0x4] =	wrdreg $0x9  }
0xb1: {  	_ =	task.clear_ibuf [dreg:s7], $0x5FFFF;
	_ =	strace $0x90000049  }
0xb2: {  	s29 =	simm.s32 $0x9;
	_ =	strace $0x8000004B  }
0xb3: {  	_ =	swait.ge [sflag:s29], $0x1  }
0xb4: {  	[sflag:s29] =	ssyncadd.s32 $0xFFFFFFFF  }
0xb5: {  	_ =	strace $0x9000004B  }
0xb6: {  	_ =	sfence  }
0xb7: {  	s30 =	sld [smem:$0x0];
	_ =	sdelay $0x2  }
0xb8: {  	s31 =	sshll.u32 s1, $0xD;
	s1 =	sshrl.u32 s1, $0x2  }
0xb9: {  	s3 =	sand.u32 $0x4000, s31;
	s1 =	sadd.s32 s1, s30  }
0xba: {  	s0 =	sor.u32 s3, s0;
	s1 =	sshll.u32 s1, $0x11  }
0xbb: {  	s0 =	sor.u32 s1, s0  }
0xbc: {  	s0 =	sadd.s32 $0x8F2B, s0  }
0xbd: {  	[sflag:s0] =	ssyncadd.remote.s32 $0x1  }
0xbe: {  	_ =	sfence.sel $0xFFFF  }
0xbf: {  	[dreg:$0x0] =	wrdreg $0xFFFFFFFF;
	(pc) =	sbr.abs _section_cstart, $3  }
0xc0: {  	[dreg:$0x1] =	wrdreg $0xFFFFFFFF  }
0xc1: {  	_ =	task.clear_ibuf [dreg:s7], $0x2FFFF;
	_ =	strace $0x9FFFFFFF  }
0xc2: {  	(tm) =	ssettm $0x7FFFFFFF  }
0xc3: {  	_ =	shalt  }
tec
execute0_lowered:
.L_overlay_start_1:
0x0: {  	(tag) =	ssettag $0x1  }
0x1: {  	vm14 =	vcmask $0x300  }
0x2: {  	v0 =	vimm.s32 $0x787;
	vm15 =	vcmask $0x704;
	vm13 =	vcmask $0xB08  }
0x3: {  	vm12 =	vcmask $0xF0C;
	vm11 =	vcmask $0x1310;
	vm10 =	vcmask $0x1714  }
0x4: {  	vm9 =	vcmask $0x1B18;
	v1 =	vimm.s32 $0xF87;
	vm8 =	vcmask $0x1F1C  }
0x5: {  	vm7 =	vcmask $0x2320;
	vm6 =	vcmask $0x2724;
	vm4 =	vcmask $0x2B28  }
0x6: {  	v2 =	vimm.s32 $0x7;
	vm1 =	vcmask $0x2F2C;
	vm2 =	vcmask $0x3330  }
0x7: {  	vm3 =	vcmask $0x3734;
	vm5 =	vcmask $0x3B38;
	v3 =	vimm.s32 $0xFEDCBA9  }
0x8: {  	v4 =	vimm.s32 $0x87654321;
	v51 =	vimm.s32 $0x807;
	vm0 =	vcmask $0x1F10  }
0x9: {  	v56 =	vimm.s32 $0x1C1B1A19;
	v59 =	vimm.s32 $0x101F1E1D;
	v60 =	vimm.s32 $0x87  }
0xa: {  	v61 =	vimm.s32 $0x14131211;
	v63 =	vimm.s32 $0x18171615;
	v10 =	vimm.s32 $0x10FEDCBA  }
0xb: {  	v7 =	vimm.s32 $0x98765432;
	v8 =	vimm.s32 $0x887;
	v35 =	vimm.s32 $0x1D1C1B1A  }
0xc: {  	v36 =	vimm.s32 $0x107;
	v40 =	vimm.s32 $0x11101F1E;
	v41 =	vimm.s32 $0x15141312  }
0xd: {  	v42 =	vimm.s32 $0x210FEDCB;
	v43 =	vimm.s32 $0xA9876543;
	v44 =	vimm.s32 $0x19181716  }
0xe: {  	v46 =	vimm.s32 $0x907;
	v0 =	vsel vm14, $0x0, v0;
	v1 =	vsel vm14, $0x800, v1  }
0xf: {  	v2 =	vsel vm14, $0x80, v2;
	v3 =	vunpack.c.l.s4.s8 v3;
	v4 =	vunpack.c.l.s4.s8 v4  }
0x10: {  	v7 =	vunpack.c.l.s4.s8 v7;
	v11 =	vsel vm14, $0x900, v8;
	v45 =	vunpack.c.0.s8.s32 v35  }
0x11: {  	v39 =	vsel vm14, $0x180, v36;
	v35 =	vunpack.c.0.s8.s32 v41;
	v36 =	vunpack.c.0.s8.s32 v44  }
0x12: {  	v48 =	vsel vm14, $0x980, v46;
	v46 =	vimm.s32 $0x1F1E1D1C;
	v0 =	vsel vm15, $0x81, v0  }
0x13: {  	v1 =	vsel vm15, $0x881, v1;
	v2 =	vsel vm15, $0x101, v2;
	v20 =	vunpack.c.0.s8.s32 v46  }
0x14: {  	v0 =	vsel vm13, $0x102, v0;
	v1 =	vsel vm13, $0x902, v1;
	v2 =	vsel vm13, $0x182, v2  }
0x15: {  	v3 =	vunpack.c.0.s8.s32 v3;
	v4 =	vunpack.c.0.s8.s32 v4;
	v7 =	vunpack.c.0.s8.s32 v7  }
0x16: {  	v0 =	vsel vm12, $0x183, v0;
	v1 =	vsel vm12, $0x983, v1;
	v2 =	vsel vm12, $0x203, v2  }
0x17: {  	v0 =	vsel vm11, $0x204, v0;
	v1 =	vsel vm11, $0xA04, v1;
	v2 =	vsel vm11, $0x284, v2  }
0x18: {  	[tilespmem:$0x1FAF0] =	vst v3;
	v3 =	vcombine.low v4, v3;
	v0 =	vsel vm10, $0x285, v0;
	v1 =	vsel vm10, $0xA85, v1  }
0x19: {  	v2 =	vsel vm10, $0x305, v2;
	v0 =	vsel vm9, $0x306, v0;
	v1 =	vsel vm9, $0xB06, v1  }
0x1a: {  	v2 =	vsel vm9, $0x386, v2;
	v58 =	vand.u32 $0xF, v3;
	v3 =	vsel vm14, $0x100, v60  }
0x1b: {  	v60 =	vimm.s32 $0xBA987654;
	v0 =	vsel vm8, $0x387, v0;
	v1 =	vsel vm8, $0xB87, v1  }
0x1c: {  	v2 =	vsel vm8, $0x407, v2;
	v3 =	vsel vm15, $0x181, v3;
	v0 =	vsel vm7, $0x400, v0  }
0x1d: {  	v1 =	vsel vm7, $0xC00, v1;
	v2 =	vsel vm7, $0x480, v2;
	v6 =	vsel vm13, $0x202, v3  }
0x1e: {  	v3 =	vunpack.c.0.s8.s32 v63;
	v0 =	vsel vm6, $0x481, v0;
	v1 =	vsel vm6, $0xC81, v1  }
0x1f: {  	v50 =	vsel vm6, $0x501, v2;
	v2 =	vsel vm14, $0x880, v51;
	v9 =	vsel vm12, $0x283, v6  }
0x20: {  	v6 =	vunpack.c.l.s4.s8 v10;
	v51 =	vimm.s32 $0x1211101F;
	v0 =	vsel vm4, $0x502, v0  }
0x21: {  	v1 =	vsel vm4, $0xD02, v1;
	v54 =	vsel vm15, $0x901, v2;
	v41 =	vunpack.c.0.s8.s32 v51  }
0x22: {  	v51 =	vimm.s32 $0x207;
	v0 =	vsel vm1, $0x583, v0;
	v1 =	vsel vm1, $0xD83, v1  }
0x23: {  	v55 =	vsel vm13, $0x982, v54;
	v0 =	vsel vm2, $0x604, v0;
	v49 =	vsel vm2, $0xE04, v1  }
0x24: {  	v1 =	vsel vm4, $0x582, v50;
	v57 =	vsel vm12, $0xA03, v55;
	v55 =	vimm.s32 $0x16151413  }
0x25: {  	v0 =	vsel vm3, $0x685, v0;
	v1 =	vsel vm1, $0x603, v1;
	v2 =	vsel vm11, $0xA84, v57  }
0x26: {  	v57 =	vimm.s32 $0x3210FEDC;
	v53 =	vsel vm5, $0x706, v0;
	v0 =	vsel vm3, $0xE85, v49  }
0x27: {  	v1 =	vsel vm2, $0x684, v1;
	v2 =	vsel vm10, $0xB05, v2;
	v49 =	vimm.s32 $0x1E1D1C1B  }
0x28: {  	v19 =	vsel vm5, $0xF06, v0;
	v52 =	vsel vm3, $0x705, v1;
	v0 =	vunpack.c.0.s8.s32 v56  }
0x29: {  	v1 =	vunpack.c.0.s8.s32 v59;
	v5 =	vsel vm9, $0xB86, v2;
	v2 =	vunpack.c.0.s8.s32 v61  }
0x2a: {  	v56 =	vimm.s32 $0x1A191817;
	v12 =	vsel vm5, $0x786, v52;
	v62 =	vsel vm8, $0xC07, v5  }
0x2b: {  	v5 =	vsel vm11, $0x304, v9;
	v9 =	vunpack.c.0.s8.s32 v6;
	v6 =	vsel vm15, $0x981, v11  }
0x2c: {  	v52 =	vimm.s32 $0x187;
	v44 =	vunpack.c.0.s8.s32 v56;
	v56 =	vimm.s32 $0xCBA98765  }
0x2d: {  	[tilespmem:$0x1FB00] =	vst v4;
	v4 =	vsel vm7, $0xC80, v62;
	v28 =	vsel vm0, v1, v0;
	v29 =	vsel vm0, v3, v2  }
0x2e: {  	v5 =	vsel vm10, $0x385, v5;
	v6 =	vsel vm13, $0xA02, v6;
	v54 =	vsel vm14, $0x200, v52  }
0x2f: {  	v52 =	vimm.s32 $0x17161514;
	v4 =	vsel vm6, $0xD01, v4;
	v5 =	vsel vm9, $0x406, v5  }
0x30: {  	[tilespmem:$0x1FB20] =	vst v7;
	v7 =	vcombine.low v7, v9;
	v6 =	vsel vm12, $0xA83, v6;
	v4 =	vsel vm4, $0xD82, v4  }
0x31: {  	v5 =	vsel vm8, $0x487, v5;
	v33 =	vsel vm11, $0xB04, v6;
	v6 =	vunpack.c.l.s4.s8 v42  }
0x32: {  	v4 =	vsel vm1, $0xE03, v4;
	v5 =	vsel vm7, $0x500, v5;
	v38 =	vand.u32 $0xF, v7  }
0x33: {  	v34 =	vsel vm10, $0xB85, v33;
	v7 =	vunpack.c.l.s4.s8 v43;
	v43 =	vunpack.c.0.s8.s32 v55  }
0x34: {  	v55 =	vimm.s32 $0x43210FED;
	v4 =	vsel vm2, $0xE84, v4;
	v5 =	vsel vm6, $0x581, v5  }
0x35: {  	v6 =	vunpack.c.0.s8.s32 v6;
	v5 =	vsel vm4, $0x602, v5;
	v4 =	vsel vm3, $0xF05, v4  }
0x36: {  	v7 =	vunpack.c.0.s8.s32 v7;
	v5 =	vsel vm1, $0x683, v5;
	v59 =	vsel vm5, $0xF86, v4  }
0x37: {  	v4 =	vsel vm9, $0xC06, v34;
	v34 =	vunpack.c.0.s8.s32 v40;
	v40 =	vunpack.c.0.s8.s32 v49  }
0x38: {  	[tilespmem:$0x1FB30] =	vst v6;
	v5 =	vsel vm2, $0x704, v5;
	v4 =	vsel vm8, $0xC87, v4;
	v6 =	vcombine.low v7, v6  }
0x39: {  	[tilespmem:$0x1FB40] =	vst v7;
	v7 =	vunpack.c.l.s4.s8 v60;
	v32 =	vsel vm3, $0x785, v5;
	v4 =	vsel vm7, $0xD00, v4  }
0x3a: {  	v5 =	vsel vm15, $0x201, v39;
	v37 =	vsel vm5, $0x6, v32;
	v4 =	vsel vm6, $0xD81, v4  }
0x3b: {  	v5 =	vsel vm13, $0x282, v5;
	v62 =	vand.u32 $0xF, v6;
	v6 =	vunpack.c.l.s4.s8 v57  }
0x3c: {  	v7 =	vunpack.c.0.s8.s32 v7;
	v32 =	vimm.s32 $0x987;
	v57 =	vimm.s32 $0xA07  }
0x3d: {  	v4 =	vsel vm4, $0xE02, v4;
	v5 =	vsel vm12, $0x303, v5;
	v8 =	vsel vm14, $0xA80, v57  }
0x3e: {  	v4 =	vsel vm1, $0xE83, v4;
	v5 =	vsel vm11, $0x384, v5;
	v61 =	vunpack.c.0.s8.s32 v6  }
0x3f: {  	v6 =	vsel vm14, $0xA00, v32;
	v5 =	vsel vm10, $0x405, v5;
	v4 =	vsel vm2, $0xF04, v4  }
0x40: {  	v6 =	vsel vm15, $0xA81, v6;
	v5 =	vsel vm9, $0x486, v5;
	v4 =	vsel vm3, $0xF85, v4  }
0x41: {  	[tilespmem:$0x1FB60] =	vst v7;
	v7 =	vcombine.low v7, v61;
	v42 =	vsel vm13, $0xB02, v6;
	v6 =	vunpack.c.l.s4.s8 v55  }
0x42: {  	[tilespmem:$0x1FB50] =	vst v61;
	v61 =	vsel vm15, $0xB01, v8;
	v8 =	vimm.s32 $0xFEDCBA98;
	v5 =	vsel vm8, $0x507, v5  }
0x43: {  	v5 =	vsel vm7, $0x580, v5;
	v39 =	vand.u32 $0xF, v7;
	v7 =	vunpack.c.l.s4.s8 v56  }
0x44: {  	v60 =	vunpack.c.0.s8.s32 v6;
	v6 =	vsel vm13, $0xB82, v61;
	v5 =	vsel vm6, $0x601, v5  }
0x45: {  	v30 =	vsel vm5, $0x806, v4;
	v6 =	vsel vm12, $0xC03, v6;
	v5 =	vsel vm4, $0x682, v5  }
0x46: {  	v7 =	vunpack.c.0.s8.s32 v7;
	v47 =	vsel vm1, $0x703, v5;
	v5 =	vsel vm15, $0xA01, v48  }
0x47: {  	v6 =	vsel vm11, $0xC84, v6;
	v4 =	vsel vm2, $0x784, v47;
	v5 =	vsel vm13, $0xA82, v5  }
0x48: {  	v4 =	vsel vm3, $0x5, v4;
	v50 =	vsel vm12, $0xB03, v5;
	v5 =	vsel vm15, $0x281, v54  }
0x49: {  	v63 =	vsel vm5, $0x86, v4;
	v4 =	vsel vm11, $0xB84, v50;
	v5 =	vsel vm13, $0x302, v5  }
0x4a: {  	v10 =	vsel vm10, $0xD05, v6;
	v4 =	vsel vm10, $0xC05, v4;
	v5 =	vsel vm12, $0x383, v5  }
0x4b: {  	v6 =	vimm.s32 $0xDCBA9876;
	v4 =	vsel vm9, $0xC86, v4;
	v5 =	vsel vm11, $0x404, v5  }
0x4c: {  	v47 =	vimm.s32 $0x13121110;
	v4 =	vsel vm8, $0xD07, v4;
	v5 =	vsel vm10, $0x485, v5  }
0x4d: {  	[tilespmem:$0x1FB80] =	vst v7;
	v7 =	vcombine.low v7, v60;
	v4 =	vsel vm7, $0xD80, v4;
	v5 =	vsel vm9, $0x506, v5  }
0x4e: {  	[tilespmem:$0x1FB70] =	vst v60;
	v60 =	vimm.s32 $0xA87;
	v4 =	vsel vm6, $0xE01, v4;
	v5 =	vsel vm8, $0x587, v5  }
0x4f: {  	v54 =	vimm.s32 $0x1B1A1918;
	v4 =	vsel vm4, $0xE82, v4;
	v5 =	vsel vm7, $0x600, v5  }
0x50: {  	v50 =	vunpack.c.0.s8.s32 v47;
	v4 =	vsel vm1, $0xF03, v4;
	v5 =	vsel vm6, $0x681, v5  }
0x51: {  	v32 =	vunpack.c.0.s8.s32 v54;
	v4 =	vsel vm2, $0xF84, v4;
	v5 =	vsel vm4, $0x702, v5  }
0x52: {  	v46 =	vand.u32 $0xF, v7;
	v4 =	vsel vm3, $0x805, v4;
	v5 =	vsel vm1, $0x783, v5  }
0x53: {  	v49 =	vsel vm5, $0x886, v4;
	v33 =	vsel vm2, $0x4, v5;
	v5 =	vsel vm12, $0xB83, v42  }
0x54: {  	v4 =	vsel vm3, $0x85, v33;
	v5 =	vsel vm11, $0xC04, v5;
	v33 =	vunpack.c.0.s8.s32 v52  }
0x55: {  	v52 =	vimm.s32 $0x287;
	v42 =	vsel vm5, $0x106, v4;
	v5 =	vsel vm10, $0xC85, v5  }
0x56: {  	v55 =	vsel vm14, $0x300, v52;
	v48 =	vsel vm9, $0xD06, v5;
	v5 =	vsel vm14, $0x280, v51  }
0x57: {  	v52 =	vimm.s32 $0xB07;
	v57 =	vsel vm15, $0x381, v55;
	v5 =	vsel vm15, $0x301, v5  }
0x58: {  	v55 =	vimm.s32 $0x387;
	v4 =	vsel vm8, $0xD87, v48;
	v5 =	vsel vm13, $0x382, v5  }
0x59: {  	v48 =	vsel vm0, v2, v1;
	v1 =	vsel vm13, $0x402, v57;
	v5 =	vsel vm12, $0x403, v5  }
0x5a: {  	v2 =	vsel vm14, $0xB00, v60;
	v57 =	vimm.s32 $0x407;
	v5 =	vsel vm11, $0x484, v5  }
0x5b: {  	v60 =	vimm.s32 $0xC07;
	v4 =	vsel vm7, $0xE00, v4;
	v5 =	vsel vm10, $0x505, v5  }
0x5c: {  	v1 =	vsel vm12, $0x483, v1;
	v4 =	vsel vm6, $0xE81, v4;
	v5 =	vsel vm9, $0x586, v5  }
0x5d: {  	v2 =	vsel vm15, $0xB81, v2;
	v4 =	vsel vm4, $0xF02, v4;
	v5 =	vsel vm8, $0x607, v5  }
0x5e: {  	v1 =	vsel vm11, $0x504, v1;
	v4 =	vsel vm1, $0xF83, v4;
	v5 =	vsel vm7, $0x680, v5  }
0x5f: {  	v2 =	vsel vm13, $0xC02, v2;
	v4 =	vsel vm2, $0x804, v4;
	v5 =	vsel vm6, $0x701, v5  }
0x60: {  	v1 =	vsel vm10, $0x585, v1;
	v4 =	vsel vm3, $0x885, v4;
	v5 =	vsel vm4, $0x782, v5  }
0x61: {  	v61 =	vsel vm9, $0x606, v1;
	v4 =	vsel vm5, $0x906, v4;
	v5 =	vsel vm1, $0x3, v5  }
0x62: {  	[tilespmem:$0x1FB10] =	vst v9;
	v9 =	vsel vm2, $0x84, v5;
	v5 =	vsel vm9, $0xD86, v10;
	v10 =	vsel vm0, v0, v3  }
0x63: {  	[tilespmem:$0x1FB90] =	vst v4;
	v3 =	vunpack.c.l.s4.s8 v6;
	v6 =	vimm.s32 $0xC87;
	v4 =	vsel vm3, $0x105, v9  }
0x64: {  	v11 =	vsel vm8, $0xE07, v5;
	v5 =	vimm.s32 $0x543210FE;
	v9 =	vimm.s32 $0x307  }
0x65: {  	v47 =	vsel vm5, $0x186, v4;
	v54 =	vsel vm7, $0xE80, v11;
	v4 =	vsel vm12, $0xC83, v2  }
0x66: {  	v2 =	vunpack.c.l.s4.s8 v5;
	v31 =	vunpack.c.0.s8.s32 v3;
	v11 =	vimm.s32 $0x76543210  }
0x67: {  	v56 =	vsel vm6, $0xF01, v54;
	v1 =	vsel vm11, $0xD04, v4;
	v3 =	vunpack.c.l.s4.s8 v11  }
0x68: {  	v11 =	vimm.s32 $0xD87;
	v0 =	vsel vm4, $0xF82, v56;
	v1 =	vsel vm10, $0xD85, v1  }
0x69: {  	v27 =	vunpack.c.0.s8.s32 v2;
	v2 =	vsel vm14, $0x380, v9;
	v56 =	vimm.s32 $0xB87  }
0x6a: {  	v9 =	vimm.s32 $0x587;
	v0 =	vsel vm1, $0x803, v0;
	v1 =	vsel vm9, $0xE06, v1  }
0x6b: {  	v14 =	vsel vm15, $0x401, v2;
	v54 =	vunpack.c.0.s8.s32 v3;
	v3 =	vsel vm14, $0x400, v55  }
0x6c: {  	v2 =	vsel vm14, $0xC80, v60;
	v55 =	vimm.s32 $0x687;
	v60 =	vimm.s32 $0xF07  }
0x6d: {  	v0 =	vsel vm2, $0x884, v0;
	v1 =	vsel vm8, $0xE87, v1;
	v16 =	vsel vm15, $0x481, v3  }
0x6e: {  	v22 =	vsel vm15, $0xD01, v2;
	v0 =	vsel vm3, $0x905, v0;
	v1 =	vsel vm7, $0xF00, v1  }
0x6f: {  	v26 =	vsel vm14, $0xF80, v60;
	v0 =	vsel vm5, $0x986, v0;
	v1 =	vsel vm6, $0xF81, v1  }
0x70: {  	[tilespmem:$0x1FBA0] =	vst v0;
	v0 =	vsel vm8, $0x687, v61;
	v7 =	vsel vm4, $0x802, v1;
	v1 =	vunpack.c.l.s4.s8 v8  }
0x71: {  	v61 =	vimm.s32 $0x487;
	v8 =	vimm.s32 $0xD07;
	v0 =	vsel vm7, $0x700, v0  }
0x72: {  	v0 =	vsel vm6, $0x781, v0;
	v51 =	vunpack.c.0.s8.s32 v1;
	v1 =	vsel vm14, $0xB80, v52  }
0x73: {  	v52 =	vimm.s32 $0x607;
	v0 =	vsel vm4, $0x2, v0;
	v15 =	vsel vm15, $0xC01, v1  }
0x74: {  	v1 =	vsel vm14, $0x480, v57;
	v57 =	vimm.s32 $0x707;
	v0 =	vsel vm1, $0x83, v0  }
0x75: {  	v18 =	vsel vm15, $0x501, v1;
	v1 =	vsel vm14, $0xD00, v6;
	v3 =	vsel vm14, $0x780, v57  }
0x76: {  	v0 =	vsel vm2, $0x104, v0;
	v24 =	vsel vm15, $0xD81, v1;
	v1 =	vsel vm14, $0x600, v9  }
0x77: {  	v4 =	vsel vm3, $0x185, v0;
	v0 =	vsel vm1, $0x883, v7;
	v7 =	vimm.s32 $0x507  }
0x78: {  	v5 =	vsel vm2, $0x904, v0;
	v0 =	vand.u32 $0xF, v51;
	v2 =	vsel vm14, $0x580, v7  }
0x79: {  	v51 =	vcombine.low v0, v54;
	v0 =	vsel vm14, $0xC00, v56;
	v25 =	vsel vm15, $0x601, v2  }
0x7a: {  	v2 =	vsel vm14, $0xE00, v11;
	v54 =	vimm.s32 $0xE07;
	v56 =	vimm.s32 $0xE87  }
0x7b: {  	v5 =	vsel vm3, $0x985, v5;
	v17 =	vsel vm15, $0xC81, v0;
	v0 =	vsel vm14, $0x500, v61  }
0x7c: {  	v9 =	vsel vm15, $0xE81, v2;
	v2 =	vsel vm14, $0x700, v55;
	v21 =	vsel vm5, $0xA06, v5  }
0x7d: {  	v23 =	vsel vm15, $0x581, v0;
	v0 =	vsel vm14, $0xD80, v8;
	v8 =	vsel vm15, $0x681, v1  }
0x7e: {  	v1 =	vsel vm14, $0xE80, v54;
	v2 =	vsel vm15, $0x781, v2;
	v54 =	vsel vm13, $0xC82, v15  }
0x7f: {  	v60 =	vsel vm13, $0xD02, v17;
	v13 =	vsel vm15, $0xE01, v0;
	v0 =	vsel vm14, $0x680, v52  }
0x80: {  	v1 =	vsel vm15, $0xF01, v1;
	v52 =	vsel vm13, $0x482, v14;
	v14 =	vsel vm13, $0x502, v16  }
0x81: {  	v5 =	vsel vm12, $0xD03, v54;
	v2 =	vsel vm13, $0x2, v2;
	v7 =	vsel vm15, $0x701, v0  }
0x82: {  	v0 =	vsel vm14, $0xF00, v56;
	v14 =	vsel vm12, $0x583, v14;
	v5 =	vsel vm11, $0xD84, v5  }
0x83: {  	v1 =	vsel vm13, $0xF82, v1;
	v2 =	vsel vm12, $0x83, v2;
	v6 =	vsel vm15, $0xF81, v0  }
0x84: {  	[tilespmem:$0x1FBC0] =	vst v31;
	v0 =	vsel vm15, $0x1, v3;
	v3 =	vsel vm15, $0x801, v26;
	v26 =	vcombine.low v31, v27  }
0x85: {  	[tilespmem:$0x1FBB0] =	vst v27;
	v27 =	vimm.s32 $0x6543210F;
	v31 =	vimm.s32 $0xEDCBA987;
	v14 =	vsel vm11, $0x604, v14  }
0x86: {  	v5 =	vsel vm10, $0xE05, v5;
	v1 =	vsel vm12, $0x803, v1;
	v2 =	vsel vm11, $0x104, v2  }
0x87: {  	v27 =	vunpack.c.l.s4.s8 v27;
	v31 =	vunpack.c.l.s4.s8 v31;
	v14 =	vsel vm10, $0x685, v14  }
0x88: {  	v5 =	vsel vm9, $0xE86, v5;
	v1 =	vsel vm11, $0x884, v1;
	v2 =	vsel vm10, $0x185, v2  }
0x89: {  	v0 =	vsel vm13, $0x82, v0;
	v3 =	vsel vm13, $0x882, v3;
	v55 =	vand.u32 $0xF, v26  }
0x8a: {  	v26 =	vsel vm5, $0x206, v4;
	v4 =	vsel vm12, $0x503, v52;
	v14 =	vsel vm9, $0x706, v14  }
0x8b: {  	v5 =	vsel vm8, $0xF07, v5;
	v1 =	vsel vm10, $0x905, v1;
	v2 =	vsel vm9, $0x206, v2  }
0x8c: {  	v0 =	vsel vm12, $0x103, v0;
	v3 =	vsel vm12, $0x903, v3;
	v61 =	vunpack.c.0.s8.s32 v27  }
0x8d: {  	v11 =	vunpack.c.0.s8.s32 v31;
	v4 =	vsel vm11, $0x584, v4;
	v14 =	vsel vm8, $0x787, v14  }
0x8e: {  	v5 =	vsel vm7, $0xF80, v5;
	v1 =	vsel vm9, $0x986, v1;
	v2 =	vsel vm8, $0x287, v2  }
0x8f: {  	v0 =	vsel vm11, $0x184, v0;
	v3 =	vsel vm11, $0x984, v3;
	v4 =	vsel vm10, $0x605, v4  }
0x90: {  	v14 =	vsel vm7, $0x0, v14;
	v5 =	vsel vm6, $0x801, v5;
	v1 =	vsel vm8, $0xA07, v1  }
0x91: {  	v2 =	vsel vm7, $0x300, v2;
	v0 =	vsel vm10, $0x205, v0;
	v3 =	vsel vm10, $0xA05, v3  }
0x92: {  	v4 =	vsel vm9, $0x686, v4;
	v14 =	vsel vm6, $0x81, v14;
	v5 =	vsel vm4, $0x882, v5  }
0x93: {  	[tilespmem:$0x1FBD0] =	vst v61;
	v61 =	vsel vm13, $0x582, v18;
	v1 =	vsel vm7, $0xA80, v1;
	v2 =	vsel vm6, $0x381, v2  }
0x94: {  	s4 =	rddreg [dreg:$0x0];
	v0 =	vsel vm9, $0x286, v0;
	v3 =	vsel vm9, $0xA86, v3;
	v4 =	vsel vm8, $0x707, v4  }
0x95: {  	s1 =	rddreg [dreg:$0x1];
	s2 =	simm.s32 $0x0;
	v14 =	vsel vm4, $0x102, v14;
	v5 =	vsel vm1, $0x903, v5;
	v1 =	vsel vm6, $0xB01, v1  }
0x96: {  	[smem:$0x7FF] =	sst s2;
	[tilespmem:$0x1FBE0] =	vst v11;
	v2 =	vsel vm4, $0x402, v2;
	v0 =	vsel vm8, $0x307, v0;
	v3 =	vsel vm8, $0xB07, v3  }
0x97: {  	s0 =	rddreg [dreg:$0x2];
	_ =	strace $0x8000004A;
	[tilespmem:$0x1FD40] =	vst v10;
	v10 =	vcombine.low v10, v48;
	v4 =	vsel vm7, $0x780, v4;
	v14 =	vsel vm1, $0x183, v14  }
0x98: {  	v5 =	vsel vm2, $0x984, v5;
	v1 =	vsel vm4, $0xB82, v1;
	v2 =	vsel vm1, $0x483, v2  }
0x99: {  	v0 =	vsel vm7, $0x380, v0;
	v3 =	vsel vm7, $0xB80, v3;
	v4 =	vsel vm6, $0x1, v4  }
0x9a: {  	v14 =	vsel vm2, $0x204, v14;
	v56 =	vsel vm3, $0xA05, v5;
	v5 =	vsel vm12, $0x603, v61  }
0x9b: {  	v1 =	vsel vm1, $0xC03, v1;
	v2 =	vsel vm2, $0x504, v2;
	v0 =	vsel vm6, $0x401, v0  }
0x9c: {  	v3 =	vsel vm6, $0xC01, v3;
	v4 =	vsel vm4, $0x82, v4;
	v57 =	vsel vm3, $0x285, v14  }
0x9d: {  	v15 =	vsel vm5, $0xA86, v56;
	v14 =	vsel vm13, $0xD82, v22;
	v5 =	vsel vm11, $0x684, v5  }
0x9e: {  	[tilespmem:$0x1FBF0] =	vst v28;
	v56 =	vsel vm13, $0x602, v23;
	v1 =	vsel vm2, $0xC84, v1;
	v2 =	vsel vm3, $0x585, v2  }
0x9f: {  	[tilespmem:$0x1FC00] =	vst v29;
	v0 =	vsel vm4, $0x482, v0;
	v3 =	vsel vm4, $0xC82, v3;
	v4 =	vsel vm1, $0x103, v4  }
0xa0: {  	[tilespmem:$0x1FC10] =	vst v45;
	v31 =	vsel vm5, $0x306, v57;
	v14 =	vsel vm12, $0xE03, v14;
	v5 =	vsel vm10, $0x705, v5  }
0xa1: {  	[tilespmem:$0x1FC20] =	vst v34;
	v57 =	vsel vm13, $0xE02, v24;
	v1 =	vsel vm3, $0xD05, v1;
	v2 =	vsel vm5, $0x606, v2  }
0xa2: {  	[tilespmem:$0x1FC30] =	vst v35;
	v0 =	vsel vm1, $0x503, v0;
	v3 =	vsel vm1, $0xD03, v3;
	v4 =	vsel vm2, $0x184, v4  }
0xa3: {  	[tilespmem:$0x1FC40] =	vst v36;
	v14 =	vsel vm11, $0xE84, v14;
	v5 =	vsel vm9, $0x786, v5;
	v1 =	vsel vm5, $0xD86, v1  }
0xa4: {  	[tilespmem:$0x1FC70] =	vst v40;
	v0 =	vsel vm2, $0x584, v0;
	v3 =	vsel vm2, $0xD84, v3;
	v4 =	vsel vm3, $0x205, v4  }
0xa5: {  	[tilespmem:$0x1FC80] =	vst v41;
	v14 =	vsel vm10, $0xF05, v14;
	v11 =	vsel vm5, $0x286, v4;
	v4 =	vsel vm12, $0xD83, v60  }
0xa6: {  	[tilespmem:$0x1FC90] =	vst v43;
	v5 =	vsel vm8, $0x7, v5;
	v0 =	vsel vm3, $0x605, v0;
	v4 =	vsel vm11, $0xE04, v4  }
0xa7: {  	[tilespmem:$0x1FCA0] =	vst v44;
	v3 =	vsel vm3, $0xE05, v3;
	v14 =	vsel vm9, $0xF86, v14;
	v4 =	vsel vm10, $0xE85, v4  }
0xa8: {  	[tilespmem:$0x1FCD0] =	vst v20;
	v5 =	vsel vm7, $0x80, v5;
	v0 =	vsel vm5, $0x686, v0;
	v4 =	vsel vm9, $0xF06, v4  }
0xa9: {  	[tilespmem:$0x1FCE0] =	vst v50;
	v16 =	vsel vm5, $0xE86, v3;
	v3 =	vlaneseq.u32;
	v4 =	vsel vm8, $0xF87, v4  }
0xaa: {  	[tilespmem:$0x1FCF0] =	vst v33;
	v14 =	vsel vm8, $0x807, v14;
	v5 =	vsel vm6, $0x101, v5;
	v4 =	vsel vm7, $0x800, v4  }
0xab: {  	[tilespmem:$0x1FD00] =	vst v32;
	v3 =	vor.u32 $0x10, v3;
	v14 =	vsel vm7, $0x880, v14;
	v4 =	vsel vm6, $0x881, v4  }
0xac: {  	[tilespmem:$0x1FD30] =	vst v48;
	v5 =	vsel vm4, $0x182, v5;
	v14 =	vsel vm6, $0x901, v14;
	v4 =	vsel vm4, $0x902, v4  }
0xad: {  	[tilespmem:$0x1FD50] =	vst v46;
	v5 =	vsel vm1, $0x203, v5;
	v14 =	vsel vm4, $0x982, v14;
	v4 =	vsel vm1, $0x983, v4  }
0xae: {  	[tilespmem:$0x1FD60] =	vst v47;
	v5 =	vsel vm2, $0x284, v5;
	v14 =	vsel vm1, $0xA03, v14;
	v4 =	vsel vm2, $0xA04, v4  }
0xaf: {  	[tilespmem:$0x1FD70] =	vst v51;
	v52 =	vsel vm3, $0x305, v5;
	v5 =	vsel vm12, $0xE83, v57;
	v4 =	vsel vm3, $0xA85, v4  }
0xb0: {  	[tilespmem:$0x1FEF0] =	vst v58;
	v57 =	vsel vm13, $0xF02, v9;
	v17 =	vsel vm5, $0xB06, v4;
	v4 =	vsel vm12, $0x683, v56  }
0xb1: {  	[tilespmem:$0x1FF00] =	vst v19;
	v14 =	vsel vm2, $0xA84, v14;
	v18 =	vsel vm5, $0x386, v52;
	v4 =	vsel vm11, $0x704, v4  }
0xb2: {  	[tilespmem:$0x1FF10] =	vst v12;
	v5 =	vsel vm11, $0xF04, v5;
	v54 =	vsel vm3, $0xB05, v14;
	v4 =	vsel vm10, $0x785, v4  }
0xb3: {  	[tilespmem:$0x1FF20] =	vst v59;
	v14 =	vsel vm13, $0x682, v25;
	v5 =	vsel vm10, $0xF85, v5;
	v4 =	vsel vm9, $0x6, v4  }
0xb4: {  	[tilespmem:$0x1FF30] =	vst v38;
	v52 =	vsel vm5, $0xB86, v54;
	v14 =	vsel vm12, $0x703, v14;
	v4 =	vsel vm8, $0x87, v4  }
0xb5: {  	[tilespmem:$0x1FF40] =	vst v37;
	v5 =	vsel vm9, $0x806, v5;
	v54 =	vsel vm13, $0xE82, v13;
	v4 =	vsel vm7, $0x100, v4  }
0xb6: {  	[tilespmem:$0x1FF50] =	vst v55;
	v14 =	vsel vm11, $0x784, v14;
	v5 =	vsel vm8, $0x887, v5;
	v4 =	vsel vm6, $0x181, v4  }
0xb7: {  	[tilespmem:$0x1FF60] =	vst v26;
	v14 =	vsel vm10, $0x5, v14;
	v5 =	vsel vm7, $0x900, v5;
	v4 =	vsel vm4, $0x202, v4  }
0xb8: {  	[tilespmem:$0x1FF70] =	vst v21;
	v14 =	vsel vm9, $0x86, v14;
	v5 =	vsel vm6, $0x981, v5;
	v4 =	vsel vm1, $0x283, v4  }
0xb9: {  	[tilespmem:$0x1FF80] =	vst v62;
	v56 =	vsel vm13, $0x702, v8;
	v8 =	vsel vm12, $0xF83, v57;
	v4 =	vsel vm2, $0x304, v4  }
0xba: {  	[tilespmem:$0x1FF90] =	vst v30;
	v14 =	vsel vm8, $0x107, v14;
	v5 =	vsel vm4, $0xA02, v5;
	v4 =	vsel vm3, $0x385, v4  }
0xbb: {  	[tilespmem:$0x1FFA0] =	vst v63;
	v8 =	vsel vm11, $0x804, v8;
	v23 =	vsel vm5, $0x406, v4;
	v4 =	vsel vm12, $0xF03, v54  }
0xbc: {  	[tilespmem:$0x1FFC0] =	vst v49;
	v14 =	vsel vm7, $0x180, v14;
	v5 =	vsel vm1, $0xA83, v5;
	v4 =	vsel vm11, $0xF84, v4  }
0xbd: {  	[tilespmem:$0x1FFD0] =	vst v39;
	v8 =	vsel vm10, $0x885, v8;
	v14 =	vsel vm6, $0x201, v14;
	v4 =	vsel vm10, $0x805, v4  }
0xbe: {  	[tilespmem:$0x1FFE0] =	vst v42;
	v5 =	vsel vm2, $0xB04, v5;
	v8 =	vsel vm9, $0x906, v8;
	v4 =	vsel vm9, $0x886, v4  }
0xbf: {  	[tilespmem:$0x1FFF0] =	vst v53;
	v14 =	vsel vm4, $0x282, v14;
	v8 =	vsel vm8, $0x987, v8;
	v4 =	vsel vm8, $0x907, v4  }
0xc0: {  	[tilespmem:$0x1FEE0] =	vst v10;
	v60 =	vsel vm3, $0xB85, v5;
	v8 =	vsel vm7, $0xA00, v8;
	v4 =	vsel vm7, $0x980, v4  }
0xc1: {  	[tilespmem:$0x1FD90] =	vst v15;
	v14 =	vsel vm1, $0x303, v14;
	v8 =	vsel vm6, $0xA81, v8;
	v4 =	vsel vm6, $0xA01, v4  }
0xc2: {  	[tilespmem:$0x1FDA0] =	vst v31;
	v14 =	vsel vm2, $0x384, v14;
	v8 =	vsel vm4, $0xB02, v8;
	v4 =	vsel vm4, $0xA82, v4  }
0xc3: {  	[tilespmem:$0x1FE60] =	vst v2;
	v61 =	vsel vm3, $0x405, v14;
	v8 =	vsel vm1, $0xB83, v8;
	v4 =	vsel vm1, $0xB03, v4  }
0xc4: {  	[tilespmem:$0x1FE50] =	vst v1;
	v24 =	vsel vm5, $0x486, v61;
	v8 =	vsel vm2, $0xC04, v8;
	v4 =	vsel vm2, $0xB84, v4  }
0xc5: {  	[tilespmem:$0x1FD80] =	vst v11;
	v61 =	vsel vm3, $0xC85, v8;
	v8 =	vsel vm13, $0x782, v7;
	v4 =	vsel vm3, $0xC05, v4  }
0xc6: {  	[tilespmem:$0x1FE80] =	vst v0;
	v5 =	vsel vm12, $0x783, v56;
	v56 =	vsel vm5, $0xC86, v4;
	v4 =	vsel vm12, $0x3, v8  }
0xc7: {  	[tilespmem:$0x1FFB0] =	vst v16;
	v9 =	vsel vm13, $0x802, v6;
	v5 =	vsel vm11, $0x4, v5;
	v4 =	vsel vm11, $0x84, v4  }
0xc8: {  	[tilespmem:$0x1FEC0] =	vst v3;
	v6 =	vcombine.low v29, v28;
	v5 =	vsel vm10, $0x85, v5;
	v4 =	vsel vm10, $0x105, v4  }
0xc9: {  	[tilespmem:$0x1FDC0] =	vst v18;
	v5 =	vsel vm9, $0x106, v5;
	v4 =	vsel vm9, $0x186, v4  }
0xca: {  	[tilespmem:$0x1FE90] =	vst v6;
	v13 =	vsel vm0, v44, v43;
	v5 =	vsel vm8, $0x187, v5;
	v4 =	vsel vm8, $0x207, v4  }
0xcb: {  	[tilespmem:$0x1FCC0] =	vst v13;
	v5 =	vsel vm7, $0x200, v5;
	v4 =	vsel vm7, $0x280, v4  }
0xcc: {  	[tilespmem:$0x1FDD0] =	vst v52;
	v5 =	vsel vm6, $0x281, v5;
	v4 =	vsel vm6, $0x301, v4  }
0xcd: {  	[tilespmem:$0x1FDB0] =	vst v17;
	v14 =	vsel vm5, $0xC06, v60;
	v5 =	vsel vm4, $0x302, v5;
	v4 =	vsel vm4, $0x382, v4  }
0xce: {  	[tilespmem:$0x1FDF0] =	vst v14;
	v5 =	vsel vm1, $0x383, v5;
	v4 =	vsel vm1, $0x403, v4  }
0xcf: {  	[tilespmem:$0x1FE00] =	vst v24;
	v54 =	vsel vm0, v34, v45;
	v5 =	vsel vm2, $0x404, v5;
	v4 =	vsel vm2, $0x484, v4  }
0xd0: {  	[tilespmem:$0x1FC50] =	vst v54;
	v60 =	vsel vm3, $0x485, v5;
	v5 =	vsel vm5, $0xD06, v61;
	v4 =	vsel vm3, $0x505, v4  }
0xd1: {  	[tilespmem:$0x1FDE0] =	vst v23;
	v61 =	vsel vm0, v41, v40;
	v7 =	vsel vm5, $0x586, v4;
	v4 =	vsel vm12, $0x883, v9  }
0xd2: {  	[tilespmem:$0x1FCB0] =	vst v61;
	v4 =	vsel vm11, $0x904, v4  }
0xd3: {  	s3 =	srdreg.scid;
	s11 =	simm.s32 $0x2;
	s12 =	simm.s32 $0x7400;
	v57 =	vsel vm5, $0x506, v60;
	v60 =	vsel vm0, v36, v35;
	[tilespmem:$0x1FE30] =	vst v5;
	v4 =	vsel vm10, $0x985, v4  }
0xd4: {  	s13 =	simm.s32 $0x8400;
	s14 =	simm.s32 $0x8800;
	s15 =	simm.s32 $0x8C00;
	[tilespmem:$0x1FC60] =	vst v60;
	v4 =	vsel vm9, $0xA06, v4  }
0xd5: {  	s16 =	simm.s32 $0x9000;
	s17 =	simm.s32 $0x3;
	s18 =	simm.s32 $0x9400;
	[tilespmem:$0x1FE20] =	vst v57;
	v8 =	vcombine.low v60, v54;
	v4 =	vsel vm8, $0xA87, v4  }
0xd6: {  	s19 =	simm.s32 $0x9800;
	s20 =	simm.s32 $0x9C00;
	s21 =	simm.s32 $0xA000;
	[tilespmem:$0x1FE10] =	vst v56;
	v4 =	vsel vm7, $0xB00, v4  }
0xd7: {  	s22 =	simm.s32 $0x4;
	s23 =	simm.s32 $0x5;
	s5 =	sand.u32 $0x1, s3;
	[tilespmem:$0x1FEA0] =	vst v8;
	v9 =	vcombine.low v13, v61;
	v13 =	vsel vm0, v50, v20;
	v4 =	vsel vm6, $0xB81, v4  }
0xd8: {  	s24 =	simm.s32 $0x0;
	s3 =	stileid.u32;
	s6 =	ssub.s32 $0x2, s5;
	v20 =	vsel vm0, v32, v33;
	[tilespmem:$0x1FD10] =	vst v13;
	v4 =	vsel vm4, $0xC02, v4  }
0xd9: {  	s7 =	sshll.u32 s3, $0x7;
	s31 =	sshll.u32 s3, $0x3;
	s9 =	sshll.u32 s5, $0x2;
	[tilespmem:$0x1FD20] =	vst v20;
	v4 =	vsel vm1, $0xC83, v4  }
0xda: {  	s10 =	sshll.u32 s5, $0x6;
	s8 =	sshrl.u32 s6, $0x1;
	s7 =	sadd.s32 s7, s4;
	v13 =	vcombine.low v20, v13;
	[tilespmem:$0x1FE40] =	vst v7;
	v4 =	vsel vm2, $0xD04, v4  }
0xdb: {  	s4 =	sadd.s32 $0xF5BE00, s4;
	s5 =	sor.u32 s9, s31;
	s9 =	simm.s32 $0x80;
	[tilespmem:$0x1FEB0] =	vst v9;
	v4 =	vsel vm3, $0xD85, v4  }
0xdc: {  	s6 =	ssub.s32 s6, s8;
	s7 =	sadd.s32 s10, s7;
	s8 =	simm.s32 $0x1;
	[tilespmem:$0x1FED0] =	vst v13;
	v4 =	vsel vm5, $0xE06, v4  }
0xdd: {  	s10 =	simm.s32 $0x6400;
	s6 =	smax.u32 s6, $0x1;
	s7 =	sadd.s32 $0xF42E00, s7;
	[tilespmem:$0x1FE70] =	vst v4  }
.LBB2_1:
0xde: {  	s25 =	simm.s32 $0x0  }
.LBB2_2:
0xdf: {  	p0 =	sne.s32 s25, $0x18800  }
.Ltmp0:
0xe0: {  	_ = 	snop;
	(pc) =	sbr.rel @p0 .LBB2_2-.Ltmp0, $3  }
0xe1: {  	_ =	sdelay $0x1  }
0xe2: {  	s26 =	sshra.s32 s25, $0x2;
	s28 =	sadd.s32 s25, s7;
	s25 =	sadd.s32 $0x800, s25  }
0xe3: {  	[tilespmem:s26], [sflag:$0x1] =	stream.linear.gather [hbm4b:s28+s2], $0x200, $0x38;
	[tilespmem:$0xA400] =	vst v63  }
0xe4: {  	_ =	swait.ge [sflag:s8], $0x200  }
0xe5: {  	s25 =	simm.s32 $0x31;
	[sflag:s8] =	ssyncset.done $0x0  }
.LBB2_4:
0xe6: {  	p0 =	sne.s32 s25, $0x1;
	s25 =	sadd.s32 $0xFFFFFFFF, s25;
	[sflag:s8] =	ssyncadd.s32 $0xFFFFFE00  }
.Ltmp1:
0xe7: {  	(pc) =	sbr.rel @p0 .LBB2_4-.Ltmp1, $3  }
0xe8: {  	_ =	sdelay $0x1  }
0xe9: {  	_ =	swait.ge [sflag:s8], $0x200  }
0xea: {  	[sflag:s8] =	ssyncset.done $0x0  }
0xeb: {  	[sflag:s8] =	ssyncadd.s32 $0xFFFFFE00;
	s25 =	simm.s32 $0x0  }
0xec: {  	[tilespmem:s10], [sflag:$0x2] =	stream.indirect.gather [hbm4b:s4+s9], $0x20, s25, s9, $0xb8;
	[tilespmem:$0xA400] =	vst v63  }
.LBB2_6:
0xed: {  	p0 =	seq.s32 s25, $0x0  }
0xee: {  	s26 =	simm.s32 @!p0 $0x4  }
0xef: {  	_ =	swait.ge @!p0 [sflag:s26], $0x400  }
0xf0: {  	[sflag:s26] =	ssyncset.done @!p0 $0x0  }
0xf1: {  	[sflag:s26] =	ssyncadd.s32 @!p0 $0xFFFFFC00  }
0xf2: {  	_ =	swait.ge @!p0 [sflag:s26], $0x400  }
0xf3: {  	[sflag:s26] =	ssyncset.done @!p0 $0x0  }
0xf4: {  	[sflag:s26] =	ssyncadd.s32 @!p0 $0xFFFFFC00  }
0xf5: {  	_ =	swait.ge @!p0 [sflag:s26], $0x400  }
0xf6: {  	[sflag:s26] =	ssyncset.done @!p0 $0x0  }
0xf7: {  	[sflag:s26] =	ssyncadd.s32 @!p0 $0xFFFFFC00  }
0xf8: {  	s28 =	simm.s32 $0x0;
	v1 =	vlaneseq.u32;
	_ =	swait.ge @!p0 [sflag:s26], $0x400  }
0xf9: {  	v3 =	vor.u32 s28, v1;
	[sflag:s26] =	ssyncset.done @!p0 $0x0  }
0xfa: {  	v0 =	vshll.u32 v3, $0x5;
	[sflag:s26] =	ssyncadd.s32 @!p0 $0xFFFFFC00  }
0xfb: {  	s28 =	sshll.u32 s25, $0x1;
	v4 =	vor.u32 v1, v0;
	_ =	swait.ge [sflag:s11], $0x1000  }
0xfc: {  	s26 =	sor.u32 $0x1, s28;
	v31 =	vld [tilespmem:$0x1FEC0]  }
0xfd: {  	s29 =	sshll.u32 s26, $0x7;
	[sflag:s11] =	ssyncset.done $0x0  }
0xfe: {  	s29 =	sand.u32 $0x3FFFFF80, s29;
	[sflag:s11] =	ssyncadd.s32 $0xFFFFF000  }
0xff: {  	v3 =	vand.u32 $0x68, v3;
	[tilespmem:s12], [sflag:$0x3] =	stream.indirect.gather [hbm4b:s4+s9], $0x20, s29, s9, $0xb8;
	[tilespmem:$0xA400] =	vst v63  }
0x100: {  	v5 =	vor.u32 v53, v3;
	v4 =	vld.idx.msk [tilespmem:v4+s10+$0x0], $0xffff  }
0x101: {  	v14 =	vor.u32 v31, v0;
	_ =	sdelay $0x3  }
0x102: {  	[tilespmem:v5+s13+$0x0] =	vst.idx.msk $0xffff, v4  }
0x103: {  	v5 =	vor.u32 v19, v3;
	v4 =	vld.idx.msk [tilespmem:v14+s10+$0x0], $0xffff  }
0x104: {  	v36 =	vor.u32 v58, v0  }
0x105: {  	v46 =	vld [tilespmem:$0x1FE90];
	_ =	sdelay $0x2  }
0x106: {  	[tilespmem:v5+s13+$0x0] =	vst.idx.msk $0xffff, v4  }
0x107: {  	v5 =	vor.u32 v12, v3;
	v4 =	vld.idx.msk [tilespmem:v36+s10+$0x0], $0xffff  }
0x108: {  	v40 =	vor.u32 v46, v0;
	_ =	sdelay $0x3  }
0x109: {  	[tilespmem:v5+s13+$0x0] =	vst.idx.msk $0xffff, v4  }
0x10a: {  	v5 =	vor.u32 v59, v3;
	v4 =	vld.idx.msk [tilespmem:v40+s10+$0x0], $0xffff  }
0x10b: {  	v41 =	vor.u32 v38, v0  }
0x10c: {  	v47 =	vld [tilespmem:$0x1FEA0];
	_ =	sdelay $0x2  }
0x10d: {  	[tilespmem:v5+s13+$0x0] =	vst.idx.msk $0xffff, v4  }
0x10e: {  	v5 =	vor.u32 v37, v3;
	v4 =	vld.idx.msk [tilespmem:v41+s10+$0x0], $0xffff  }
0x10f: {  	v43 =	vor.u32 v47, v0;
	_ =	sdelay $0x3  }
0x110: {  	[tilespmem:v5+s13+$0x0] =	vst.idx.msk $0xffff, v4  }
0x111: {  	v5 =	vor.u32 v30, v3;
	v4 =	vld.idx.msk [tilespmem:v43+s10+$0x0], $0xffff  }
0x112: {  	v44 =	vor.u32 v62, v0  }
0x113: {  	v32 =	vld [tilespmem:$0x1FEB0];
	_ =	sdelay $0x2  }
0x114: {  	[tilespmem:v5+s13+$0x0] =	vst.idx.msk $0xffff, v4  }
0x115: {  	v5 =	vor.u32 v63, v3;
	v4 =	vld.idx.msk [tilespmem:v44+s10+$0x0], $0xffff  }
0x116: {  	v45 =	vor.u32 v32, v0;
	_ =	sdelay $0x3  }
0x117: {  	[tilespmem:v5+s13+$0x0] =	vst.idx.msk $0xffff, v4  }
0x118: {  	v5 =	vor.u32 v49, v3;
	v4 =	vld.idx.msk [tilespmem:v45+s10+$0x0], $0xffff  }
0x119: {  	v48 =	vor.u32 v39, v0;
	_ =	sdelay $0x3  }
0x11a: {  	[tilespmem:v5+s13+$0x0] =	vst.idx.msk $0xffff, v4  }
0x11b: {  	v4 =	vld.idx.msk [tilespmem:v48+s10+$0x0], $0xffff  }
0x11c: {  	v48 =	vld [tilespmem:$0x1FED0];
	_ =	sdelay $0x3  }
0x11d: {  	v5 =	vor.u32 v42, v3  }
0x11e: {  	v54 =	vld [tilespmem:$0x1FB90];
	v50 =	vor.u32 v48, v0  }
0x11f: {  	v34 =	vld [tilespmem:$0x1FD50];
	_ =	sdelay $0x2  }
0x120: {  	[tilespmem:v5+s13+$0x0] =	vst.idx.msk $0xffff, v4  }
0x121: {  	v5 =	vor.u32 v54, v3;
	v4 =	vld.idx.msk [tilespmem:v50+s10+$0x0], $0xffff  }
0x122: {  	v33 =	vld [tilespmem:$0x1FD60];
	v51 =	vor.u32 v34, v0  }
0x123: {  	v29 =	vld [tilespmem:$0x1FEE0];
	_ =	sdelay $0x2  }
0x124: {  	[tilespmem:v5+s13+$0x0] =	vst.idx.msk $0xffff, v4  }
0x125: {  	v5 =	vor.u32 v33, v3;
	v4 =	vld.idx.msk [tilespmem:v51+s10+$0x0], $0xffff  }
0x126: {  	v35 =	vld [tilespmem:$0x1FBA0];
	v52 =	vor.u32 v29, v0  }
0x127: {  	v10 =	vld [tilespmem:$0x1FC20]  }
0x128: {  	v15 =	vld [tilespmem:$0x1FC30]  }
0x129: {  	v57 =	vld [tilespmem:$0x1FC10]  }
0x12a: {  	v60 =	vld [tilespmem:$0x1FC40];
	[tilespmem:v5+s13+$0x0] =	vst.idx.msk $0xffff, v4  }
0x12b: {  	v5 =	vor.u32 v35, v3;
	v4 =	vld.idx.msk [tilespmem:v52+s10+$0x0], $0xffff  }
0x12c: {  	v53 =	vor.u32 v55, v0;
	_ =	sdelay $0x2  }
0x12d: {  	v11 =	vld [tilespmem:$0x1FBE0];
	v22 =	vsel vm0, v15, v10;
	v2 =	vsel vm0, v57, v60  }
0x12e: {  	v56 =	vcombine.low v2, v22;
	v50 =	vld [tilespmem:$0x1FBD0];
	[tilespmem:v5+s13+$0x0] =	vst.idx.msk $0xffff, v4  }
0x12f: {  	v5 =	vor.u32 v26, v3;
	v4 =	vld.idx.msk [tilespmem:v53+s10+$0x0], $0xffff  }
0x130: {  	v61 =	vor.u32 v56, v0  }
0x131: {  	v25 =	vld [tilespmem:$0x1FC80]  }
0x132: {  	v28 =	vld [tilespmem:$0x1FC90]  }
0x133: {  	v40 =	vld [tilespmem:$0x1FC70];
	v18 =	vcombine.low v11, v50  }
0x134: {  	v41 =	vld [tilespmem:$0x1FCA0];
	[tilespmem:v5+s13+$0x0] =	vst.idx.msk $0xffff, v4  }
0x135: {  	v36 =	vand.u32 $0xF, v18;
	v5 =	vor.u32 v21, v3;
	v4 =	vld.idx.msk [tilespmem:v61+s10+$0x0], $0xffff  }
0x136: {  	v24 =	vor.u32 v36, v0;
	v52 =	vld [tilespmem:$0x1FD80];
	_ =	sdelay $0x2  }
0x137: {  	v17 =	vld [tilespmem:$0x1FD00];
	v1 =	vsel vm0, v28, v25;
	[tilespmem:$0x1F9A0] =	vst v2;
	v2 =	vsel vm0, v40, v41  }
0x138: {  	v40 =	vld [tilespmem:$0x1FD90];
	v57 =	vcombine.low v2, v1;
	[tilespmem:v5+s13+$0x0] =	vst.idx.msk $0xffff, v4  }
0x139: {  	v5 =	vor.u32 v52, v3;
	v4 =	vld.idx.msk [tilespmem:v24+s10+$0x0], $0xffff  }
0x13a: {  	v43 =	vor.u32 v57, v0;
	v51 =	vmov v59;
	v59 =	vld [tilespmem:$0x1FCD0]  }
0x13b: {  	v26 =	vmov v58;
	v58 =	vld [tilespmem:$0x1FD70];
	_ =	sdelay $0x1  }
0x13c: {  	v55 =	vld [tilespmem:$0x1FCF0]  }
0x13d: {  	v45 =	vld [tilespmem:$0x1FCE0];
	[tilespmem:v5+s13+$0x0] =	vst.idx.msk $0xffff, v4  }
0x13e: {  	v5 =	vor.u32 v40, v3;
	v4 =	vld.idx.msk [tilespmem:v43+s10+$0x0], $0xffff  }
0x13f: {  	v17 =	vsel vm0, v59, v17;
	v59 =	vld [tilespmem:$0x1FDA0];
	v44 =	vor.u32 v58, v0;
	_ =	sdelay $0x2  }
0x140: {  	v15 =	vsel vm0, v55, v45  }
0x141: {  	v41 =	vcombine.low v17, v15;
	[tilespmem:v5+s13+$0x0] =	vst.idx.msk $0xffff, v4  }
0x142: {  	v5 =	vor.u32 v59, v3;
	v4 =	vld.idx.msk [tilespmem:v44+s10+$0x0], $0xffff  }
0x143: {  	v60 =	vor.u32 v41, v0;
	v43 =	vld [tilespmem:$0x1FDB0];
	_ =	sdelay $0x2  }
0x144: {  	v9 =	vld [tilespmem:$0x1FB00]  }
0x145: {  	v61 =	vld [tilespmem:$0x1FAF0];
	[tilespmem:v5+s13+$0x0] =	vst.idx.msk $0xffff, v4  }
0x146: {  	v5 =	vor.u32 v43, v3;
	v4 =	vld.idx.msk [tilespmem:v60+s10+$0x0], $0xffff;
	_ =	sdelay $0x3  }
0x147: {  	v15 =	vcombine.low v61, v9  }
0x148: {  	[tilespmem:v5+s13+$0x0] =	vst.idx.msk $0xffff, v4;
	v4 =	vld [tilespmem:$0x1FBF0]  }
0x149: {  	v60 =	vand.u32 $0xF, v15;
	v5 =	vld [tilespmem:$0x1FC00]  }
0x14a: {  	v61 =	vld [tilespmem:$0x1FDC0];
	v17 =	vor.u32 v60, v0;
	_ =	sdelay $0x2  }
0x14b: {  	v20 =	vld [tilespmem:$0x1FB20]  }
0x14c: {  	v21 =	vmov v19;
	v19 =	vld [tilespmem:$0x1FB10];
	v44 =	vcombine.low v4, v5  }
0x14d: {  	v4 =	vld.idx.msk [tilespmem:v17+s10+$0x0], $0xffff;
	v5 =	vor.u32 v61, v3  }
0x14e: {  	v28 =	vmov v38;
	v38 =	vld [tilespmem:$0x1FDD0];
	v18 =	vor.u32 v44, v0;
	_ =	sdelay $0x1  }
0x14f: {  	[tilespmem:$0x1F9C0] =	vst v1;
	v1 =	vld [tilespmem:$0x1FC50]  }
0x150: {  	[tilespmem:$0x1F9B0] =	vst v2;
	v2 =	vld [tilespmem:$0x1FC60];
	v15 =	vcombine.low v19, v20  }
0x151: {  	[tilespmem:v5+s13+$0x0] =	vst.idx.msk $0xffff, v4  }
0x152: {  	v25 =	vand.u32 $0xF, v15;
	v5 =	vor.u32 v38, v3;
	v4 =	vld.idx.msk [tilespmem:v18+s10+$0x0], $0xffff  }
0x153: {  	v53 =	vmovc v37;
	v37 =	vmov v30;
	v30 =	vmov v63;
	v63 =	vld [tilespmem:$0x1FDE0];
	v23 =	vor.u32 v25, v0  }
0x154: {  	v45 =	vld [tilespmem:$0x1FB30]  }
0x155: {  	v55 =	vmov v62;
	v62 =	vcombine.low v1, v2;
	v1 =	vld [tilespmem:$0x1FCB0]  }
0x156: {  	v2 =	vld [tilespmem:$0x1FCC0]  }
0x157: {  	v9 =	vld [tilespmem:$0x1FB40];
	[tilespmem:v5+s13+$0x0] =	vst.idx.msk $0xffff, v4  }
0x158: {  	v5 =	vor.u32 v63, v3;
	v4 =	vld.idx.msk [tilespmem:v23+s10+$0x0], $0xffff  }
0x159: {  	v24 =	vor.u32 v62, v0;
	v19 =	vld [tilespmem:$0x1FDF0];
	_ =	sdelay $0x2  }
0x15a: {  	v15 =	vcombine.low v45, v9  }
0x15b: {  	v20 =	vcombine.low v1, v2;
	v2 =	vld [tilespmem:$0x1FE00];
	[tilespmem:v5+s13+$0x0] =	vst.idx.msk $0xffff, v4  }
0x15c: {  	v27 =	vmov v12;
	v12 =	vand.u32 $0xF, v15;
	v5 =	vor.u32 v19, v3;
	v4 =	vld.idx.msk [tilespmem:v24+s10+$0x0], $0xffff  }
0x15d: {  	v45 =	vld [tilespmem:$0x1FB50];
	v17 =	vor.u32 v12, v0  }
0x15e: {  	v9 =	vld [tilespmem:$0x1FB60];
	_ =	sdelay $0x2  }
0x15f: {  	[tilespmem:v5+s13+$0x0] =	vst.idx.msk $0xffff, v4  }
0x160: {  	v5 =	vor.u32 v2, v3;
	v4 =	vld.idx.msk [tilespmem:v17+s10+$0x0], $0xffff  }
0x161: {  	v15 =	vcombine.low v45, v9;
	v45 =	vld [tilespmem:$0x1FE10];
	v24 =	vor.u32 v20, v0;
	_ =	sdelay $0x3  }
0x162: {  	[tilespmem:v5+s13+$0x0] =	vst.idx.msk $0xffff, v4  }
0x163: {  	v5 =	vor.u32 v45, v3;
	v4 =	vld.idx.msk [tilespmem:v24+s10+$0x0], $0xffff;
	_ =	sdelay $0x4  }
0x164: {  	[tilespmem:v5+s13+$0x0] =	vst.idx.msk $0xffff, v4;
	v4 =	vld [tilespmem:$0x1FD10]  }
0x165: {  	v6 =	vand.u32 $0xF, v15;
	v5 =	vld [tilespmem:$0x1FD20]  }
0x166: {  	v7 =	vld [tilespmem:$0x1FE20];
	v10 =	vor.u32 v6, v0;
	_ =	sdelay $0x3  }
0x167: {  	v15 =	vcombine.low v4, v5  }
0x168: {  	v4 =	vld.idx.msk [tilespmem:v10+s10+$0x0], $0xffff;
	v5 =	vor.u32 v7, v3  }
0x169: {  	v17 =	vld [tilespmem:$0x1FE30];
	v23 =	vor.u32 v15, v0;
	_ =	sdelay $0x2  }
0x16a: {  	v18 =	vld [tilespmem:$0x1FB80]  }
0x16b: {  	v24 =	vld [tilespmem:$0x1FB70];
	[tilespmem:v5+s13+$0x0] =	vst.idx.msk $0xffff, v4  }
0x16c: {  	v5 =	vor.u32 v17, v3;
	v4 =	vld.idx.msk [tilespmem:v23+s10+$0x0], $0xffff;
	_ =	sdelay $0x3  }
0x16d: {  	v18 =	vcombine.low v24, v18  }
0x16e: {  	[tilespmem:v5+s13+$0x0] =	vst.idx.msk $0xffff, v4;
	v4 =	vld [tilespmem:$0x1FD30]  }
0x16f: {  	v8 =	vand.u32 $0xF, v18;
	v5 =	vld [tilespmem:$0x1FD40]  }
0x170: {  	v9 =	vld [tilespmem:$0x1FE40];
	v23 =	vor.u32 v8, v0;
	_ =	sdelay $0x3  }
0x171: {  	v18 =	vcombine.low v4, v5  }
0x172: {  	v4 =	vld.idx.msk [tilespmem:v23+s10+$0x0], $0xffff;
	v5 =	vor.u32 v9, v3  }
0x173: {  	v13 =	vor.u32 v18, v0;
	_ =	sdelay $0x3  }
0x174: {  	[tilespmem:v5+s13+$0x0] =	vst.idx.msk $0xffff, v4  }
0x175: {  	v23 =	vld.idx.msk [tilespmem:v13+s10+$0x0], $0xffff  }
0x176: {  	v13 =	vld [tilespmem:$0x1FE50]  }
0x177: {  	v14 =	vmov v16;
	v16 =	vld [tilespmem:$0x1FBB0]  }
0x178: {  	v24 =	vld [tilespmem:$0x1FBC0];
	_ =	sdelay $0x2  }
0x179: {  	v5 =	vor.u32 v13, v3;
	_ =	sdelay $0x1  }
0x17a: {  	v24 =	vcombine.low v16, v24;
	_ =	sdelay $0x1  }
0x17b: {  	v1 =	vld [tilespmem:$0x1F9A0];
	v16 =	vand.u32 $0xF, v24  }
0x17c: {  	v4 =	vor.u32 v16, v0;
	[tilespmem:v5+s13+$0x0] =	vst.idx.msk $0xffff, v23;
	v23 =	vld [tilespmem:$0x1FE60];
	_ =	sdelay $0x3  }
0x17d: {  	v22 =	vcombine.low v22, v1  }
0x17e: {  	v4 =	vld.idx.msk [tilespmem:v4+s10+$0x0], $0xffff;
	v5 =	vor.u32 v23, v3  }
0x17f: {  	v50 =	vcombine.low v50, v11;
	v11 =	vld [tilespmem:$0x1FE70];
	v24 =	vor.u32 v22, v0;
	_ =	sdelay $0x3  }
0x180: {  	[tilespmem:v5+s13+$0x0] =	vst.idx.msk $0xffff, v4  }
0x181: {  	v5 =	vor.u32 v11, v3;
	v1 =	vld.idx.msk [tilespmem:v24+s10+$0x0], $0xffff;
	_ =	sdelay $0x4  }
0x182: {  	[tilespmem:v5+s13+$0x0] =	vst.idx.msk $0xffff, v1;
	v1 =	vld [tilespmem:$0x1F9B0]  }
0x183: {  	v24 =	vand.u32 $0xF, v50;
	v5 =	vld [tilespmem:$0x1F9C0]  }
0x184: {  	v50 =	vld [tilespmem:$0x1FE80];
	v4 =	vor.u32 v24, v0;
	_ =	sdelay $0x3  }
0x185: {  	v10 =	vmov v49;
	v49 =	vcombine.low v5, v1  }
0x186: {  	v4 =	vld.idx.msk [tilespmem:v4+s10+$0x0], $0xffff;
	v5 =	vor.u32 v50, v3  }
0x187: {  	v0 =	vor.u32 v49, v0;
	_ =	sdelay $0x2  }
0x188: {  	s29 =	simm.s32 $0x10;
	v1 =	vlaneseq.u32  }
0x189: {  	[tilespmem:v5+s13+$0x0] =	vst.idx.msk $0xffff, v4;
	v4 =	vor.u32 s29, v1  }
0x18a: {  	v5 =	vor.u32 v14, v3;
	v3 =	vshll.u32 v4, $0x5;
	v0 =	vld.idx.msk [tilespmem:v0+s10+$0x0], $0xffff  }
0x18b: {  	v1 =	vor.u32 v1, v3;
	_ =	sdelay $0x3  }
0x18c: {  	[tilespmem:v5+s13+$0x0] =	vst.idx.msk $0xffff, v0  }
0x18d: {  	v14 =	vld.idx.msk [tilespmem:v1+s10+$0x0], $0xffff  }
0x18e: {  	v1 =	vld [tilespmem:$0x1FFF0];
	_ =	sdelay $0x3  }
0x18f: {  	v0 =	vand.u32 $0x78, v4  }
0x190: {  	v5 =	vor.u32 v1, v0  }
0x191: {  	v4 =	vor.u32 v31, v3;
	_ =	sdelay $0x3  }
0x192: {  	[tilespmem:v5+s13+$0x0] =	vst.idx.msk $0xffff, v14  }
0x193: {  	v5 =	vor.u32 v21, v0;
	v1 =	vld.idx.msk [tilespmem:v4+s10+$0x0], $0xffff  }
0x194: {  	v4 =	vor.u32 v26, v3;
	_ =	sdelay $0x3  }
0x195: {  	[tilespmem:v5+s13+$0x0] =	vst.idx.msk $0xffff, v1  }
0x196: {  	v5 =	vor.u32 v27, v0;
	v1 =	vld.idx.msk [tilespmem:v4+s10+$0x0], $0xffff  }
0x197: {  	v4 =	vor.u32 v46, v3;
	_ =	sdelay $0x3  }
0x198: {  	[tilespmem:v5+s13+$0x0] =	vst.idx.msk $0xffff, v1  }
0x199: {  	v5 =	vor.u32 v51, v0;
	v1 =	vld.idx.msk [tilespmem:v4+s10+$0x0], $0xffff  }
0x19a: {  	v4 =	vor.u32 v28, v3;
	_ =	sdelay $0x3  }
0x19b: {  	[tilespmem:v5+s13+$0x0] =	vst.idx.msk $0xffff, v1  }
0x19c: {  	v5 =	vor.u32 v53, v0;
	v1 =	vld.idx.msk [tilespmem:v4+s10+$0x0], $0xffff  }
0x19d: {  	v4 =	vor.u32 v47, v3;
	_ =	sdelay $0x3  }
0x19e: {  	[tilespmem:v5+s13+$0x0] =	vst.idx.msk $0xffff, v1  }
0x19f: {  	v5 =	vor.u32 v37, v0;
	v1 =	vld.idx.msk [tilespmem:v4+s10+$0x0], $0xffff  }
0x1a0: {  	v4 =	vor.u32 v55, v3;
	_ =	sdelay $0x3  }
0x1a1: {  	[tilespmem:v5+s13+$0x0] =	vst.idx.msk $0xffff, v1  }
0x1a2: {  	v5 =	vor.u32 v30, v0;
	v1 =	vld.idx.msk [tilespmem:v4+s10+$0x0], $0xffff  }
0x1a3: {  	v4 =	vor.u32 v32, v3;
	_ =	sdelay $0x3  }
0x1a4: {  	[tilespmem:v5+s13+$0x0] =	vst.idx.msk $0xffff, v1  }
0x1a5: {  	v5 =	vor.u32 v10, v0;
	v1 =	vld.idx.msk [tilespmem:v4+s10+$0x0], $0xffff  }
0x1a6: {  	v4 =	vor.u32 v39, v3;
	_ =	sdelay $0x3  }
0x1a7: {  	[tilespmem:v5+s13+$0x0] =	vst.idx.msk $0xffff, v1  }
0x1a8: {  	v5 =	vor.u32 v42, v0;
	v1 =	vld.idx.msk [tilespmem:v4+s10+$0x0], $0xffff  }
0x1a9: {  	v4 =	vor.u32 v48, v3;
	_ =	sdelay $0x3  }
0x1aa: {  	[tilespmem:v5+s13+$0x0] =	vst.idx.msk $0xffff, v1  }
0x1ab: {  	v5 =	vor.u32 v54, v0;
	v1 =	vld.idx.msk [tilespmem:v4+s10+$0x0], $0xffff  }
0x1ac: {  	v4 =	vor.u32 v34, v3;
	_ =	sdelay $0x3  }
0x1ad: {  	[tilespmem:v5+s13+$0x0] =	vst.idx.msk $0xffff, v1  }
0x1ae: {  	v5 =	vor.u32 v33, v0;
	v1 =	vld.idx.msk [tilespmem:v4+s10+$0x0], $0xffff;
	_ =	sdelay $0x3  }
0x1af: {  	v4 =	vor.u32 v29, v3  }
0x1b0: {  	[tilespmem:v5+s13+$0x0] =	vst.idx.msk $0xffff, v1;
	v1 =	vld [tilespmem:$0x1FF50];
	_ =	sdelay $0x3  }
0x1b1: {  	v5 =	vor.u32 v35, v0;
	v55 =	vld.idx.msk [tilespmem:v4+s10+$0x0], $0xffff  }
0x1b2: {  	v4 =	vor.u32 v1, v3;
	v1 =	vld [tilespmem:$0x1FF60];
	_ =	sdelay $0x3  }
0x1b3: {  	[tilespmem:v5+s13+$0x0] =	vst.idx.msk $0xffff, v55  }
0x1b4: {  	v10 =	vld.idx.msk [tilespmem:v4+s10+$0x0], $0xffff;
	v5 =	vor.u32 v1, v0  }
0x1b5: {  	v4 =	vor.u32 v56, v3;
	v1 =	vld [tilespmem:$0x1FF70];
	_ =	sdelay $0x3  }
0x1b6: {  	[tilespmem:v5+s13+$0x0] =	vst.idx.msk $0xffff, v10  }
0x1b7: {  	v5 =	vor.u32 v1, v0;
	v10 =	vld.idx.msk [tilespmem:v4+s10+$0x0], $0xffff  }
0x1b8: {  	v4 =	vor.u32 v36, v3;
	_ =	sdelay $0x3  }
0x1b9: {  	[tilespmem:v5+s13+$0x0] =	vst.idx.msk $0xffff, v10  }
0x1ba: {  	v5 =	vor.u32 v52, v0;
	v1 =	vld.idx.msk [tilespmem:v4+s10+$0x0], $0xffff  }
0x1bb: {  	v4 =	vor.u32 v57, v3;
	_ =	sdelay $0x3  }
0x1bc: {  	[tilespmem:v5+s13+$0x0] =	vst.idx.msk $0xffff, v1  }
0x1bd: {  	v5 =	vor.u32 v40, v0;
	v1 =	vld.idx.msk [tilespmem:v4+s10+$0x0], $0xffff  }
0x1be: {  	v4 =	vor.u32 v58, v3;
	_ =	sdelay $0x3  }
0x1bf: {  	[tilespmem:v5+s13+$0x0] =	vst.idx.msk $0xffff, v1  }
0x1c0: {  	v5 =	vor.u32 v59, v0;
	v1 =	vld.idx.msk [tilespmem:v4+s10+$0x0], $0xffff  }
0x1c1: {  	v4 =	vor.u32 v41, v3;
	_ =	sdelay $0x3  }
0x1c2: {  	[tilespmem:v5+s13+$0x0] =	vst.idx.msk $0xffff, v1  }
0x1c3: {  	v5 =	vor.u32 v43, v0;
	v1 =	vld.idx.msk [tilespmem:v4+s10+$0x0], $0xffff  }
0x1c4: {  	v4 =	vor.u32 v60, v3;
	_ =	sdelay $0x3  }
0x1c5: {  	[tilespmem:v5+s13+$0x0] =	vst.idx.msk $0xffff, v1  }
0x1c6: {  	v5 =	vor.u32 v61, v0;
	v1 =	vld.idx.msk [tilespmem:v4+s10+$0x0], $0xffff  }
0x1c7: {  	v4 =	vor.u32 v44, v3;
	_ =	sdelay $0x3  }
0x1c8: {  	[tilespmem:v5+s13+$0x0] =	vst.idx.msk $0xffff, v1  }
0x1c9: {  	v5 =	vor.u32 v38, v0;
	v1 =	vld.idx.msk [tilespmem:v4+s10+$0x0], $0xffff  }
0x1ca: {  	v4 =	vor.u32 v25, v3;
	_ =	sdelay $0x3  }
0x1cb: {  	[tilespmem:v5+s13+$0x0] =	vst.idx.msk $0xffff, v1  }
0x1cc: {  	v5 =	vor.u32 v63, v0;
	v1 =	vld.idx.msk [tilespmem:v4+s10+$0x0], $0xffff  }
0x1cd: {  	v4 =	vor.u32 v62, v3;
	_ =	sdelay $0x3  }
0x1ce: {  	[tilespmem:v5+s13+$0x0] =	vst.idx.msk $0xffff, v1  }
0x1cf: {  	v5 =	vor.u32 v19, v0;
	v1 =	vld.idx.msk [tilespmem:v4+s10+$0x0], $0xffff  }
0x1d0: {  	v4 =	vor.u32 v12, v3;
	_ =	sdelay $0x3  }
0x1d1: {  	[tilespmem:v5+s13+$0x0] =	vst.idx.msk $0xffff, v1  }
0x1d2: {  	v5 =	vor.u32 v2, v0;
	v1 =	vld.idx.msk [tilespmem:v4+s10+$0x0], $0xffff  }
0x1d3: {  	v4 =	vor.u32 v20, v3;
	_ =	sdelay $0x3  }
0x1d4: {  	[tilespmem:v5+s13+$0x0] =	vst.idx.msk $0xffff, v1  }
0x1d5: {  	v5 =	vor.u32 v45, v0;
	v1 =	vld.idx.msk [tilespmem:v4+s10+$0x0], $0xffff  }
0x1d6: {  	v4 =	vor.u32 v6, v3;
	_ =	sdelay $0x3  }
0x1d7: {  	[tilespmem:v5+s13+$0x0] =	vst.idx.msk $0xffff, v1  }
0x1d8: {  	v5 =	vor.u32 v7, v0;
	v1 =	vld.idx.msk [tilespmem:v4+s10+$0x0], $0xffff  }
0x1d9: {  	v4 =	vor.u32 v15, v3;
	_ =	sdelay $0x3  }
0x1da: {  	[tilespmem:v5+s13+$0x0] =	vst.idx.msk $0xffff, v1  }
0x1db: {  	v5 =	vor.u32 v17, v0;
	v1 =	vld.idx.msk [tilespmem:v4+s10+$0x0], $0xffff  }
0x1dc: {  	v4 =	vor.u32 v8, v3;
	_ =	sdelay $0x3  }
0x1dd: {  	[tilespmem:v5+s13+$0x0] =	vst.idx.msk $0xffff, v1  }
0x1de: {  	v5 =	vor.u32 v9, v0;
	v1 =	vld.idx.msk [tilespmem:v4+s10+$0x0], $0xffff  }
0x1df: {  	v4 =	vor.u32 v18, v3;
	_ =	sdelay $0x1  }
0x1e0: {  	[tilespmem:$0x1F9D0] =	vst v56  }
0x1e1: {  	[tilespmem:$0x1F9F0] =	vst v57  }
0x1e2: {  	[tilespmem:v5+s13+$0x0] =	vst.idx.msk $0xffff, v1  }
0x1e3: {  	[tilespmem:$0x1FA40] =	vst v62;
	v5 =	vor.u32 v13, v0;
	v1 =	vld.idx.msk [tilespmem:v4+s10+$0x0], $0xffff  }
0x1e4: {  	[tilespmem:$0x1F9E0] =	vst v36;
	v4 =	vor.u32 v16, v3  }
0x1e5: {  	[tilespmem:$0x1FA00] =	vst v41  }
0x1e6: {  	[tilespmem:$0x1FA10] =	vst v60  }
0x1e7: {  	[tilespmem:$0x1FA60] =	vst v20  }
0x1e8: {  	[tilespmem:v5+s13+$0x0] =	vst.idx.msk $0xffff, v1  }
0x1e9: {  	[tilespmem:$0x1FA30] =	vst v25;
	v5 =	vor.u32 v23, v0;
	v1 =	vld.idx.msk [tilespmem:v4+s10+$0x0], $0xffff  }
0x1ea: {  	[tilespmem:$0x1FA50] =	vst v12;
	v4 =	vor.u32 v22, v3  }
0x1eb: {  	[tilespmem:$0x1FAC0] =	vst v22  }
0x1ec: {  	[tilespmem:$0x1FA70] =	vst v6  }
0x1ed: {  	[tilespmem:$0x1FA20] =	vst v44  }
0x1ee: {  	[tilespmem:v5+s13+$0x0] =	vst.idx.msk $0xffff, v1  }
0x1ef: {  	[tilespmem:$0x1FA90] =	vst v8;
	v5 =	vor.u32 v11, v0;
	v4 =	vld.idx.msk [tilespmem:v4+s10+$0x0], $0xffff  }
0x1f0: {  	[tilespmem:$0x1FA80] =	vst v15;
	v1 =	vor.u32 v24, v3  }
0x1f1: {  	[tilespmem:$0x1FAB0] =	vst v16  }
0x1f2: {  	[tilespmem:$0x1FAA0] =	vst v18  }
0x1f3: {  	[tilespmem:$0x1FAD0] =	vst v24  }
0x1f4: {  	s28 =	sand.u32 $0x2, s28;
	[tilespmem:v5+s13+$0x0] =	vst.idx.msk $0xffff, v4  }
0x1f5: {  	s30 =	simm.s32 $0x30;
	[tilespmem:$0x1FAE0] =	vst v49;
	s29 =	sor.u32 s5, s28;
	s28 =	simm.s32 $0x0;
	v3 =	vor.u32 v49, v3;
	v5 =	vor.u32 v50, v0;
	v4 =	vld.idx.msk [tilespmem:v1+s10+$0x0], $0xffff  }
.LBB2_7:
0x1f6: {  	v25 =	vld [tilespmem:$0x1FFB0];
	_ =	sdelay $0x3  }
0x1f7: {  	[tilespmem:v5+s13+$0x0] =	vst.idx.msk $0xffff, v4  }
0x1f8: {  	v5 =	vld.idx.msk [tilespmem:v3+s10+$0x0], $0xffff;
	v0 =	vor.u32 v25, v0;
	_ =	sdelay $0x1  }
0x1f9: {  	s31 =	sadd.s32 $0xFFFFFFF0, s30;
	v1 =	vlaneseq.u32  }
0x1fa: {  	v4 =	vor.u32 s31, v1  }
0x1fb: {  	v3 =	vshll.u32 v4, $0x5  }
0x1fc: {  	v10 =	vor.u32 v1, v3;
	[tilespmem:v0+s13+$0x0] =	vst.idx.msk $0xffff, v5;
	v0 =	vld [tilespmem:$0x1FFF0]  }
0x1fd: {  	v26 =	vld [tilespmem:$0x1FEC0];
	_ =	sdelay $0x2  }
0x1fe: {  	v1 =	vand.u32 $0x68, v4  }
0x1ff: {  	v5 =	vld.idx.msk [tilespmem:v10+s10+$0x0], $0xffff;
	v4 =	vor.u32 v0, v1  }
0x200: {  	v12 =	vld [tilespmem:$0x1FF00];
	v51 =	vor.u32 v26, v3  }
0x201: {  	v19 =	vld [tilespmem:$0x1FEF0];
	_ =	sdelay $0x2  }
0x202: {  	[tilespmem:v4+s13+$0x0] =	vst.idx.msk $0xffff, v5  }
0x203: {  	v5 =	vor.u32 v12, v1;
	v4 =	vld.idx.msk [tilespmem:v51+s10+$0x0], $0xffff  }
0x204: {  	v20 =	vld [tilespmem:$0x1FF10];
	v52 =	vor.u32 v19, v3  }
0x205: {  	v46 =	vld [tilespmem:$0x1FE90];
	_ =	sdelay $0x2  }
0x206: {  	[tilespmem:v5+s13+$0x0] =	vst.idx.msk $0xffff, v4  }
0x207: {  	v5 =	vor.u32 v20, v1;
	v4 =	vld.idx.msk [tilespmem:v52+s10+$0x0], $0xffff  }
0x208: {  	v21 =	vld [tilespmem:$0x1FF20];
	v53 =	vor.u32 v46, v3  }
0x209: {  	v28 =	vld [tilespmem:$0x1FF30];
	_ =	sdelay $0x2  }
0x20a: {  	[tilespmem:v5+s13+$0x0] =	vst.idx.msk $0xffff, v4  }
0x20b: {  	v5 =	vor.u32 v21, v1;
	v4 =	vld.idx.msk [tilespmem:v53+s10+$0x0], $0xffff  }
0x20c: {  	v29 =	vld [tilespmem:$0x1FF40];
	v54 =	vor.u32 v28, v3  }
0x20d: {  	v47 =	vld [tilespmem:$0x1FEA0];
	_ =	sdelay $0x2  }
0x20e: {  	[tilespmem:v5+s13+$0x0] =	vst.idx.msk $0xffff, v4  }
0x20f: {  	v5 =	vor.u32 v29, v1;
	v4 =	vld.idx.msk [tilespmem:v54+s10+$0x0], $0xffff  }
0x210: {  	v30 =	vld [tilespmem:$0x1FF90];
	v55 =	vor.u32 v47, v3  }
0x211: {  	v37 =	vld [tilespmem:$0x1FF80];
	_ =	sdelay $0x2  }
0x212: {  	[tilespmem:v5+s13+$0x0] =	vst.idx.msk $0xffff, v4  }
0x213: {  	v5 =	vor.u32 v30, v1;
	v4 =	vld.idx.msk [tilespmem:v55+s10+$0x0], $0xffff  }
0x214: {  	v38 =	vld [tilespmem:$0x1FFA0];
	v56 =	vor.u32 v37, v3  }
0x215: {  	v32 =	vld [tilespmem:$0x1FEB0];
	_ =	sdelay $0x2  }
0x216: {  	[tilespmem:v5+s13+$0x0] =	vst.idx.msk $0xffff, v4  }
0x217: {  	v5 =	vor.u32 v38, v1;
	v4 =	vld.idx.msk [tilespmem:v56+s10+$0x0], $0xffff  }
0x218: {  	v39 =	vld [tilespmem:$0x1FFC0];
	v57 =	vor.u32 v32, v3  }
0x219: {  	v42 =	vld [tilespmem:$0x1FFD0];
	_ =	sdelay $0x2  }
0x21a: {  	[tilespmem:v5+s13+$0x0] =	vst.idx.msk $0xffff, v4  }
0x21b: {  	v5 =	vor.u32 v39, v1;
	v4 =	vld.idx.msk [tilespmem:v57+s10+$0x0], $0xffff  }
0x21c: {  	v45 =	vld [tilespmem:$0x1FFE0];
	v58 =	vor.u32 v42, v3  }
0x21d: {  	v48 =	vld [tilespmem:$0x1FED0];
	_ =	sdelay $0x2  }
0x21e: {  	[tilespmem:v5+s13+$0x0] =	vst.idx.msk $0xffff, v4  }
0x21f: {  	v5 =	vor.u32 v45, v1;
	v4 =	vld.idx.msk [tilespmem:v58+s10+$0x0], $0xffff  }
0x220: {  	v27 =	vld [tilespmem:$0x1FB90];
	v59 =	vor.u32 v48, v3  }
0x221: {  	v33 =	vld [tilespmem:$0x1FD50];
	_ =	sdelay $0x2  }
0x222: {  	[tilespmem:v5+s13+$0x0] =	vst.idx.msk $0xffff, v4  }
0x223: {  	v5 =	vor.u32 v27, v1;
	v4 =	vld.idx.msk [tilespmem:v59+s10+$0x0], $0xffff  }
0x224: {  	v60 =	vor.u32 v33, v3;
	v51 =	vld [tilespmem:$0x1FD60]  }
0x225: {  	v34 =	vld [tilespmem:$0x1FEE0];
	_ =	sdelay $0x2  }
0x226: {  	[tilespmem:v5+s13+$0x0] =	vst.idx.msk $0xffff, v4  }
0x227: {  	v5 =	vor.u32 v51, v1;
	v4 =	vld.idx.msk [tilespmem:v60+s10+$0x0], $0xffff  }
0x228: {  	v35 =	vld [tilespmem:$0x1FBA0];
	v61 =	vor.u32 v34, v3  }
0x229: {  	v53 =	vld [tilespmem:$0x1FF50];
	_ =	sdelay $0x2  }
0x22a: {  	[tilespmem:v5+s13+$0x0] =	vst.idx.msk $0xffff, v4  }
0x22b: {  	v5 =	vor.u32 v35, v1;
	v4 =	vld.idx.msk [tilespmem:v61+s10+$0x0], $0xffff  }
0x22c: {  	v62 =	vor.u32 v53, v3;
	v54 =	vld [tilespmem:$0x1FF60]  }
0x22d: {  	v56 =	vld [tilespmem:$0x1F9D0];
	_ =	sdelay $0x2  }
0x22e: {  	[tilespmem:v5+s13+$0x0] =	vst.idx.msk $0xffff, v4  }
0x22f: {  	v5 =	vor.u32 v54, v1;
	v4 =	vld.idx.msk [tilespmem:v62+s10+$0x0], $0xffff  }
0x230: {  	v55 =	vld [tilespmem:$0x1FF70];
	v63 =	vor.u32 v56, v3  }
0x231: {  	v36 =	vld [tilespmem:$0x1F9E0];
	_ =	sdelay $0x2  }
0x232: {  	[tilespmem:v5+s13+$0x0] =	vst.idx.msk $0xffff, v4  }
0x233: {  	v5 =	vor.u32 v55, v1;
	v4 =	vld.idx.msk [tilespmem:v63+s10+$0x0], $0xffff  }
0x234: {  	v13 =	vor.u32 v36, v3;
	v52 =	vld [tilespmem:$0x1FD80]  }
0x235: {  	v57 =	vld [tilespmem:$0x1F9F0];
	_ =	sdelay $0x2  }
0x236: {  	[tilespmem:v5+s13+$0x0] =	vst.idx.msk $0xffff, v4  }
0x237: {  	v5 =	vor.u32 v52, v1;
	v4 =	vld.idx.msk [tilespmem:v13+s10+$0x0], $0xffff  }
0x238: {  	v40 =	vld [tilespmem:$0x1FD90];
	v14 =	vor.u32 v57, v3  }
0x239: {  	v58 =	vld [tilespmem:$0x1FD70];
	_ =	sdelay $0x2  }
0x23a: {  	[tilespmem:v5+s13+$0x0] =	vst.idx.msk $0xffff, v4  }
0x23b: {  	v5 =	vor.u32 v40, v1;
	v4 =	vld.idx.msk [tilespmem:v14+s10+$0x0], $0xffff  }
0x23c: {  	v15 =	vor.u32 v58, v3;
	v59 =	vld [tilespmem:$0x1FDA0]  }
0x23d: {  	v41 =	vld [tilespmem:$0x1FA00];
	_ =	sdelay $0x2  }
0x23e: {  	[tilespmem:v5+s13+$0x0] =	vst.idx.msk $0xffff, v4  }
0x23f: {  	v5 =	vor.u32 v59, v1;
	v4 =	vld.idx.msk [tilespmem:v15+s10+$0x0], $0xffff  }
0x240: {  	v43 =	vld [tilespmem:$0x1FDB0];
	v16 =	vor.u32 v41, v3  }
0x241: {  	v60 =	vld [tilespmem:$0x1FA10];
	_ =	sdelay $0x2  }
0x242: {  	[tilespmem:v5+s13+$0x0] =	vst.idx.msk $0xffff, v4  }
0x243: {  	v5 =	vor.u32 v43, v1;
	v4 =	vld.idx.msk [tilespmem:v16+s10+$0x0], $0xffff  }
0x244: {  	v17 =	vor.u32 v60, v3;
	v61 =	vld [tilespmem:$0x1FDC0]  }
0x245: {  	v44 =	vld [tilespmem:$0x1FA20];
	_ =	sdelay $0x2  }
0x246: {  	[tilespmem:v5+s13+$0x0] =	vst.idx.msk $0xffff, v4  }
0x247: {  	v5 =	vor.u32 v61, v1;
	v4 =	vld.idx.msk [tilespmem:v17+s10+$0x0], $0xffff  }
0x248: {  	v18 =	vor.u32 v44, v3;
	v14 =	vld [tilespmem:$0x1FDD0]  }
0x249: {  	v62 =	vld [tilespmem:$0x1FA30];
	_ =	sdelay $0x2  }
0x24a: {  	[tilespmem:v5+s13+$0x0] =	vst.idx.msk $0xffff, v4  }
0x24b: {  	v5 =	vor.u32 v14, v1;
	v4 =	vld.idx.msk [tilespmem:v18+s10+$0x0], $0xffff  }
0x24c: {  	v22 =	vor.u32 v62, v3;
	v63 =	vld [tilespmem:$0x1FDE0]  }
0x24d: {  	v15 =	vld [tilespmem:$0x1FA40];
	_ =	sdelay $0x2  }
0x24e: {  	[tilespmem:v5+s13+$0x0] =	vst.idx.msk $0xffff, v4  }
0x24f: {  	v5 =	vor.u32 v63, v1;
	v4 =	vld.idx.msk [tilespmem:v22+s10+$0x0], $0xffff  }
0x250: {  	v23 =	vor.u32 v15, v3;
	v17 =	vld [tilespmem:$0x1FDF0]  }
0x251: {  	v0 =	vld [tilespmem:$0x1FA50];
	_ =	sdelay $0x2  }
0x252: {  	[tilespmem:v5+s13+$0x0] =	vst.idx.msk $0xffff, v4  }
0x253: {  	v5 =	vor.u32 v17, v1;
	v4 =	vld.idx.msk [tilespmem:v23+s10+$0x0], $0xffff  }
0x254: {  	v2 =	vld [tilespmem:$0x1FE00];
	v24 =	vor.u32 v0, v3  }
0x255: {  	v18 =	vld [tilespmem:$0x1FA60];
	_ =	sdelay $0x2  }
0x256: {  	[tilespmem:v5+s13+$0x0] =	vst.idx.msk $0xffff, v4  }
0x257: {  	v5 =	vor.u32 v2, v1;
	v4 =	vld.idx.msk [tilespmem:v24+s10+$0x0], $0xffff  }
0x258: {  	v31 =	vor.u32 v18, v3;
	v23 =	vld [tilespmem:$0x1FE10]  }
0x259: {  	v6 =	vld [tilespmem:$0x1FA70];
	_ =	sdelay $0x2  }
0x25a: {  	[tilespmem:v5+s13+$0x0] =	vst.idx.msk $0xffff, v4  }
0x25b: {  	v5 =	vor.u32 v23, v1;
	v4 =	vld.idx.msk [tilespmem:v31+s10+$0x0], $0xffff  }
0x25c: {  	v7 =	vld [tilespmem:$0x1FE20];
	v49 =	vor.u32 v6, v3  }
0x25d: {  	v24 =	vld [tilespmem:$0x1FA80];
	_ =	sdelay $0x2  }
0x25e: {  	[tilespmem:v5+s13+$0x0] =	vst.idx.msk $0xffff, v4  }
0x25f: {  	v5 =	vor.u32 v7, v1;
	v4 =	vld.idx.msk [tilespmem:v49+s10+$0x0], $0xffff  }
0x260: {  	v50 =	vor.u32 v24, v3;
	v49 =	vld [tilespmem:$0x1FE30]  }
0x261: {  	v8 =	vld [tilespmem:$0x1FA90];
	_ =	sdelay $0x2  }
0x262: {  	[tilespmem:v5+s13+$0x0] =	vst.idx.msk $0xffff, v4  }
0x263: {  	v5 =	vor.u32 v49, v1;
	v4 =	vld.idx.msk [tilespmem:v50+s10+$0x0], $0xffff  }
0x264: {  	v9 =	vld [tilespmem:$0x1FE40];
	v13 =	vor.u32 v8, v3  }
0x265: {  	v50 =	vld [tilespmem:$0x1FAA0];
	_ =	sdelay $0x2  }
0x266: {  	[tilespmem:v5+s13+$0x0] =	vst.idx.msk $0xffff, v4  }
0x267: {  	v5 =	vor.u32 v9, v1;
	v4 =	vld.idx.msk [tilespmem:v13+s10+$0x0], $0xffff  }
0x268: {  	v16 =	vor.u32 v50, v3;
	_ =	sdelay $0x3  }
0x269: {  	v13 =	vld [tilespmem:$0x1FE50];
	[tilespmem:v5+s13+$0x0] =	vst.idx.msk $0xffff, v4  }
0x26a: {  	v4 =	vld.idx.msk [tilespmem:v16+s10+$0x0], $0xffff  }
0x26b: {  	v16 =	vld [tilespmem:$0x1FAB0];
	_ =	sdelay $0x3  }
0x26c: {  	v5 =	vor.u32 v13, v1  }
0x26d: {  	v22 =	vor.u32 v16, v3;
	_ =	sdelay $0x3  }
0x26e: {  	v11 =	vld [tilespmem:$0x1FE60];
	[tilespmem:v5+s13+$0x0] =	vst.idx.msk $0xffff, v4  }
0x26f: {  	v4 =	vld.idx.msk [tilespmem:v22+s10+$0x0], $0xffff  }
0x270: {  	v22 =	vld [tilespmem:$0x1FAC0];
	_ =	sdelay $0x3  }
0x271: {  	v5 =	vor.u32 v11, v1  }
0x272: {  	v31 =	vor.u32 v22, v3;
	_ =	sdelay $0x3  }
0x273: {  	v0 =	vld [tilespmem:$0x1FAD0];
	[tilespmem:v5+s13+$0x0] =	vst.idx.msk $0xffff, v4  }
0x274: {  	v4 =	vld.idx.msk [tilespmem:v31+s10+$0x0], $0xffff  }
0x275: {  	v31 =	vld [tilespmem:$0x1FE70];
	_ =	sdelay $0x4  }
0x276: {  	v10 =	vor.u32 v0, v3;
	v0 =	vld [tilespmem:$0x1FE80];
	v5 =	vor.u32 v31, v1;
	_ =	sdelay $0x4  }
0x277: {  	[tilespmem:v5+s13+$0x0] =	vst.idx.msk $0xffff, v4;
	v5 =	vor.u32 v0, v1;
	v0 =	vld [tilespmem:$0x1FAE0];
	_ =	sdelay $0x3  }
0x278: {  	v4 =	vld.idx.msk [tilespmem:v10+s10+$0x0], $0xffff  }
0x279: {  	v3 =	vor.u32 v0, v3;
	_ =	sdelay $0x2  }
0x27a: {  	v10 =	vlaneseq.u32  }
0x27b: {  	[tilespmem:v5+s13+$0x0] =	vst.idx.msk $0xffff, v4;
	v5 =	vor.u32 s30, v10  }
0x27c: {  	v0 =	vor.u32 v25, v1;
	v4 =	vld.idx.msk [tilespmem:v3+s10+$0x0], $0xffff;
	v3 =	vshll.u32 v5, $0x5  }
0x27d: {  	v1 =	vld [tilespmem:$0x1FFF0];
	v10 =	vor.u32 v10, v3;
	_ =	sdelay $0x3  }
0x27e: {  	[tilespmem:v0+s13+$0x0] =	vst.idx.msk $0xffff, v4;
	v0 =	vand.u32 $0x78, v5  }
0x27f: {  	v4 =	vld.idx.msk [tilespmem:v10+s10+$0x0], $0xffff;
	v5 =	vor.u32 v1, v0  }
0x280: {  	v26 =	vor.u32 v26, v3;
	_ =	sdelay $0x3  }
0x281: {  	[tilespmem:v5+s13+$0x0] =	vst.idx.msk $0xffff, v4  }
0x282: {  	v5 =	vor.u32 v12, v0;
	v4 =	vld.idx.msk [tilespmem:v26+s10+$0x0], $0xffff  }
0x283: {  	v19 =	vor.u32 v19, v3;
	_ =	sdelay $0x3  }
0x284: {  	[tilespmem:v5+s13+$0x0] =	vst.idx.msk $0xffff, v4  }
0x285: {  	v5 =	vor.u32 v20, v0;
	v4 =	vld.idx.msk [tilespmem:v19+s10+$0x0], $0xffff  }
0x286: {  	v20 =	vor.u32 v46, v3;
	_ =	sdelay $0x3  }
0x287: {  	[tilespmem:v5+s13+$0x0] =	vst.idx.msk $0xffff, v4  }
0x288: {  	v5 =	vor.u32 v21, v0;
	v4 =	vld.idx.msk [tilespmem:v20+s10+$0x0], $0xffff  }
0x289: {  	v25 =	vor.u32 v28, v3;
	_ =	sdelay $0x3  }
0x28a: {  	[tilespmem:v5+s13+$0x0] =	vst.idx.msk $0xffff, v4  }
0x28b: {  	v5 =	vor.u32 v29, v0;
	v4 =	vld.idx.msk [tilespmem:v25+s10+$0x0], $0xffff  }
0x28c: {  	v26 =	vor.u32 v47, v3;
	_ =	sdelay $0x3  }
0x28d: {  	[tilespmem:v5+s13+$0x0] =	vst.idx.msk $0xffff, v4  }
0x28e: {  	v5 =	vor.u32 v30, v0;
	v4 =	vld.idx.msk [tilespmem:v26+s10+$0x0], $0xffff  }
0x28f: {  	v28 =	vor.u32 v37, v3;
	_ =	sdelay $0x3  }
0x290: {  	[tilespmem:v5+s13+$0x0] =	vst.idx.msk $0xffff, v4  }
0x291: {  	v5 =	vor.u32 v38, v0;
	v4 =	vld.idx.msk [tilespmem:v28+s10+$0x0], $0xffff  }
0x292: {  	v29 =	vor.u32 v32, v3;
	_ =	sdelay $0x3  }
0x293: {  	[tilespmem:v5+s13+$0x0] =	vst.idx.msk $0xffff, v4  }
0x294: {  	v5 =	vor.u32 v39, v0;
	v4 =	vld.idx.msk [tilespmem:v29+s10+$0x0], $0xffff  }
0x295: {  	v30 =	vor.u32 v42, v3;
	_ =	sdelay $0x3  }
0x296: {  	[tilespmem:v5+s13+$0x0] =	vst.idx.msk $0xffff, v4  }
0x297: {  	v5 =	vor.u32 v45, v0;
	v4 =	vld.idx.msk [tilespmem:v30+s10+$0x0], $0xffff  }
0x298: {  	v32 =	vor.u32 v48, v3;
	_ =	sdelay $0x3  }
0x299: {  	[tilespmem:v5+s13+$0x0] =	vst.idx.msk $0xffff, v4  }
0x29a: {  	v5 =	vor.u32 v27, v0;
	v4 =	vld.idx.msk [tilespmem:v32+s10+$0x0], $0xffff  }
0x29b: {  	v37 =	vor.u32 v33, v3;
	_ =	sdelay $0x3  }
0x29c: {  	[tilespmem:v5+s13+$0x0] =	vst.idx.msk $0xffff, v4  }
0x29d: {  	v5 =	vor.u32 v51, v0;
	v4 =	vld.idx.msk [tilespmem:v37+s10+$0x0], $0xffff  }
0x29e: {  	v38 =	vor.u32 v34, v3;
	_ =	sdelay $0x3  }
0x29f: {  	[tilespmem:v5+s13+$0x0] =	vst.idx.msk $0xffff, v4  }
0x2a0: {  	v5 =	vor.u32 v35, v0;
	v4 =	vld.idx.msk [tilespmem:v38+s10+$0x0], $0xffff  }
0x2a1: {  	v39 =	vor.u32 v53, v3;
	_ =	sdelay $0x3  }
0x2a2: {  	[tilespmem:v5+s13+$0x0] =	vst.idx.msk $0xffff, v4  }
0x2a3: {  	v5 =	vor.u32 v54, v0;
	v4 =	vld.idx.msk [tilespmem:v39+s10+$0x0], $0xffff  }
0x2a4: {  	v42 =	vor.u32 v56, v3;
	_ =	sdelay $0x3  }
0x2a5: {  	[tilespmem:v5+s13+$0x0] =	vst.idx.msk $0xffff, v4  }
0x2a6: {  	v5 =	vor.u32 v55, v0;
	v4 =	vld.idx.msk [tilespmem:v42+s10+$0x0], $0xffff  }
0x2a7: {  	v45 =	vor.u32 v36, v3;
	_ =	sdelay $0x3  }
0x2a8: {  	[tilespmem:v5+s13+$0x0] =	vst.idx.msk $0xffff, v4  }
0x2a9: {  	v5 =	vor.u32 v52, v0;
	v4 =	vld.idx.msk [tilespmem:v45+s10+$0x0], $0xffff  }
0x2aa: {  	v46 =	vor.u32 v57, v3;
	_ =	sdelay $0x3  }
0x2ab: {  	[tilespmem:v5+s13+$0x0] =	vst.idx.msk $0xffff, v4  }
0x2ac: {  	v5 =	vor.u32 v40, v0;
	v4 =	vld.idx.msk [tilespmem:v46+s10+$0x0], $0xffff  }
0x2ad: {  	v47 =	vor.u32 v58, v3;
	_ =	sdelay $0x3  }
0x2ae: {  	[tilespmem:v5+s13+$0x0] =	vst.idx.msk $0xffff, v4  }
0x2af: {  	v5 =	vor.u32 v59, v0;
	v4 =	vld.idx.msk [tilespmem:v47+s10+$0x0], $0xffff  }
0x2b0: {  	v48 =	vor.u32 v41, v3;
	_ =	sdelay $0x3  }
0x2b1: {  	[tilespmem:v5+s13+$0x0] =	vst.idx.msk $0xffff, v4  }
0x2b2: {  	v5 =	vor.u32 v43, v0;
	v4 =	vld.idx.msk [tilespmem:v48+s10+$0x0], $0xffff  }
0x2b3: {  	v51 =	vor.u32 v60, v3;
	_ =	sdelay $0x3  }
0x2b4: {  	[tilespmem:v5+s13+$0x0] =	vst.idx.msk $0xffff, v4  }
0x2b5: {  	v5 =	vor.u32 v61, v0;
	v4 =	vld.idx.msk [tilespmem:v51+s10+$0x0], $0xffff  }
0x2b6: {  	v52 =	vor.u32 v44, v3;
	_ =	sdelay $0x3  }
0x2b7: {  	[tilespmem:v5+s13+$0x0] =	vst.idx.msk $0xffff, v4  }
0x2b8: {  	v5 =	vor.u32 v14, v0;
	v4 =	vld.idx.msk [tilespmem:v52+s10+$0x0], $0xffff  }
0x2b9: {  	v53 =	vor.u32 v62, v3;
	_ =	sdelay $0x3  }
0x2ba: {  	[tilespmem:v5+s13+$0x0] =	vst.idx.msk $0xffff, v4  }
0x2bb: {  	v5 =	vor.u32 v63, v0;
	v4 =	vld.idx.msk [tilespmem:v53+s10+$0x0], $0xffff  }
0x2bc: {  	v54 =	vor.u32 v15, v3  }
0x2bd: {  	v1 =	vld [tilespmem:$0x1FA50];
	_ =	sdelay $0x2  }
0x2be: {  	[tilespmem:v5+s13+$0x0] =	vst.idx.msk $0xffff, v4  }
0x2bf: {  	v5 =	vor.u32 v17, v0;
	v4 =	vld.idx.msk [tilespmem:v54+s10+$0x0], $0xffff  }
0x2c0: {  	v55 =	vor.u32 v1, v3;
	_ =	sdelay $0x3  }
0x2c1: {  	[tilespmem:v5+s13+$0x0] =	vst.idx.msk $0xffff, v4  }
0x2c2: {  	v5 =	vor.u32 v2, v0;
	v4 =	vld.idx.msk [tilespmem:v55+s10+$0x0], $0xffff  }
0x2c3: {  	v56 =	vor.u32 v18, v3;
	_ =	sdelay $0x3  }
0x2c4: {  	[tilespmem:v5+s13+$0x0] =	vst.idx.msk $0xffff, v4  }
0x2c5: {  	v5 =	vor.u32 v23, v0;
	v4 =	vld.idx.msk [tilespmem:v56+s10+$0x0], $0xffff  }
0x2c6: {  	v57 =	vor.u32 v6, v3;
	_ =	sdelay $0x3  }
0x2c7: {  	[tilespmem:v5+s13+$0x0] =	vst.idx.msk $0xffff, v4  }
0x2c8: {  	v5 =	vor.u32 v7, v0;
	v4 =	vld.idx.msk [tilespmem:v57+s10+$0x0], $0xffff  }
0x2c9: {  	v58 =	vor.u32 v24, v3;
	_ =	sdelay $0x3  }
0x2ca: {  	[tilespmem:v5+s13+$0x0] =	vst.idx.msk $0xffff, v4  }
0x2cb: {  	v5 =	vor.u32 v49, v0;
	v4 =	vld.idx.msk [tilespmem:v58+s10+$0x0], $0xffff  }
0x2cc: {  	v59 =	vor.u32 v8, v3;
	_ =	sdelay $0x3  }
0x2cd: {  	[tilespmem:v5+s13+$0x0] =	vst.idx.msk $0xffff, v4  }
0x2ce: {  	v5 =	vor.u32 v9, v0;
	v4 =	vld.idx.msk [tilespmem:v59+s10+$0x0], $0xffff  }
0x2cf: {  	v60 =	vor.u32 v50, v3;
	_ =	sdelay $0x3  }
0x2d0: {  	[tilespmem:v5+s13+$0x0] =	vst.idx.msk $0xffff, v4  }
0x2d1: {  	v5 =	vor.u32 v13, v0;
	v4 =	vld.idx.msk [tilespmem:v60+s10+$0x0], $0xffff  }
0x2d2: {  	v61 =	vor.u32 v16, v3;
	_ =	sdelay $0x3  }
0x2d3: {  	v1 =	vld [tilespmem:$0x1FAD0];
	[tilespmem:v5+s13+$0x0] =	vst.idx.msk $0xffff, v4  }
0x2d4: {  	v5 =	vor.u32 v11, v0;
	v4 =	vld.idx.msk [tilespmem:v61+s10+$0x0], $0xffff  }
0x2d5: {  	v62 =	vor.u32 v22, v3;
	_ =	sdelay $0x3  }
0x2d6: {  	v63 =	vor.u32 v1, v3;
	v1 =	vld [tilespmem:$0x1FE80];
	[tilespmem:v5+s13+$0x0] =	vst.idx.msk $0xffff, v4  }
0x2d7: {  	v5 =	vor.u32 v31, v0;
	v4 =	vld.idx.msk [tilespmem:v62+s10+$0x0], $0xffff;
	_ =	sdelay $0x3  }
0x2d8: {  	s28 =	sadd.s32 $0x2, s28  }
0x2d9: {  	p1 =	slt.u32 s28, $0x6;
	[tilespmem:v5+s13+$0x0] =	vst.idx.msk $0xffff, v4;
	v5 =	vor.u32 v1, v0;
	v1 =	vld [tilespmem:$0x1FAE0]  }
.Ltmp2:
0x2da: {  	_ = 	snop;
	(pc) =	sbr.rel @p1 .LBB2_7-.Ltmp2, $2  }
0x2db: {  	_ =	sdelay $0x2  }
0x2dc: {  	s30 =	sadd.s32 $0x20, s30;
	v4 =	vld.idx.msk [tilespmem:v63+s10+$0x0], $0xffff;
	v3 =	vor.u32 v1, v3  }
0x2dd: {  	v1 =	vld [tilespmem:$0x1FFB0];
	_ =	sdelay $0x3  }
0x2de: {  	[tilespmem:v5+s13+$0x0] =	vst.idx.msk $0xffff, v4  }
0x2df: {  	v3 =	vld.idx.msk [tilespmem:v3+s10+$0x0], $0xffff;
	v0 =	vor.u32 v1, v0  }
0x2e0: {  	s28 =	sshll.u32 s25, $0x12  }
0x2e1: {  	s29 =	sshll.u32 s29, $0xA;
	s28 =	sand.u32 $0x1F80000, s28  }
0x2e2: {  	s29 =	sor.u32 s28, s29  }
0x2e3: {  	s29 =	sshrl.u32 s29, $0x3  }
0x2e4: {  	s29 =	sadd.s32 s1, s29;
	[tilespmem:v0+s13+$0x0] =	vst.idx.msk $0xffff, v3  }
0x2e5: {  	[hbm4b:s29+s2] =	stream.linear.scatter [tilespmem:s13], [sflag:$0x4], $0x400, $0x38;
	[tilespmem:$0xA400] =	vst v63  }
0x2e6: {  	s30 =	sadd.s32 $0x4000, s29  }
0x2e7: {  	[hbm4b:s30+s2] =	stream.linear.scatter [tilespmem:s14], [sflag:$0x4], $0x400, $0x38;
	[tilespmem:$0xA400] =	vst v63  }
0x2e8: {  	s30 =	sadd.s32 $0x8000, s29  }
0x2e9: {  	[hbm4b:s30+s2] =	stream.linear.scatter [tilespmem:s15], [sflag:$0x4], $0x400, $0x38;
	[tilespmem:$0xA400] =	vst v63  }
0x2ea: {  	s29 =	sadd.s32 $0xC000, s29  }
0x2eb: {  	[hbm4b:s29+s2] =	stream.linear.scatter [tilespmem:s16], [sflag:$0x4], $0x400, $0x38;
	[tilespmem:$0xA400] =	vst v63  }
0x2ec: {  	s29 =	simm.s32 @!p0 $0x5  }
0x2ed: {  	_ =	swait.ge @!p0 [sflag:s29], $0x400  }
0x2ee: {  	[sflag:s29] =	ssyncset.done @!p0 $0x0  }
0x2ef: {  	[sflag:s29] =	ssyncadd.s32 @!p0 $0xFFFFFC00  }
0x2f0: {  	_ =	swait.ge @!p0 [sflag:s29], $0x400  }
0x2f1: {  	[sflag:s29] =	ssyncset.done @!p0 $0x0  }
0x2f2: {  	[sflag:s29] =	ssyncadd.s32 @!p0 $0xFFFFFC00  }
0x2f3: {  	_ =	swait.ge @!p0 [sflag:s29], $0x400  }
0x2f4: {  	[sflag:s29] =	ssyncset.done @!p0 $0x0  }
0x2f5: {  	[sflag:s29] =	ssyncadd.s32 @!p0 $0xFFFFFC00  }
0x2f6: {  	_ =	swait.ge @!p0 [sflag:s29], $0x400  }
0x2f7: {  	v1 =	vlaneseq.u32;
	s30 =	simm.s32 $0x0;
	[sflag:s29] =	ssyncset.done @!p0 $0x0  }
0x2f8: {  	v3 =	vor.u32 s30, v1;
	[sflag:s29] =	ssyncadd.s32 @!p0 $0xFFFFFC00  }
0x2f9: {  	v0 =	vshll.u32 v3, $0x5;
	_ =	swait.ge [sflag:s17], $0x1000  }
0x2fa: {  	v4 =	vor.u32 v1, v0;
	p0 =	seq.s32 s25, $0x63;
	v1 =	vld [tilespmem:$0x1FFF0]  }
0x2fb: {  	s29 =	sshll.u32 @!p0 s25, $0x8;
	v26 =	vld [tilespmem:$0x1FEC0]  }
0x2fc: {  	s30 =	simm.s32 @!p0 $0x80;
	[sflag:s17] =	ssyncset.done $0x0;
	s29 =	sand.u32 @!p0 $0x3FFFFF00, s29  }
0x2fd: {  	s31 =	simm.s32 @!p0 $0x6400;
	[sflag:s17] =	ssyncadd.s32 $0xFFFFF000;
	s29 =	sadd.s32 @!p0 $0x100, s29  }
0x2fe: {  	v3 =	vand.u32 $0x68, v3;
	[tilespmem:s31], [sflag:$0x2] =	stream.indirect.gather @!p0 [hbm4b:s4+s30], $0x20, s29, s30, $0xb8;
	[tilespmem:$0xA400] =	vst v63  }
0x2ff: {  	v4 =	vld.idx.msk [tilespmem:v4+s12+$0x0], $0xffff;
	v5 =	vor.u32 v1, v3  }
0x300: {  	v12 =	vld [tilespmem:$0x1FF00];
	v10 =	vor.u32 v26, v0  }
0x301: {  	v19 =	vld [tilespmem:$0x1FEF0];
	_ =	sdelay $0x2  }
0x302: {  	[tilespmem:v5+s18+$0x0] =	vst.idx.msk $0xffff, v4  }
0x303: {  	v5 =	vor.u32 v12, v3;
	v4 =	vld.idx.msk [tilespmem:v10+s12+$0x0], $0xffff  }
0x304: {  	v20 =	vld [tilespmem:$0x1FF10];
	v53 =	vor.u32 v19, v0  }
0x305: {  	v46 =	vld [tilespmem:$0x1FE90];
	_ =	sdelay $0x2  }
0x306: {  	[tilespmem:v5+s18+$0x0] =	vst.idx.msk $0xffff, v4  }
0x307: {  	v5 =	vor.u32 v20, v3;
	v4 =	vld.idx.msk [tilespmem:v53+s12+$0x0], $0xffff  }
0x308: {  	v21 =	vld [tilespmem:$0x1FF20];
	v54 =	vor.u32 v46, v0  }
0x309: {  	v28 =	vld [tilespmem:$0x1FF30];
	_ =	sdelay $0x2  }
0x30a: {  	[tilespmem:v5+s18+$0x0] =	vst.idx.msk $0xffff, v4  }
0x30b: {  	v5 =	vor.u32 v21, v3;
	v4 =	vld.idx.msk [tilespmem:v54+s12+$0x0], $0xffff  }
0x30c: {  	v29 =	vld [tilespmem:$0x1FF40];
	v55 =	vor.u32 v28, v0  }
0x30d: {  	v47 =	vld [tilespmem:$0x1FEA0];
	_ =	sdelay $0x2  }
0x30e: {  	[tilespmem:v5+s18+$0x0] =	vst.idx.msk $0xffff, v4  }
0x30f: {  	v5 =	vor.u32 v29, v3;
	v4 =	vld.idx.msk [tilespmem:v55+s12+$0x0], $0xffff  }
0x310: {  	v30 =	vld [tilespmem:$0x1FF90];
	v56 =	vor.u32 v47, v0  }
0x311: {  	v37 =	vld [tilespmem:$0x1FF80];
	_ =	sdelay $0x2  }
0x312: {  	[tilespmem:v5+s18+$0x0] =	vst.idx.msk $0xffff, v4  }
0x313: {  	v5 =	vor.u32 v30, v3;
	v4 =	vld.idx.msk [tilespmem:v56+s12+$0x0], $0xffff  }
0x314: {  	v38 =	vld [tilespmem:$0x1FFA0];
	v57 =	vor.u32 v37, v0  }
0x315: {  	v32 =	vld [tilespmem:$0x1FEB0];
	_ =	sdelay $0x2  }
0x316: {  	[tilespmem:v5+s18+$0x0] =	vst.idx.msk $0xffff, v4  }
0x317: {  	v5 =	vor.u32 v38, v3;
	v4 =	vld.idx.msk [tilespmem:v57+s12+$0x0], $0xffff  }
0x318: {  	v39 =	vld [tilespmem:$0x1FFC0];
	v58 =	vor.u32 v32, v0  }
0x319: {  	v42 =	vld [tilespmem:$0x1FFD0];
	_ =	sdelay $0x2  }
0x31a: {  	[tilespmem:v5+s18+$0x0] =	vst.idx.msk $0xffff, v4  }
0x31b: {  	v5 =	vor.u32 v39, v3;
	v4 =	vld.idx.msk [tilespmem:v58+s12+$0x0], $0xffff  }
0x31c: {  	v45 =	vld [tilespmem:$0x1FFE0];
	v59 =	vor.u32 v42, v0  }
0x31d: {  	v48 =	vld [tilespmem:$0x1FED0];
	_ =	sdelay $0x2  }
0x31e: {  	[tilespmem:v5+s18+$0x0] =	vst.idx.msk $0xffff, v4  }
0x31f: {  	v5 =	vor.u32 v45, v3;
	v4 =	vld.idx.msk [tilespmem:v59+s12+$0x0], $0xffff  }
0x320: {  	v27 =	vld [tilespmem:$0x1FB90];
	v60 =	vor.u32 v48, v0  }
0x321: {  	v33 =	vld [tilespmem:$0x1FD50];
	_ =	sdelay $0x2  }
0x322: {  	[tilespmem:v5+s18+$0x0] =	vst.idx.msk $0xffff, v4  }
0x323: {  	v5 =	vor.u32 v27, v3;
	v4 =	vld.idx.msk [tilespmem:v60+s12+$0x0], $0xffff  }
0x324: {  	v51 =	vld [tilespmem:$0x1FD60];
	v61 =	vor.u32 v33, v0  }
0x325: {  	v34 =	vld [tilespmem:$0x1FEE0];
	_ =	sdelay $0x2  }
0x326: {  	[tilespmem:v5+s18+$0x0] =	vst.idx.msk $0xffff, v4  }
0x327: {  	v5 =	vor.u32 v51, v3;
	v4 =	vld.idx.msk [tilespmem:v61+s12+$0x0], $0xffff  }
0x328: {  	v35 =	vld [tilespmem:$0x1FBA0];
	v62 =	vor.u32 v34, v0  }
0x329: {  	v53 =	vld [tilespmem:$0x1FF50];
	_ =	sdelay $0x2  }
0x32a: {  	[tilespmem:v5+s18+$0x0] =	vst.idx.msk $0xffff, v4  }
0x32b: {  	v5 =	vor.u32 v35, v3;
	v4 =	vld.idx.msk [tilespmem:v62+s12+$0x0], $0xffff  }
0x32c: {  	v63 =	vor.u32 v53, v0;
	v54 =	vld [tilespmem:$0x1FF60]  }
0x32d: {  	v56 =	vld [tilespmem:$0x1F9D0];
	_ =	sdelay $0x2  }
0x32e: {  	[tilespmem:v5+s18+$0x0] =	vst.idx.msk $0xffff, v4  }
0x32f: {  	v5 =	vor.u32 v54, v3;
	v4 =	vld.idx.msk [tilespmem:v63+s12+$0x0], $0xffff  }
0x330: {  	v55 =	vld [tilespmem:$0x1FF70];
	v13 =	vor.u32 v56, v0  }
0x331: {  	v36 =	vld [tilespmem:$0x1F9E0];
	_ =	sdelay $0x2  }
0x332: {  	[tilespmem:v5+s18+$0x0] =	vst.idx.msk $0xffff, v4  }
0x333: {  	v5 =	vor.u32 v55, v3;
	v4 =	vld.idx.msk [tilespmem:v13+s12+$0x0], $0xffff  }
0x334: {  	v52 =	vld [tilespmem:$0x1FD80];
	v14 =	vor.u32 v36, v0  }
0x335: {  	v57 =	vld [tilespmem:$0x1F9F0];
	_ =	sdelay $0x2  }
0x336: {  	[tilespmem:v5+s18+$0x0] =	vst.idx.msk $0xffff, v4  }
0x337: {  	v5 =	vor.u32 v52, v3;
	v4 =	vld.idx.msk [tilespmem:v14+s12+$0x0], $0xffff  }
0x338: {  	v40 =	vld [tilespmem:$0x1FD90];
	v15 =	vor.u32 v57, v0  }
0x339: {  	v58 =	vld [tilespmem:$0x1FD70];
	_ =	sdelay $0x2  }
0x33a: {  	[tilespmem:v5+s18+$0x0] =	vst.idx.msk $0xffff, v4  }
0x33b: {  	v5 =	vor.u32 v40, v3;
	v4 =	vld.idx.msk [tilespmem:v15+s12+$0x0], $0xffff  }
0x33c: {  	v16 =	vor.u32 v58, v0;
	v59 =	vld [tilespmem:$0x1FDA0]  }
0x33d: {  	v41 =	vld [tilespmem:$0x1FA00];
	_ =	sdelay $0x2  }
0x33e: {  	[tilespmem:v5+s18+$0x0] =	vst.idx.msk $0xffff, v4  }
0x33f: {  	v5 =	vor.u32 v59, v3;
	v4 =	vld.idx.msk [tilespmem:v16+s12+$0x0], $0xffff  }
0x340: {  	v43 =	vld [tilespmem:$0x1FDB0];
	v17 =	vor.u32 v41, v0  }
0x341: {  	v60 =	vld [tilespmem:$0x1FA10];
	_ =	sdelay $0x2  }
0x342: {  	[tilespmem:v5+s18+$0x0] =	vst.idx.msk $0xffff, v4  }
0x343: {  	v5 =	vor.u32 v43, v3;
	v4 =	vld.idx.msk [tilespmem:v17+s12+$0x0], $0xffff  }
0x344: {  	v18 =	vor.u32 v60, v0;
	v61 =	vld [tilespmem:$0x1FDC0]  }
0x345: {  	v44 =	vld [tilespmem:$0x1FA20];
	_ =	sdelay $0x2  }
0x346: {  	[tilespmem:v5+s18+$0x0] =	vst.idx.msk $0xffff, v4  }
0x347: {  	v5 =	vor.u32 v61, v3;
	v4 =	vld.idx.msk [tilespmem:v18+s12+$0x0], $0xffff  }
0x348: {  	v22 =	vor.u32 v44, v0;
	v14 =	vld [tilespmem:$0x1FDD0]  }
0x349: {  	v62 =	vld [tilespmem:$0x1FA30];
	_ =	sdelay $0x2  }
0x34a: {  	[tilespmem:v5+s18+$0x0] =	vst.idx.msk $0xffff, v4  }
0x34b: {  	v5 =	vor.u32 v14, v3;
	v4 =	vld.idx.msk [tilespmem:v22+s12+$0x0], $0xffff  }
0x34c: {  	v23 =	vor.u32 v62, v0;
	v63 =	vld [tilespmem:$0x1FDE0]  }
0x34d: {  	v15 =	vld [tilespmem:$0x1FA40];
	_ =	sdelay $0x2  }
0x34e: {  	[tilespmem:v5+s18+$0x0] =	vst.idx.msk $0xffff, v4  }
0x34f: {  	v5 =	vor.u32 v63, v3;
	v4 =	vld.idx.msk [tilespmem:v23+s12+$0x0], $0xffff  }
0x350: {  	v24 =	vor.u32 v15, v0;
	v17 =	vld [tilespmem:$0x1FDF0]  }
0x351: {  	v1 =	vld [tilespmem:$0x1FA50];
	_ =	sdelay $0x2  }
0x352: {  	[tilespmem:v5+s18+$0x0] =	vst.idx.msk $0xffff, v4  }
0x353: {  	v5 =	vor.u32 v17, v3;
	v4 =	vld.idx.msk [tilespmem:v24+s12+$0x0], $0xffff  }
0x354: {  	v2 =	vld [tilespmem:$0x1FE00];
	v25 =	vor.u32 v1, v0  }
0x355: {  	v18 =	vld [tilespmem:$0x1FA60];
	_ =	sdelay $0x2  }
0x356: {  	[tilespmem:v5+s18+$0x0] =	vst.idx.msk $0xffff, v4  }
0x357: {  	v5 =	vor.u32 v2, v3;
	v4 =	vld.idx.msk [tilespmem:v25+s12+$0x0], $0xffff  }
0x358: {  	v31 =	vor.u32 v18, v0;
	v23 =	vld [tilespmem:$0x1FE10]  }
0x359: {  	v6 =	vld [tilespmem:$0x1FA70];
	_ =	sdelay $0x2  }
0x35a: {  	[tilespmem:v5+s18+$0x0] =	vst.idx.msk $0xffff, v4  }
0x35b: {  	v5 =	vor.u32 v23, v3;
	v4 =	vld.idx.msk [tilespmem:v31+s12+$0x0], $0xffff  }
0x35c: {  	v7 =	vld [tilespmem:$0x1FE20];
	v49 =	vor.u32 v6, v0  }
0x35d: {  	v24 =	vld [tilespmem:$0x1FA80];
	_ =	sdelay $0x2  }
0x35e: {  	[tilespmem:v5+s18+$0x0] =	vst.idx.msk $0xffff, v4  }
0x35f: {  	v5 =	vor.u32 v7, v3;
	v4 =	vld.idx.msk [tilespmem:v49+s12+$0x0], $0xffff  }
0x360: {  	v50 =	vor.u32 v24, v0;
	v49 =	vld [tilespmem:$0x1FE30]  }
0x361: {  	v8 =	vld [tilespmem:$0x1FA90];
	_ =	sdelay $0x2  }
0x362: {  	[tilespmem:v5+s18+$0x0] =	vst.idx.msk $0xffff, v4  }
0x363: {  	v5 =	vor.u32 v49, v3;
	v4 =	vld.idx.msk [tilespmem:v50+s12+$0x0], $0xffff  }
0x364: {  	v9 =	vld [tilespmem:$0x1FE40];
	v13 =	vor.u32 v8, v0  }
0x365: {  	v50 =	vld [tilespmem:$0x1FAA0];
	_ =	sdelay $0x2  }
0x366: {  	[tilespmem:v5+s18+$0x0] =	vst.idx.msk $0xffff, v4  }
0x367: {  	v5 =	vor.u32 v9, v3;
	v4 =	vld.idx.msk [tilespmem:v13+s12+$0x0], $0xffff  }
0x368: {  	v16 =	vor.u32 v50, v0;
	_ =	sdelay $0x3  }
0x369: {  	v13 =	vld [tilespmem:$0x1FE50];
	[tilespmem:v5+s18+$0x0] =	vst.idx.msk $0xffff, v4  }
0x36a: {  	v4 =	vld.idx.msk [tilespmem:v16+s12+$0x0], $0xffff  }
0x36b: {  	v16 =	vld [tilespmem:$0x1FAB0];
	_ =	sdelay $0x3  }
0x36c: {  	v5 =	vor.u32 v13, v3  }
0x36d: {  	v22 =	vor.u32 v16, v0;
	_ =	sdelay $0x3  }
0x36e: {  	v11 =	vld [tilespmem:$0x1FE60];
	[tilespmem:v5+s18+$0x0] =	vst.idx.msk $0xffff, v4  }
0x36f: {  	v4 =	vld.idx.msk [tilespmem:v22+s12+$0x0], $0xffff  }
0x370: {  	v22 =	vld [tilespmem:$0x1FAC0];
	_ =	sdelay $0x3  }
0x371: {  	v5 =	vor.u32 v11, v3  }
0x372: {  	v25 =	vor.u32 v22, v0;
	_ =	sdelay $0x3  }
0x373: {  	[tilespmem:v5+s18+$0x0] =	vst.idx.msk $0xffff, v4  }
0x374: {  	v4 =	vld.idx.msk [tilespmem:v25+s12+$0x0], $0xffff  }
0x375: {  	v25 =	vld [tilespmem:$0x1FE70];
	_ =	sdelay $0x3  }
0x376: {  	v31 =	vld [tilespmem:$0x1FAD0]  }
0x377: {  	v5 =	vor.u32 v25, v3;
	_ =	sdelay $0x3  }
0x378: {  	v10 =	vor.u32 v31, v0  }
0x379: {  	[tilespmem:v5+s18+$0x0] =	vst.idx.msk $0xffff, v4;
	v5 =	vld [tilespmem:$0x1FE80];
	_ =	sdelay $0x3  }
0x37a: {  	v4 =	vld.idx.msk [tilespmem:v10+s12+$0x0], $0xffff  }
0x37b: {  	v10 =	vld [tilespmem:$0x1FAE0];
	v5 =	vor.u32 v5, v3;
	_ =	sdelay $0x4  }
0x37c: {  	v0 =	vor.u32 v10, v0;
	[tilespmem:v5+s18+$0x0] =	vst.idx.msk $0xffff, v4;
	v5 =	vld [tilespmem:$0x1FFB0];
	_ =	sdelay $0x4  }
0x37d: {  	v0 =	vld.idx.msk [tilespmem:v0+s12+$0x0], $0xffff;
	v5 =	vor.u32 v5, v3;
	_ =	sdelay $0x1  }
0x37e: {  	s29 =	simm.s32 $0x10;
	v10 =	vlaneseq.u32  }
0x37f: {  	v4 =	vor.u32 s29, v10  }
0x380: {  	v3 =	vshll.u32 v4, $0x5  }
0x381: {  	v10 =	vor.u32 v10, v3;
	[tilespmem:v5+s18+$0x0] =	vst.idx.msk $0xffff, v0;
	v5 =	vld [tilespmem:$0x1FFF0];
	_ =	sdelay $0x3  }
0x382: {  	v0 =	vand.u32 $0x78, v4  }
0x383: {  	v4 =	vld.idx.msk [tilespmem:v10+s12+$0x0], $0xffff;
	v5 =	vor.u32 v5, v0  }
0x384: {  	v26 =	vor.u32 v26, v3;
	_ =	sdelay $0x3  }
0x385: {  	[tilespmem:v5+s18+$0x0] =	vst.idx.msk $0xffff, v4  }
0x386: {  	v5 =	vor.u32 v12, v0;
	v4 =	vld.idx.msk [tilespmem:v26+s12+$0x0], $0xffff  }
0x387: {  	v19 =	vor.u32 v19, v3;
	_ =	sdelay $0x3  }
0x388: {  	[tilespmem:v5+s18+$0x0] =	vst.idx.msk $0xffff, v4  }
0x389: {  	v5 =	vor.u32 v20, v0;
	v4 =	vld.idx.msk [tilespmem:v19+s12+$0x0], $0xffff  }
0x38a: {  	v20 =	vor.u32 v46, v3;
	_ =	sdelay $0x3  }
0x38b: {  	[tilespmem:v5+s18+$0x0] =	vst.idx.msk $0xffff, v4  }
0x38c: {  	v5 =	vor.u32 v21, v0;
	v4 =	vld.idx.msk [tilespmem:v20+s12+$0x0], $0xffff  }
0x38d: {  	v21 =	vor.u32 v28, v3;
	_ =	sdelay $0x3  }
0x38e: {  	[tilespmem:v5+s18+$0x0] =	vst.idx.msk $0xffff, v4  }
0x38f: {  	v5 =	vor.u32 v29, v0;
	v4 =	vld.idx.msk [tilespmem:v21+s12+$0x0], $0xffff  }
0x390: {  	v26 =	vor.u32 v47, v3;
	_ =	sdelay $0x3  }
0x391: {  	[tilespmem:v5+s18+$0x0] =	vst.idx.msk $0xffff, v4  }
0x392: {  	v5 =	vor.u32 v30, v0;
	v4 =	vld.idx.msk [tilespmem:v26+s12+$0x0], $0xffff  }
0x393: {  	v28 =	vor.u32 v37, v3;
	_ =	sdelay $0x3  }
0x394: {  	[tilespmem:v5+s18+$0x0] =	vst.idx.msk $0xffff, v4  }
0x395: {  	v5 =	vor.u32 v38, v0;
	v4 =	vld.idx.msk [tilespmem:v28+s12+$0x0], $0xffff  }
0x396: {  	v29 =	vor.u32 v32, v3;
	_ =	sdelay $0x3  }
0x397: {  	[tilespmem:v5+s18+$0x0] =	vst.idx.msk $0xffff, v4  }
0x398: {  	v5 =	vor.u32 v39, v0;
	v4 =	vld.idx.msk [tilespmem:v29+s12+$0x0], $0xffff  }
0x399: {  	v30 =	vor.u32 v42, v3;
	_ =	sdelay $0x3  }
0x39a: {  	[tilespmem:v5+s18+$0x0] =	vst.idx.msk $0xffff, v4  }
0x39b: {  	v5 =	vor.u32 v45, v0;
	v4 =	vld.idx.msk [tilespmem:v30+s12+$0x0], $0xffff  }
0x39c: {  	v32 =	vor.u32 v48, v3;
	_ =	sdelay $0x3  }
0x39d: {  	[tilespmem:v5+s18+$0x0] =	vst.idx.msk $0xffff, v4  }
0x39e: {  	v5 =	vor.u32 v27, v0;
	v4 =	vld.idx.msk [tilespmem:v32+s12+$0x0], $0xffff  }
0x39f: {  	v37 =	vor.u32 v33, v3;
	_ =	sdelay $0x3  }
0x3a0: {  	[tilespmem:v5+s18+$0x0] =	vst.idx.msk $0xffff, v4  }
0x3a1: {  	v5 =	vor.u32 v51, v0;
	v4 =	vld.idx.msk [tilespmem:v37+s12+$0x0], $0xffff  }
0x3a2: {  	v38 =	vor.u32 v34, v3;
	_ =	sdelay $0x3  }
0x3a3: {  	[tilespmem:v5+s18+$0x0] =	vst.idx.msk $0xffff, v4  }
0x3a4: {  	v5 =	vor.u32 v35, v0;
	v4 =	vld.idx.msk [tilespmem:v38+s12+$0x0], $0xffff  }
0x3a5: {  	v39 =	vor.u32 v53, v3;
	_ =	sdelay $0x3  }
0x3a6: {  	[tilespmem:v5+s18+$0x0] =	vst.idx.msk $0xffff, v4  }
0x3a7: {  	v5 =	vor.u32 v54, v0;
	v4 =	vld.idx.msk [tilespmem:v39+s12+$0x0], $0xffff  }
0x3a8: {  	v42 =	vor.u32 v56, v3;
	_ =	sdelay $0x3  }
0x3a9: {  	[tilespmem:v5+s18+$0x0] =	vst.idx.msk $0xffff, v4  }
0x3aa: {  	v5 =	vor.u32 v55, v0;
	v4 =	vld.idx.msk [tilespmem:v42+s12+$0x0], $0xffff  }
0x3ab: {  	v45 =	vor.u32 v36, v3;
	_ =	sdelay $0x3  }
0x3ac: {  	[tilespmem:v5+s18+$0x0] =	vst.idx.msk $0xffff, v4  }
0x3ad: {  	v5 =	vor.u32 v52, v0;
	v4 =	vld.idx.msk [tilespmem:v45+s12+$0x0], $0xffff  }
0x3ae: {  	v46 =	vor.u32 v57, v3;
	_ =	sdelay $0x3  }
0x3af: {  	[tilespmem:v5+s18+$0x0] =	vst.idx.msk $0xffff, v4  }
0x3b0: {  	v5 =	vor.u32 v40, v0;
	v4 =	vld.idx.msk [tilespmem:v46+s12+$0x0], $0xffff  }
0x3b1: {  	v47 =	vor.u32 v58, v3;
	_ =	sdelay $0x3  }
0x3b2: {  	[tilespmem:v5+s18+$0x0] =	vst.idx.msk $0xffff, v4  }
0x3b3: {  	v5 =	vor.u32 v59, v0;
	v4 =	vld.idx.msk [tilespmem:v47+s12+$0x0], $0xffff  }
0x3b4: {  	v48 =	vor.u32 v41, v3;
	_ =	sdelay $0x3  }
0x3b5: {  	[tilespmem:v5+s18+$0x0] =	vst.idx.msk $0xffff, v4  }
0x3b6: {  	v5 =	vor.u32 v43, v0;
	v4 =	vld.idx.msk [tilespmem:v48+s12+$0x0], $0xffff  }
0x3b7: {  	v51 =	vor.u32 v60, v3;
	_ =	sdelay $0x3  }
0x3b8: {  	[tilespmem:v5+s18+$0x0] =	vst.idx.msk $0xffff, v4  }
0x3b9: {  	v5 =	vor.u32 v61, v0;
	v4 =	vld.idx.msk [tilespmem:v51+s12+$0x0], $0xffff  }
0x3ba: {  	v52 =	vor.u32 v44, v3;
	_ =	sdelay $0x3  }
0x3bb: {  	[tilespmem:v5+s18+$0x0] =	vst.idx.msk $0xffff, v4  }
0x3bc: {  	v5 =	vor.u32 v14, v0;
	v4 =	vld.idx.msk [tilespmem:v52+s12+$0x0], $0xffff  }
0x3bd: {  	v53 =	vor.u32 v62, v3;
	_ =	sdelay $0x3  }
0x3be: {  	[tilespmem:v5+s18+$0x0] =	vst.idx.msk $0xffff, v4  }
0x3bf: {  	v5 =	vor.u32 v63, v0;
	v4 =	vld.idx.msk [tilespmem:v53+s12+$0x0], $0xffff  }
0x3c0: {  	v54 =	vor.u32 v15, v3;
	_ =	sdelay $0x3  }
0x3c1: {  	[tilespmem:v5+s18+$0x0] =	vst.idx.msk $0xffff, v4  }
0x3c2: {  	v5 =	vor.u32 v17, v0;
	v4 =	vld.idx.msk [tilespmem:v54+s12+$0x0], $0xffff  }
0x3c3: {  	v55 =	vor.u32 v1, v3;
	_ =	sdelay $0x3  }
0x3c4: {  	[tilespmem:v5+s18+$0x0] =	vst.idx.msk $0xffff, v4  }
0x3c5: {  	v5 =	vor.u32 v2, v0;
	v4 =	vld.idx.msk [tilespmem:v55+s12+$0x0], $0xffff  }
0x3c6: {  	v56 =	vor.u32 v18, v3;
	_ =	sdelay $0x3  }
0x3c7: {  	[tilespmem:v5+s18+$0x0] =	vst.idx.msk $0xffff, v4  }
0x3c8: {  	v5 =	vor.u32 v23, v0;
	v4 =	vld.idx.msk [tilespmem:v56+s12+$0x0], $0xffff  }
0x3c9: {  	v57 =	vor.u32 v6, v3;
	_ =	sdelay $0x3  }
0x3ca: {  	[tilespmem:v5+s18+$0x0] =	vst.idx.msk $0xffff, v4  }
0x3cb: {  	v5 =	vor.u32 v7, v0;
	v4 =	vld.idx.msk [tilespmem:v57+s12+$0x0], $0xffff  }
0x3cc: {  	v58 =	vor.u32 v24, v3;
	_ =	sdelay $0x3  }
0x3cd: {  	[tilespmem:v5+s18+$0x0] =	vst.idx.msk $0xffff, v4  }
0x3ce: {  	v5 =	vor.u32 v49, v0;
	v4 =	vld.idx.msk [tilespmem:v58+s12+$0x0], $0xffff  }
0x3cf: {  	v59 =	vor.u32 v8, v3;
	_ =	sdelay $0x3  }
0x3d0: {  	[tilespmem:v5+s18+$0x0] =	vst.idx.msk $0xffff, v4  }
0x3d1: {  	v5 =	vor.u32 v9, v0;
	v4 =	vld.idx.msk [tilespmem:v59+s12+$0x0], $0xffff  }
0x3d2: {  	v60 =	vor.u32 v50, v3;
	_ =	sdelay $0x3  }
0x3d3: {  	[tilespmem:v5+s18+$0x0] =	vst.idx.msk $0xffff, v4  }
0x3d4: {  	v5 =	vor.u32 v13, v0;
	v4 =	vld.idx.msk [tilespmem:v60+s12+$0x0], $0xffff  }
0x3d5: {  	v61 =	vor.u32 v16, v3;
	_ =	sdelay $0x3  }
0x3d6: {  	[tilespmem:v5+s18+$0x0] =	vst.idx.msk $0xffff, v4  }
0x3d7: {  	v5 =	vor.u32 v11, v0;
	v4 =	vld.idx.msk [tilespmem:v61+s12+$0x0], $0xffff  }
0x3d8: {  	v62 =	vor.u32 v22, v3;
	_ =	sdelay $0x3  }
0x3d9: {  	v1 =	vld [tilespmem:$0x1FE80];
	[tilespmem:v5+s18+$0x0] =	vst.idx.msk $0xffff, v4  }
0x3da: {  	v5 =	vor.u32 v25, v0;
	v4 =	vld.idx.msk [tilespmem:v62+s12+$0x0], $0xffff;
	_ =	sdelay $0x4  }
0x3db: {  	v63 =	vor.u32 v31, v3;
	[tilespmem:v5+s18+$0x0] =	vst.idx.msk $0xffff, v4;
	v5 =	vor.u32 v1, v0;
	v1 =	vld [tilespmem:$0x1FAE0];
	_ =	sdelay $0x3  }
0x3dc: {  	s26 =	sand.u32 $0x3, s26  }
0x3dd: {  	s26 =	sor.u32 s5, s26;
	s30 =	simm.s32 $0x30;
	s29 =	simm.s32 $0x0;
	v4 =	vld.idx.msk [tilespmem:v63+s12+$0x0], $0xffff;
	v3 =	vor.u32 v1, v3  }
.LBB2_9:
0x3de: {  	v25 =	vld [tilespmem:$0x1FFB0];
	_ =	sdelay $0x3  }
0x3df: {  	[tilespmem:v5+s18+$0x0] =	vst.idx.msk $0xffff, v4  }
0x3e0: {  	v5 =	vld.idx.msk [tilespmem:v3+s12+$0x0], $0xffff;
	v0 =	vor.u32 v25, v0;
	_ =	sdelay $0x1  }
0x3e1: {  	s31 =	sadd.s32 $0xFFFFFFF0, s30;
	v1 =	vlaneseq.u32  }
0x3e2: {  	v4 =	vor.u32 s31, v1  }
0x3e3: {  	v3 =	vshll.u32 v4, $0x5  }
0x3e4: {  	v10 =	vor.u32 v1, v3;
	[tilespmem:v0+s18+$0x0] =	vst.idx.msk $0xffff, v5;
	v0 =	vld [tilespmem:$0x1FFF0]  }
0x3e5: {  	v26 =	vld [tilespmem:$0x1FEC0];
	_ =	sdelay $0x2  }
0x3e6: {  	v1 =	vand.u32 $0x68, v4  }
0x3e7: {  	v5 =	vld.idx.msk [tilespmem:v10+s12+$0x0], $0xffff;
	v4 =	vor.u32 v0, v1  }
0x3e8: {  	v12 =	vld [tilespmem:$0x1FF00];
	v51 =	vor.u32 v26, v3  }
0x3e9: {  	v19 =	vld [tilespmem:$0x1FEF0];
	_ =	sdelay $0x2  }
0x3ea: {  	[tilespmem:v4+s18+$0x0] =	vst.idx.msk $0xffff, v5  }
0x3eb: {  	v5 =	vor.u32 v12, v1;
	v4 =	vld.idx.msk [tilespmem:v51+s12+$0x0], $0xffff  }
0x3ec: {  	v20 =	vld [tilespmem:$0x1FF10];
	v52 =	vor.u32 v19, v3  }
0x3ed: {  	v46 =	vld [tilespmem:$0x1FE90];
	_ =	sdelay $0x2  }
0x3ee: {  	[tilespmem:v5+s18+$0x0] =	vst.idx.msk $0xffff, v4  }
0x3ef: {  	v5 =	vor.u32 v20, v1;
	v4 =	vld.idx.msk [tilespmem:v52+s12+$0x0], $0xffff  }
0x3f0: {  	v21 =	vld [tilespmem:$0x1FF20];
	v53 =	vor.u32 v46, v3  }
0x3f1: {  	v28 =	vld [tilespmem:$0x1FF30];
	_ =	sdelay $0x2  }
0x3f2: {  	[tilespmem:v5+s18+$0x0] =	vst.idx.msk $0xffff, v4  }
0x3f3: {  	v5 =	vor.u32 v21, v1;
	v4 =	vld.idx.msk [tilespmem:v53+s12+$0x0], $0xffff  }
0x3f4: {  	v29 =	vld [tilespmem:$0x1FF40];
	v54 =	vor.u32 v28, v3  }
0x3f5: {  	v47 =	vld [tilespmem:$0x1FEA0];
	_ =	sdelay $0x2  }
0x3f6: {  	[tilespmem:v5+s18+$0x0] =	vst.idx.msk $0xffff, v4  }
0x3f7: {  	v5 =	vor.u32 v29, v1;
	v4 =	vld.idx.msk [tilespmem:v54+s12+$0x0], $0xffff  }
0x3f8: {  	v30 =	vld [tilespmem:$0x1FF90];
	v55 =	vor.u32 v47, v3  }
0x3f9: {  	v37 =	vld [tilespmem:$0x1FF80];
	_ =	sdelay $0x2  }
0x3fa: {  	[tilespmem:v5+s18+$0x0] =	vst.idx.msk $0xffff, v4  }
0x3fb: {  	v5 =	vor.u32 v30, v1;
	v4 =	vld.idx.msk [tilespmem:v55+s12+$0x0], $0xffff  }
0x3fc: {  	v38 =	vld [tilespmem:$0x1FFA0];
	v56 =	vor.u32 v37, v3  }
0x3fd: {  	v32 =	vld [tilespmem:$0x1FEB0];
	_ =	sdelay $0x2  }
0x3fe: {  	[tilespmem:v5+s18+$0x0] =	vst.idx.msk $0xffff, v4  }
0x3ff: {  	v5 =	vor.u32 v38, v1;
	v4 =	vld.idx.msk [tilespmem:v56+s12+$0x0], $0xffff  }
0x400: {  	v39 =	vld [tilespmem:$0x1FFC0];
	v57 =	vor.u32 v32, v3  }
0x401: {  	v42 =	vld [tilespmem:$0x1FFD0];
	_ =	sdelay $0x2  }
0x402: {  	[tilespmem:v5+s18+$0x0] =	vst.idx.msk $0xffff, v4  }
0x403: {  	v5 =	vor.u32 v39, v1;
	v4 =	vld.idx.msk [tilespmem:v57+s12+$0x0], $0xffff  }
0x404: {  	v45 =	vld [tilespmem:$0x1FFE0];
	v58 =	vor.u32 v42, v3  }
0x405: {  	v48 =	vld [tilespmem:$0x1FED0];
	_ =	sdelay $0x2  }
0x406: {  	[tilespmem:v5+s18+$0x0] =	vst.idx.msk $0xffff, v4  }
0x407: {  	v5 =	vor.u32 v45, v1;
	v4 =	vld.idx.msk [tilespmem:v58+s12+$0x0], $0xffff  }
0x408: {  	v27 =	vld [tilespmem:$0x1FB90];
	v59 =	vor.u32 v48, v3  }
0x409: {  	v33 =	vld [tilespmem:$0x1FD50];
	_ =	sdelay $0x2  }
0x40a: {  	[tilespmem:v5+s18+$0x0] =	vst.idx.msk $0xffff, v4  }
0x40b: {  	v5 =	vor.u32 v27, v1;
	v4 =	vld.idx.msk [tilespmem:v59+s12+$0x0], $0xffff  }
0x40c: {  	v60 =	vor.u32 v33, v3;
	v51 =	vld [tilespmem:$0x1FD60]  }
0x40d: {  	v34 =	vld [tilespmem:$0x1FEE0];
	_ =	sdelay $0x2  }
0x40e: {  	[tilespmem:v5+s18+$0x0] =	vst.idx.msk $0xffff, v4  }
0x40f: {  	v5 =	vor.u32 v51, v1;
	v4 =	vld.idx.msk [tilespmem:v60+s12+$0x0], $0xffff  }
0x410: {  	v35 =	vld [tilespmem:$0x1FBA0];
	v61 =	vor.u32 v34, v3  }
0x411: {  	v53 =	vld [tilespmem:$0x1FF50];
	_ =	sdelay $0x2  }
0x412: {  	[tilespmem:v5+s18+$0x0] =	vst.idx.msk $0xffff, v4  }
0x413: {  	v5 =	vor.u32 v35, v1;
	v4 =	vld.idx.msk [tilespmem:v61+s12+$0x0], $0xffff  }
0x414: {  	v62 =	vor.u32 v53, v3;
	v54 =	vld [tilespmem:$0x1FF60]  }
0x415: {  	v56 =	vld [tilespmem:$0x1F9D0];
	_ =	sdelay $0x2  }
0x416: {  	[tilespmem:v5+s18+$0x0] =	vst.idx.msk $0xffff, v4  }
0x417: {  	v5 =	vor.u32 v54, v1;
	v4 =	vld.idx.msk [tilespmem:v62+s12+$0x0], $0xffff  }
0x418: {  	v55 =	vld [tilespmem:$0x1FF70];
	v63 =	vor.u32 v56, v3  }
0x419: {  	v36 =	vld [tilespmem:$0x1F9E0];
	_ =	sdelay $0x2  }
0x41a: {  	[tilespmem:v5+s18+$0x0] =	vst.idx.msk $0xffff, v4  }
0x41b: {  	v5 =	vor.u32 v55, v1;
	v4 =	vld.idx.msk [tilespmem:v63+s12+$0x0], $0xffff  }
0x41c: {  	v13 =	vor.u32 v36, v3;
	v52 =	vld [tilespmem:$0x1FD80]  }
0x41d: {  	v57 =	vld [tilespmem:$0x1F9F0];
	_ =	sdelay $0x2  }
0x41e: {  	[tilespmem:v5+s18+$0x0] =	vst.idx.msk $0xffff, v4  }
0x41f: {  	v5 =	vor.u32 v52, v1;
	v4 =	vld.idx.msk [tilespmem:v13+s12+$0x0], $0xffff  }
0x420: {  	v40 =	vld [tilespmem:$0x1FD90];
	v14 =	vor.u32 v57, v3  }
0x421: {  	v58 =	vld [tilespmem:$0x1FD70];
	_ =	sdelay $0x2  }
0x422: {  	[tilespmem:v5+s18+$0x0] =	vst.idx.msk $0xffff, v4  }
0x423: {  	v5 =	vor.u32 v40, v1;
	v4 =	vld.idx.msk [tilespmem:v14+s12+$0x0], $0xffff  }
0x424: {  	v15 =	vor.u32 v58, v3;
	v59 =	vld [tilespmem:$0x1FDA0]  }
0x425: {  	v41 =	vld [tilespmem:$0x1FA00];
	_ =	sdelay $0x2  }
0x426: {  	[tilespmem:v5+s18+$0x0] =	vst.idx.msk $0xffff, v4  }
0x427: {  	v5 =	vor.u32 v59, v1;
	v4 =	vld.idx.msk [tilespmem:v15+s12+$0x0], $0xffff  }
0x428: {  	v43 =	vld [tilespmem:$0x1FDB0];
	v16 =	vor.u32 v41, v3  }
0x429: {  	v60 =	vld [tilespmem:$0x1FA10];
	_ =	sdelay $0x2  }
0x42a: {  	[tilespmem:v5+s18+$0x0] =	vst.idx.msk $0xffff, v4  }
0x42b: {  	v5 =	vor.u32 v43, v1;
	v4 =	vld.idx.msk [tilespmem:v16+s12+$0x0], $0xffff  }
0x42c: {  	v17 =	vor.u32 v60, v3;
	v61 =	vld [tilespmem:$0x1FDC0]  }
0x42d: {  	v44 =	vld [tilespmem:$0x1FA20];
	_ =	sdelay $0x2  }
0x42e: {  	[tilespmem:v5+s18+$0x0] =	vst.idx.msk $0xffff, v4  }
0x42f: {  	v5 =	vor.u32 v61, v1;
	v4 =	vld.idx.msk [tilespmem:v17+s12+$0x0], $0xffff  }
0x430: {  	v18 =	vor.u32 v44, v3;
	v14 =	vld [tilespmem:$0x1FDD0]  }
0x431: {  	v62 =	vld [tilespmem:$0x1FA30];
	_ =	sdelay $0x2  }
0x432: {  	[tilespmem:v5+s18+$0x0] =	vst.idx.msk $0xffff, v4  }
0x433: {  	v5 =	vor.u32 v14, v1;
	v4 =	vld.idx.msk [tilespmem:v18+s12+$0x0], $0xffff  }
0x434: {  	v22 =	vor.u32 v62, v3;
	v63 =	vld [tilespmem:$0x1FDE0]  }
0x435: {  	v15 =	vld [tilespmem:$0x1FA40];
	_ =	sdelay $0x2  }
0x436: {  	[tilespmem:v5+s18+$0x0] =	vst.idx.msk $0xffff, v4  }
0x437: {  	v5 =	vor.u32 v63, v1;
	v4 =	vld.idx.msk [tilespmem:v22+s12+$0x0], $0xffff  }
0x438: {  	v23 =	vor.u32 v15, v3;
	v17 =	vld [tilespmem:$0x1FDF0]  }
0x439: {  	v0 =	vld [tilespmem:$0x1FA50];
	_ =	sdelay $0x2  }
0x43a: {  	[tilespmem:v5+s18+$0x0] =	vst.idx.msk $0xffff, v4  }
0x43b: {  	v5 =	vor.u32 v17, v1;
	v4 =	vld.idx.msk [tilespmem:v23+s12+$0x0], $0xffff  }
0x43c: {  	v2 =	vld [tilespmem:$0x1FE00];
	v24 =	vor.u32 v0, v3  }
0x43d: {  	v18 =	vld [tilespmem:$0x1FA60];
	_ =	sdelay $0x2  }
0x43e: {  	[tilespmem:v5+s18+$0x0] =	vst.idx.msk $0xffff, v4  }
0x43f: {  	v5 =	vor.u32 v2, v1;
	v4 =	vld.idx.msk [tilespmem:v24+s12+$0x0], $0xffff  }
0x440: {  	v31 =	vor.u32 v18, v3;
	v23 =	vld [tilespmem:$0x1FE10]  }
0x441: {  	v6 =	vld [tilespmem:$0x1FA70];
	_ =	sdelay $0x2  }
0x442: {  	[tilespmem:v5+s18+$0x0] =	vst.idx.msk $0xffff, v4  }
0x443: {  	v5 =	vor.u32 v23, v1;
	v4 =	vld.idx.msk [tilespmem:v31+s12+$0x0], $0xffff  }
0x444: {  	v7 =	vld [tilespmem:$0x1FE20];
	v49 =	vor.u32 v6, v3  }
0x445: {  	v24 =	vld [tilespmem:$0x1FA80];
	_ =	sdelay $0x2  }
0x446: {  	[tilespmem:v5+s18+$0x0] =	vst.idx.msk $0xffff, v4  }
0x447: {  	v5 =	vor.u32 v7, v1;
	v4 =	vld.idx.msk [tilespmem:v49+s12+$0x0], $0xffff  }
0x448: {  	v50 =	vor.u32 v24, v3;
	v49 =	vld [tilespmem:$0x1FE30]  }
0x449: {  	v8 =	vld [tilespmem:$0x1FA90];
	_ =	sdelay $0x2  }
0x44a: {  	[tilespmem:v5+s18+$0x0] =	vst.idx.msk $0xffff, v4  }
0x44b: {  	v5 =	vor.u32 v49, v1;
	v4 =	vld.idx.msk [tilespmem:v50+s12+$0x0], $0xffff  }
0x44c: {  	v9 =	vld [tilespmem:$0x1FE40];
	v13 =	vor.u32 v8, v3  }
0x44d: {  	v50 =	vld [tilespmem:$0x1FAA0];
	_ =	sdelay $0x2  }
0x44e: {  	[tilespmem:v5+s18+$0x0] =	vst.idx.msk $0xffff, v4  }
0x44f: {  	v5 =	vor.u32 v9, v1;
	v4 =	vld.idx.msk [tilespmem:v13+s12+$0x0], $0xffff  }
0x450: {  	v16 =	vor.u32 v50, v3;
	_ =	sdelay $0x3  }
0x451: {  	v13 =	vld [tilespmem:$0x1FE50];
	[tilespmem:v5+s18+$0x0] =	vst.idx.msk $0xffff, v4  }
0x452: {  	v4 =	vld.idx.msk [tilespmem:v16+s12+$0x0], $0xffff  }
0x453: {  	v16 =	vld [tilespmem:$0x1FAB0];
	_ =	sdelay $0x3  }
0x454: {  	v5 =	vor.u32 v13, v1  }
0x455: {  	v22 =	vor.u32 v16, v3;
	_ =	sdelay $0x3  }
0x456: {  	v11 =	vld [tilespmem:$0x1FE60];
	[tilespmem:v5+s18+$0x0] =	vst.idx.msk $0xffff, v4  }
0x457: {  	v4 =	vld.idx.msk [tilespmem:v22+s12+$0x0], $0xffff  }
0x458: {  	v22 =	vld [tilespmem:$0x1FAC0];
	_ =	sdelay $0x3  }
0x459: {  	v5 =	vor.u32 v11, v1  }
0x45a: {  	v31 =	vor.u32 v22, v3;
	_ =	sdelay $0x3  }
0x45b: {  	v0 =	vld [tilespmem:$0x1FAD0];
	[tilespmem:v5+s18+$0x0] =	vst.idx.msk $0xffff, v4  }
0x45c: {  	v4 =	vld.idx.msk [tilespmem:v31+s12+$0x0], $0xffff  }
0x45d: {  	v31 =	vld [tilespmem:$0x1FE70];
	_ =	sdelay $0x4  }
0x45e: {  	v10 =	vor.u32 v0, v3;
	v0 =	vld [tilespmem:$0x1FE80];
	v5 =	vor.u32 v31, v1;
	_ =	sdelay $0x4  }
0x45f: {  	[tilespmem:v5+s18+$0x0] =	vst.idx.msk $0xffff, v4;
	v5 =	vor.u32 v0, v1;
	v0 =	vld [tilespmem:$0x1FAE0];
	_ =	sdelay $0x3  }
0x460: {  	v4 =	vld.idx.msk [tilespmem:v10+s12+$0x0], $0xffff  }
0x461: {  	v3 =	vor.u32 v0, v3;
	_ =	sdelay $0x2  }
0x462: {  	v10 =	vlaneseq.u32  }
0x463: {  	[tilespmem:v5+s18+$0x0] =	vst.idx.msk $0xffff, v4;
	v5 =	vor.u32 s30, v10  }
0x464: {  	v0 =	vor.u32 v25, v1;
	v4 =	vld.idx.msk [tilespmem:v3+s12+$0x0], $0xffff;
	v3 =	vshll.u32 v5, $0x5  }
0x465: {  	v1 =	vld [tilespmem:$0x1FFF0];
	v10 =	vor.u32 v10, v3;
	_ =	sdelay $0x3  }
0x466: {  	[tilespmem:v0+s18+$0x0] =	vst.idx.msk $0xffff, v4;
	v0 =	vand.u32 $0x78, v5  }
0x467: {  	v4 =	vld.idx.msk [tilespmem:v10+s12+$0x0], $0xffff;
	v5 =	vor.u32 v1, v0  }
0x468: {  	v26 =	vor.u32 v26, v3;
	_ =	sdelay $0x3  }
0x469: {  	[tilespmem:v5+s18+$0x0] =	vst.idx.msk $0xffff, v4  }
0x46a: {  	v5 =	vor.u32 v12, v0;
	v4 =	vld.idx.msk [tilespmem:v26+s12+$0x0], $0xffff  }
0x46b: {  	v19 =	vor.u32 v19, v3;
	_ =	sdelay $0x3  }
0x46c: {  	[tilespmem:v5+s18+$0x0] =	vst.idx.msk $0xffff, v4  }
0x46d: {  	v5 =	vor.u32 v20, v0;
	v4 =	vld.idx.msk [tilespmem:v19+s12+$0x0], $0xffff  }
0x46e: {  	v20 =	vor.u32 v46, v3;
	_ =	sdelay $0x3  }
0x46f: {  	[tilespmem:v5+s18+$0x0] =	vst.idx.msk $0xffff, v4  }
0x470: {  	v5 =	vor.u32 v21, v0;
	v4 =	vld.idx.msk [tilespmem:v20+s12+$0x0], $0xffff  }
0x471: {  	v25 =	vor.u32 v28, v3;
	_ =	sdelay $0x3  }
0x472: {  	[tilespmem:v5+s18+$0x0] =	vst.idx.msk $0xffff, v4  }
0x473: {  	v5 =	vor.u32 v29, v0;
	v4 =	vld.idx.msk [tilespmem:v25+s12+$0x0], $0xffff  }
0x474: {  	v26 =	vor.u32 v47, v3;
	_ =	sdelay $0x3  }
0x475: {  	[tilespmem:v5+s18+$0x0] =	vst.idx.msk $0xffff, v4  }
0x476: {  	v5 =	vor.u32 v30, v0;
	v4 =	vld.idx.msk [tilespmem:v26+s12+$0x0], $0xffff  }
0x477: {  	v28 =	vor.u32 v37, v3;
	_ =	sdelay $0x3  }
0x478: {  	[tilespmem:v5+s18+$0x0] =	vst.idx.msk $0xffff, v4  }
0x479: {  	v5 =	vor.u32 v38, v0;
	v4 =	vld.idx.msk [tilespmem:v28+s12+$0x0], $0xffff  }
0x47a: {  	v29 =	vor.u32 v32, v3;
	_ =	sdelay $0x3  }
0x47b: {  	[tilespmem:v5+s18+$0x0] =	vst.idx.msk $0xffff, v4  }
0x47c: {  	v5 =	vor.u32 v39, v0;
	v4 =	vld.idx.msk [tilespmem:v29+s12+$0x0], $0xffff  }
0x47d: {  	v30 =	vor.u32 v42, v3;
	_ =	sdelay $0x3  }
0x47e: {  	[tilespmem:v5+s18+$0x0] =	vst.idx.msk $0xffff, v4  }
0x47f: {  	v5 =	vor.u32 v45, v0;
	v4 =	vld.idx.msk [tilespmem:v30+s12+$0x0], $0xffff  }
0x480: {  	v32 =	vor.u32 v48, v3;
	_ =	sdelay $0x3  }
0x481: {  	[tilespmem:v5+s18+$0x0] =	vst.idx.msk $0xffff, v4  }
0x482: {  	v5 =	vor.u32 v27, v0;
	v4 =	vld.idx.msk [tilespmem:v32+s12+$0x0], $0xffff  }
0x483: {  	v37 =	vor.u32 v33, v3;
	_ =	sdelay $0x3  }
0x484: {  	[tilespmem:v5+s18+$0x0] =	vst.idx.msk $0xffff, v4  }
0x485: {  	v5 =	vor.u32 v51, v0;
	v4 =	vld.idx.msk [tilespmem:v37+s12+$0x0], $0xffff  }
0x486: {  	v38 =	vor.u32 v34, v3;
	_ =	sdelay $0x3  }
0x487: {  	[tilespmem:v5+s18+$0x0] =	vst.idx.msk $0xffff, v4  }
0x488: {  	v5 =	vor.u32 v35, v0;
	v4 =	vld.idx.msk [tilespmem:v38+s12+$0x0], $0xffff  }
0x489: {  	v39 =	vor.u32 v53, v3;
	_ =	sdelay $0x3  }
0x48a: {  	[tilespmem:v5+s18+$0x0] =	vst.idx.msk $0xffff, v4  }
0x48b: {  	v5 =	vor.u32 v54, v0;
	v4 =	vld.idx.msk [tilespmem:v39+s12+$0x0], $0xffff  }
0x48c: {  	v42 =	vor.u32 v56, v3;
	_ =	sdelay $0x3  }
0x48d: {  	[tilespmem:v5+s18+$0x0] =	vst.idx.msk $0xffff, v4  }
0x48e: {  	v5 =	vor.u32 v55, v0;
	v4 =	vld.idx.msk [tilespmem:v42+s12+$0x0], $0xffff  }
0x48f: {  	v45 =	vor.u32 v36, v3;
	_ =	sdelay $0x3  }
0x490: {  	[tilespmem:v5+s18+$0x0] =	vst.idx.msk $0xffff, v4  }
0x491: {  	v5 =	vor.u32 v52, v0;
	v4 =	vld.idx.msk [tilespmem:v45+s12+$0x0], $0xffff  }
0x492: {  	v46 =	vor.u32 v57, v3;
	_ =	sdelay $0x3  }
0x493: {  	[tilespmem:v5+s18+$0x0] =	vst.idx.msk $0xffff, v4  }
0x494: {  	v5 =	vor.u32 v40, v0;
	v4 =	vld.idx.msk [tilespmem:v46+s12+$0x0], $0xffff  }
0x495: {  	v47 =	vor.u32 v58, v3;
	_ =	sdelay $0x3  }
0x496: {  	[tilespmem:v5+s18+$0x0] =	vst.idx.msk $0xffff, v4  }
0x497: {  	v5 =	vor.u32 v59, v0;
	v4 =	vld.idx.msk [tilespmem:v47+s12+$0x0], $0xffff  }
0x498: {  	v48 =	vor.u32 v41, v3;
	_ =	sdelay $0x3  }
0x499: {  	[tilespmem:v5+s18+$0x0] =	vst.idx.msk $0xffff, v4  }
0x49a: {  	v5 =	vor.u32 v43, v0;
	v4 =	vld.idx.msk [tilespmem:v48+s12+$0x0], $0xffff  }
0x49b: {  	v51 =	vor.u32 v60, v3;
	_ =	sdelay $0x3  }
0x49c: {  	[tilespmem:v5+s18+$0x0] =	vst.idx.msk $0xffff, v4  }
0x49d: {  	v5 =	vor.u32 v61, v0;
	v4 =	vld.idx.msk [tilespmem:v51+s12+$0x0], $0xffff  }
0x49e: {  	v52 =	vor.u32 v44, v3;
	_ =	sdelay $0x3  }
0x49f: {  	[tilespmem:v5+s18+$0x0] =	vst.idx.msk $0xffff, v4  }
0x4a0: {  	v5 =	vor.u32 v14, v0;
	v4 =	vld.idx.msk [tilespmem:v52+s12+$0x0], $0xffff  }
0x4a1: {  	v53 =	vor.u32 v62, v3;
	_ =	sdelay $0x3  }
0x4a2: {  	[tilespmem:v5+s18+$0x0] =	vst.idx.msk $0xffff, v4  }
0x4a3: {  	v5 =	vor.u32 v63, v0;
	v4 =	vld.idx.msk [tilespmem:v53+s12+$0x0], $0xffff  }
0x4a4: {  	v54 =	vor.u32 v15, v3  }
0x4a5: {  	v1 =	vld [tilespmem:$0x1FA50];
	_ =	sdelay $0x2  }
0x4a6: {  	[tilespmem:v5+s18+$0x0] =	vst.idx.msk $0xffff, v4  }
0x4a7: {  	v5 =	vor.u32 v17, v0;
	v4 =	vld.idx.msk [tilespmem:v54+s12+$0x0], $0xffff  }
0x4a8: {  	v55 =	vor.u32 v1, v3;
	_ =	sdelay $0x3  }
0x4a9: {  	[tilespmem:v5+s18+$0x0] =	vst.idx.msk $0xffff, v4  }
0x4aa: {  	v5 =	vor.u32 v2, v0;
	v4 =	vld.idx.msk [tilespmem:v55+s12+$0x0], $0xffff  }
0x4ab: {  	v56 =	vor.u32 v18, v3;
	_ =	sdelay $0x3  }
0x4ac: {  	[tilespmem:v5+s18+$0x0] =	vst.idx.msk $0xffff, v4  }
0x4ad: {  	v5 =	vor.u32 v23, v0;
	v4 =	vld.idx.msk [tilespmem:v56+s12+$0x0], $0xffff  }
0x4ae: {  	v57 =	vor.u32 v6, v3;
	_ =	sdelay $0x3  }
0x4af: {  	[tilespmem:v5+s18+$0x0] =	vst.idx.msk $0xffff, v4  }
0x4b0: {  	v5 =	vor.u32 v7, v0;
	v4 =	vld.idx.msk [tilespmem:v57+s12+$0x0], $0xffff  }
0x4b1: {  	v58 =	vor.u32 v24, v3;
	_ =	sdelay $0x3  }
0x4b2: {  	[tilespmem:v5+s18+$0x0] =	vst.idx.msk $0xffff, v4  }
0x4b3: {  	v5 =	vor.u32 v49, v0;
	v4 =	vld.idx.msk [tilespmem:v58+s12+$0x0], $0xffff  }
0x4b4: {  	v59 =	vor.u32 v8, v3;
	_ =	sdelay $0x3  }
0x4b5: {  	[tilespmem:v5+s18+$0x0] =	vst.idx.msk $0xffff, v4  }
0x4b6: {  	v5 =	vor.u32 v9, v0;
	v4 =	vld.idx.msk [tilespmem:v59+s12+$0x0], $0xffff  }
0x4b7: {  	v60 =	vor.u32 v50, v3;
	_ =	sdelay $0x3  }
0x4b8: {  	[tilespmem:v5+s18+$0x0] =	vst.idx.msk $0xffff, v4  }
0x4b9: {  	v5 =	vor.u32 v13, v0;
	v4 =	vld.idx.msk [tilespmem:v60+s12+$0x0], $0xffff  }
0x4ba: {  	v61 =	vor.u32 v16, v3;
	_ =	sdelay $0x3  }
0x4bb: {  	v1 =	vld [tilespmem:$0x1FAD0];
	[tilespmem:v5+s18+$0x0] =	vst.idx.msk $0xffff, v4  }
0x4bc: {  	v5 =	vor.u32 v11, v0;
	v4 =	vld.idx.msk [tilespmem:v61+s12+$0x0], $0xffff  }
0x4bd: {  	v62 =	vor.u32 v22, v3;
	_ =	sdelay $0x3  }
0x4be: {  	v63 =	vor.u32 v1, v3;
	v1 =	vld [tilespmem:$0x1FE80];
	[tilespmem:v5+s18+$0x0] =	vst.idx.msk $0xffff, v4  }
0x4bf: {  	v5 =	vor.u32 v31, v0;
	v4 =	vld.idx.msk [tilespmem:v62+s12+$0x0], $0xffff;
	_ =	sdelay $0x3  }
0x4c0: {  	s29 =	sadd.s32 $0x2, s29  }
0x4c1: {  	p0 =	slt.u32 s29, $0x6;
	[tilespmem:v5+s18+$0x0] =	vst.idx.msk $0xffff, v4;
	v5 =	vor.u32 v1, v0;
	v1 =	vld [tilespmem:$0x1FAE0]  }
.Ltmp3:
0x4c2: {  	_ = 	snop;
	(pc) =	sbr.rel @p0 .LBB2_9-.Ltmp3, $2  }
0x4c3: {  	_ =	sdelay $0x2  }
0x4c4: {  	s30 =	sadd.s32 $0x20, s30;
	v4 =	vld.idx.msk [tilespmem:v63+s12+$0x0], $0xffff;
	v3 =	vor.u32 v1, v3  }
0x4c5: {  	v16 =	vld [tilespmem:$0x1FFB0];
	_ =	sdelay $0x1  }
0x4c6: {  	v53 =	vld [tilespmem:$0x1FFF0]  }
0x4c7: {  	v19 =	vld [tilespmem:$0x1FF00]  }
0x4c8: {  	v58 =	vld [tilespmem:$0x1FEF0];
	[tilespmem:v5+s18+$0x0] =	vst.idx.msk $0xffff, v4  }
0x4c9: {  	v3 =	vld.idx.msk [tilespmem:v3+s12+$0x0], $0xffff;
	v0 =	vor.u32 v16, v0  }
0x4ca: {  	v12 =	vld [tilespmem:$0x1FF10]  }
0x4cb: {  	s26 =	sshll.u32 s26, $0xA;
	v59 =	vld [tilespmem:$0x1FF20]  }
0x4cc: {  	v38 =	vld [tilespmem:$0x1FF30];
	s26 =	sor.u32 s28, s26  }
0x4cd: {  	v37 =	vld [tilespmem:$0x1FF40];
	s26 =	sshrl.u32 s26, $0x3  }
0x4ce: {  	s25 =	sadd.s32 $0x1, s25;
	v30 =	vld [tilespmem:$0x1FF90];
	s26 =	sadd.s32 s1, s26;
	[tilespmem:v0+s18+$0x0] =	vst.idx.msk $0xffff, v3  }
0x4cf: {  	v62 =	vld [tilespmem:$0x1FF80];
	[hbm4b:s26+s2] =	stream.linear.scatter [tilespmem:s18], [sflag:$0x5], $0x400, $0x38  }
0x4d0: {  	v63 =	vld [tilespmem:$0x1FFA0];
	p0 =	sne.s32 s25, $0x64;
	s30 =	sadd.s32 $0x4000, s26  }
0x4d1: {  	v49 =	vld [tilespmem:$0x1FFC0];
	[hbm4b:s30+s2] =	stream.linear.scatter [tilespmem:s19], [sflag:$0x5], $0x400, $0x38  }
.Ltmp4:
0x4d2: {  	v39 =	vld [tilespmem:$0x1FFD0];
	(pc) =	sbr.rel @p0 .LBB2_6-.Ltmp4, $4  }
0x4d3: {  	v42 =	vld [tilespmem:$0x1FFE0];
	s31 =	sadd.s32 $0x8000, s26  }
0x4d4: {  	v55 =	vld [tilespmem:$0x1FF50];
	[hbm4b:s31+s2] =	stream.linear.scatter [tilespmem:s20], [sflag:$0x5], $0x400, $0x38  }
0x4d5: {  	v26 =	vld [tilespmem:$0x1FF60];
	s26 =	sadd.s32 $0xC000, s26  }
0x4d6: {  	v21 =	vld [tilespmem:$0x1FF70];
	[hbm4b:s26+s2] =	stream.linear.scatter [tilespmem:s21], [sflag:$0x5], $0x400, $0x38  }
0x4d7: {  	_ =	swait.ge [sflag:s22], $0x400  }
0x4d8: {  	[sflag:s22] =	ssyncset.done $0x0  }
0x4d9: {  	[sflag:s22] =	ssyncadd.s32 $0xFFFFFC00  }
0x4da: {  	_ =	swait.ge [sflag:s22], $0x400  }
0x4db: {  	[sflag:s22] =	ssyncset.done $0x0  }
0x4dc: {  	[sflag:s22] =	ssyncadd.s32 $0xFFFFFC00  }
0x4dd: {  	_ =	swait.ge [sflag:s22], $0x400  }
0x4de: {  	[sflag:s22] =	ssyncset.done $0x0  }
0x4df: {  	[sflag:s22] =	ssyncadd.s32 $0xFFFFFC00  }
0x4e0: {  	_ =	swait.ge [sflag:s22], $0x400  }
0x4e1: {  	[sflag:s22] =	ssyncset.done $0x0  }
0x4e2: {  	[sflag:s22] =	ssyncadd.s32 $0xFFFFFC00  }
0x4e3: {  	_ =	swait.ge [sflag:s23], $0x400  }
0x4e4: {  	[sflag:s23] =	ssyncset.done $0x0  }
0x4e5: {  	[sflag:s23] =	ssyncadd.s32 $0xFFFFFC00  }
0x4e6: {  	_ =	swait.ge [sflag:s23], $0x400  }
0x4e7: {  	[sflag:s23] =	ssyncset.done $0x0  }
0x4e8: {  	s24 =	sadd.s32 $0x1, s24;
	[sflag:s23] =	ssyncadd.s32 $0xFFFFFC00  }
0x4e9: {  	p0 =	sne.s32 s24, s6;
	_ =	swait.ge [sflag:s23], $0x400  }
.Ltmp5:
0x4ea: {  	[sflag:s23] =	ssyncset.done $0x0;
	(pc) =	sbr.rel @p0 .LBB2_1-.Ltmp5, $4  }
0x4eb: {  	[sflag:s23] =	ssyncadd.s32 $0xFFFFFC00  }
0x4ec: {  	_ =	swait.ge [sflag:s23], $0x400  }
0x4ed: {  	[sflag:s23] =	ssyncset.done $0x0  }
0x4ee: {  	[sflag:s23] =	ssyncadd.s32 $0xFFFFFC00  }
0x4ef: {  	_ =	sfence.sel $0x180000  }
0x4f0: {  	[bflag:$0x0] =	sbarrier.arrive $0xFFFF  }
0x4f1: {  	p0 =	sne.s32 s3, $0x0;
	_ =	strace $0x9000004A  }
0x4f2: {  	s0 =	sadd.s32 @!p0 $0x100000, s0;
	[bflag:$0x2] =	sbarrier.arrive $0xFFFF  }
0x4f3: {  	[sflag:s0] =	ssyncadd.tile.s32 @!p0 $0x1;
	_ =	shalt  }
.Lfunc_end2:
_tile_overlayer_lowered:
.L_overlay_start_2:
0x4f4: {  	(tag) =	ssettag $0x2  }
0x4f5: {  	s0 =	rddreg [dreg:$0x0];
	s2 =	stileid.u32  }
0x4f6: {  	s1 =	rddreg [dreg:$0x1];
	p0 =	sne.s32 s2, $0x0  }
0x4f7: {  	s3 =	rddreg [dreg:$0x2];
	[bflag:$0x3] =	sbarrier.arrive $0xFFFF;
	s2 =	simm.s32 @!p0 $0x1C06  }
0x4f8: {  	[timem:s3], [sflag:s2] =	dma.local @!p0 [hbm:s0], s1  }
0x4f9: {  	s0 =	simm.s32 @!p0 $0x6  }
0x4fa: {  	_ =	swait.ge @!p0 [sflag:s0], s1  }
0x4fb: {  	s1 =	ssub.s32 @!p0 $0x0, s1;
	[sflag:s0] =	ssyncset.done @!p0 $0x0  }
0x4fc: {  	[sflag:s0] =	ssyncadd.s32 @!p0 s1  }
0x4fd: {  	[bflag:$0x3] =	sbarrier.arrive $0xFFFF  }
0x4fe: {  	_ =	shalt  }

// kernel: sparse-core-data-format-call.cloned.1.call-start
scs
called_computation_lowered:
.L_overlay_start_0:
0x0: {  	s2 =	sld [smem:$0x3FD9]  }
0x1: {  	s3 =	sld [smem:$0x3FFE];
	_ =	sdelay $0x1  }
0x2: {  	s1 =	srdreg.scid  }
0x3: {  	s0 =	sand.u32 $0x1, s1  }
0x4: {  	s18 =	sshll.u32 s0, $0xA;
	s2 =	sadd.s32 s3, s2  }
0x5: {  	s2 =	sadd.s32 s2, s18  }
0x6: {  	[smem:$0x3FC6] =	sst s2  }
0x7: {  	_ = 	snop  }
0x8: {  	s2 =	sld [smem:$0x3FC8];
	(tm) =	ssettm $0x1  }
0x9: {  	s19 =	sld [smem:$0x3FFB];
	_ =	sdelay $0x3  }
0xa: {  	_ =	strace s19  }
0xb: {  	s3 =	sld [smem:$0x3FFC];
	_ =	sdelay $0x3  }
0xc: {  	_ =	strace s3  }
0xd: {  	s3 =	sld [smem:$0x3FFD];
	_ =	sdelay $0x3  }
0xe: {  	_ =	strace s3  }
0xf: {  	_ =	strace $0x8FFFFFFF  }
0x10: {  	s20 =	sld [smem:$0x3FDB];
	_ =	sdelay $0x1  }
0x11: {  	s4 =	simm.s32 $_scs_section_size  }
0x12: {  	s5 =	simm.s32 $_size__tile_overlayer_lowered;
	s6 =	simm.s32 $_tile_overlayer_lowered  }
0x13: {  	s23 =	simm.s32 $0x1BFF;
	s22 =	sshll.u32 s6, $0x1;
	s3 =	sadd.s32 s4, s20  }
0x14: {  	s7 =	simm.s32 $0x0;
	s21 =	sshll.u32 s5, $0x1;
	s5 =	sadd.s32 s22, s3  }
0x15: {  	[timem:s7], [sflag:s23] =	dma.local [hbm:s5], s21  }
0x16: {  	_ =	swait.ge [sflag:s23], s21  }
0x17: {  	s4 =	ssub.s32 $0x0, s21;
	[sflag:s23] =	ssyncset.done $0x0  }
0x18: {  	[sflag:s23] =	ssyncadd.s32 s4;
	_ =	sdelay $0x1  }
0x19: {  	s24 =	simm.s32 $0x1B8B  }
0x1a: {  	_ =	swait.ge [sflag:s24], $0x1  }
0x1b: {  	[sflag:s24] =	ssyncset.done $0x0  }
0x1c: {  	s26 =	simm.s32 $0x1B8E;
	s25 =	sld [smem:$0x3FFE];
	[sflag:s24] =	ssyncadd.s32 $0xFFFFFFFF  }
0x1d: {  	s27 =	simm.s32 $execute0_lowered;
	[smem:$0x3FD2] =	sst s26  }
0x1e: {  	s5 =	sshll.u32 s27, $0x1;
	_ =	strace $0x80000046;
	[dreg:$0x1] =	wrdreg $0xFFFFFFFF  }
0x1f: {  	s28 =	simm.s32 $_size_execute0_lowered;
	s3 =	sadd.s32 s3, s5;
	[dreg:$0x0] =	wrdreg $0x0  }
0x20: {  	s5 =	sshll.u32 s28, $0x1;
	[dreg:$0x2] =	wrdreg s3  }
0x21: {  	[dreg:$0x3] =	wrdreg s5  }
0x22: {  	[dreg:$0x4] =	wrdreg $0xC0  }
0x23: {  	_ =	task [dreg:s7], $0x5FFFF  }
0x24: {  	[dreg:$0x1] =	wrdreg $0xFFFFFFFF  }
0x25: {  	[dreg:$0x0] =	wrdreg $0x60  }
0x26: {  	[dreg:$0x2] =	wrdreg s2  }
0x27: {  	[dreg:$0x3] =	wrdreg s25  }
0x28: {  	[dreg:$0x4] =	wrdreg $0x9  }
0x29: {  	_ =	task.clear_ibuf [dreg:s7], $0x5FFFF;
	_ =	strace $0x90000046  }
0x2a: {  	s29 =	simm.s32 $0x9;
	_ =	strace $0x80000048  }
0x2b: {  	_ =	swait.ge [sflag:s29], $0x1  }
0x2c: {  	[sflag:s29] =	ssyncadd.s32 $0xFFFFFFFF  }
0x2d: {  	_ =	strace $0x90000048  }
0x2e: {  	_ =	sfence  }
0x2f: {  	s30 =	sld [smem:$0x0];
	_ =	sdelay $0x2  }
0x30: {  	s31 =	sshll.u32 s1, $0xD;
	s1 =	sshrl.u32 s1, $0x2  }
0x31: {  	s3 =	sand.u32 $0x4000, s31;
	s1 =	sadd.s32 s1, s30  }
0x32: {  	s0 =	sor.u32 s3, s0;
	s1 =	sshll.u32 s1, $0x11  }
0x33: {  	s0 =	sor.u32 s1, s0  }
0x34: {  	s0 =	sadd.s32 $0x8F2B, s0  }
0x35: {  	[sflag:s0] =	ssyncadd.remote.s32 $0x1  }
0x36: {  	_ =	sfence.sel $0xFFFF  }
0x37: {  	[dreg:$0x0] =	wrdreg $0xFFFFFFFF;
	(pc) =	sbr.abs _section_cstart, $3  }
0x38: {  	[dreg:$0x1] =	wrdreg $0xFFFFFFFF  }
0x39: {  	_ =	task.clear_ibuf [dreg:s7], $0x2FFFF;
	_ =	strace $0x9FFFFFFF  }
0x3a: {  	(tm) =	ssettm $0x7FFFFFFF  }
0x3b: {  	_ =	shalt  }
tec
execute0_lowered:
.L_overlay_start_1:
0x0: {  	(tag) =	ssettag $0x1  }
0x1: {  	s0 =	srdreg.scid;
	s2 =	rddreg [dreg:$0x0]  }
0x2: {  	s5 =	rddreg [dreg:$0x1];
	s1 =	stileid.u32  }
0x3: {  	s4 =	simm.s32 $0x1;
	s6 =	simm.s32 $0x2;
	s15 =	simm.s32 $0x0  }
0x4: {  	p0 =	por $0x0, $0x0;
	s8 =	simm.s32 $0x80;
	s0 =	sshll.u32 s0, $0x4  }
0x5: {  	s14 =	simm.s32 $0x0;
	s9 =	simm.s32 $0x0;
	s3 =	sand.u32 $0x10, s0  }
.Ltmp0:
0x6: {  	s10 =	simm.s32 $0x0;
	s3 =	sor.u32 s1, s3;
	(pc) =	sbr.rel .LBB1_1-.Ltmp0, $4  }
0x7: {  	s0 =	rddreg [dreg:$0x2];
	_ =	strace $0x80000047;
	s3 =	sshll.u32 s3, $0x7  }
0x8: {  	s12 =	simm.s32 $0x0;
	[sflag:s4] =	ssyncpa.u1 $0x0;
	s7 =	ssub.s32 $0xF4200, s3  }
0x9: {  	s13 =	simm.s32 $0x0;
	[sflag:s6] =	ssyncpa.u1 $0x0;
	s6 =	sshrl.u32 s7, $0xC  }
0xa: {  	s5 =	sadd.s32 $0xA00, s5;
	s11 =	smov.u32 s3;
	s7 =	sadd.s32 $0x2, s6  }
.LBB1_5:
0xb: {  	p1 =	slt.u32 s13, $0x2  }
0xc: {  	s17 =	smov.u32 s15;
	p2 =	sgt.s32 @!p1 s15, $0xF41C0;
	s16 =	sshra.s32 @!p1 s15, $0x1F  }
0xd: {  	p3 =	sgt.s32 @!p1 s14, $0x60;
	s18 =	sshra.s32 @!p1 s14, $0x1F;
	p2 =	por !p2, p1  }
0xe: {  	s15 =	sand.u32 @!p1 s16, s15;
	p3 =	por !p3, p1;
	s16 =	smov.u32 s14  }
0xf: {  	s14 =	sand.u32 @!p1 s18, s14;
	s17 =	simm.s32 @p2 $0xF41C0;
	s16 =	simm.s32 @p3 $0x60  }
0x10: {  	s15 =	ssub.s32 @!p1 s17, s15;
	s14 =	ssub.s32 @!p1 s16, s14  }
0x11: {  	s18 =	smov.u32 s12;
	s16 =	sadd.s32 @!p1 $0xFFF0BE40, s15;
	s17 =	sadd.s32 @!p1 $0xFFFFFFA0, s14  }
0x12: {  	s15 =	ssub.s32 @!p1 $0xF4240, s15;
	p2 =	sgt.s32 @!p1 s16, $0x7F;
	p3 =	sgt.s32 @!p1 s17, $0x1F  }
0x13: {  	s14 =	ssub.s32 @!p1 $0x80, s14;
	p2 =	por !p2, p1;
	p3 =	por !p3, p1  }
0x14: {  	s16 =	sadd.s32 $0x1000, s11;
	s15 =	simm.s32 @!p2 $0x0;
	s14 =	simm.s32 @!p3 $0x0  }
0x15: {  	p2 =	sgt.s32 s16, $0xF423F;
	s14 =	smul.u32 @!p1 s14, s15;
	s15 =	sadd.s32 $0x20, s12  }
0x16: {  	s18 =	smov.u32 @p2 s15  }
0x17: {  	s16 =	smov.u32 @p2 s3;
	p2 =	sgt.s32 s18, $0x1F  }
0x18: {  	s18 =	simm.s32 @p2 $0x0;
	p2 =	sne.s32 s13, s7  }
.Ltmp1:
0x19: {  	p0 =	por !p0, !p0;
	s17 =	simm.s32 @!p1 $0x2;
	(pc) =	sbr.rel @!p2 .LBB1_6-.Ltmp1, $4  }
0x1a: {  	s15 =	smov.u32 s9;
	s9 =	smov.u32 s11;
	s14 =	sand.u32 @!p1 $0x3FFFFFFF, s14  }
0x1b: {  	s11 =	smov.u32 s16;
	_ =	swait.ge @!p1 [sflag:s17], s14;
	s19 =	ssub.s32 @!p1 $0x0, s14  }
0x1c: {  	s14 =	smov.u32 s10;
	s13 =	sadd.s32 $0x1, s13;
	[sflag:s17] =	ssyncset.done @!p1 $0x0  }
0x1d: {  	s10 =	smov.u32 s12;
	s12 =	smov.u32 s18;
	[sflag:s17] =	ssyncadd.s32 @!p1 s19  }
.LBB1_1:
0x1e: {  	p1 =	sgt.u32 s13, s6  }
0x1f: {  	s16 =	sshrl.u32 @!p1 s12, $0x3  }
0x20: {  	s17 =	sshll.u32 @!p1 s11, $0x3;
	s16 =	smul.u32 @!p1 $0x7A1400, s16  }
0x21: {  	s18 =	sshll.u32 @!p1 s12, $0x7;
	s17 =	sand.u32 @!p1 $0xFFFFFC00, s17  }
0x22: {  	s16 =	sadd.s32 @!p1 s16, s17;
	s17 =	sand.u32 @!p1 $0x380, s18  }
0x23: {  	s18 =	sand.u32 @!p1 $0x7F, s11;
	s16 =	sor.u32 @!p1 s17, s16  }
0x24: {  	s17 =	sor.u32 @!p1 s18, s16  }
0x25: {  	s18 =	smulhi.u32 @!p1 $0x218D6287, s17;
	_ =	sdelay $0x1  }
0x26: {  	s16 =	smulhi.u32 @!p1 $0x218D6287, s16;
	s18 =	sshrl.u32 @!p1 s18, $0x11  }
0x27: {  	s18 =	smul.u32 @!p1 $0xF4280, s18  }
0x28: {  	s19 =	sxor.u32 @!p1 $0xFFFFFFFF, s13;
	s16 =	sshrl.u32 @!p1 s16, $0x11  }
0x29: {  	s19 =	sshll.u32 @!p1 s19, $0xC;
	s16 =	sand.u32 @!p1 $0x1F, s16;
	s17 =	ssub.s32 @!p1 s17, s18  }
0x2a: {  	s16 =	smul.u32 @!p1 $0x1E850, s16;
	s18 =	sshrl.u32 @!p1 s17, $0x3;
	s17 =	sand.u32 @!p1 $0x7, s17  }
0x2b: {  	s19 =	sand.u32 @!p1 $0x1000, s19;
	s18 =	sadd.s32 @!p1 s2, s18;
	s17 =	sshll.u32 @!p1 s17, $0x12  }
0x2c: {  	s16 =	sadd.s32 @!p1 s16, s18;
	s17 =	sor.u32 @!p1 $0x400, s17;
	s18 =	simm.s32 @!p1 $0x7A1400  }
0x2d: {  	[tilespmem:s19], [sflag:$0x1] =	stream.strided.gather @!p1 [hbm4b:s16+s17], $0x1000, s18, s17, $0x38;
	[tilespmem:$0x4100] =	vst v63  }
0x2e: {  	p1 =	seq.s32 s13, $0x0  }
0x2f: {  	p2 =	sge.u32 @!p1 s13, s7  }
0x30: {  	p1 =	por p1, p2  }
.Ltmp2:
0x31: {  	_ = 	snop;
	(pc) =	sbr.rel @p1 .LBB1_5-.Ltmp2, $1  }
0x32: {  	_ =	sdelay $0x3  }
0x33: {  	s16 =	simm.s32 $0x1  }
0x34: {  	_ =	swait.ge [sflag:s4], $0x1000;
	s16 =	simm.s32 @!p0 $0x0  }
0x35: {  	[sflag:s4] =	ssyncset.done $0x0;
	s17 =	sshll.u32 s16, $0xC  }
0x36: {  	[sflag:s4] =	ssyncadd.s32 $0xFFFFF000;
	s17 =	sor.u32 $0x40, s17  }
0x37: {  	s16 =	smul.u32 $0x4200, s16;
	v0 =	vld [tilespmem:s17+$0x30]  }
0x38: {  	v1 =	vld [tilespmem:s17+$0xFFFFFFD0]  }
0x39: {  	s16 =	sshrl.u32 s16, $0x2;
	v5 =	vld [tilespmem:s17+$0xFFFFFFE0]  }
0x3a: {  	v6 =	vld [tilespmem:s17+$0xFFFFFFF0];
	s19 =	sor.u32 $0x2000, s16  }
0x3b: {  	s31 =	sand.u32 $0x1, s13;
	v4 =	vld [tilespmem:s17+$0x0];
	s18 =	sadd.s32 $0x0, s19  }
0x3c: {  	v3 =	vld [tilespmem:s17+$0x10];
	s16 =	smul.u32 $0x4200, s31;
	[tilespmem:s18+$0xE70 ss:$0x21] =	vst.msk $0xffff, v0  }
0x3d: {  	v2 =	vld [tilespmem:s17+$0x20];
	[tilespmem:s18+$0x210 ss:$0x21] =	vst.msk $0xffff, v1  }
0x3e: {  	s16 =	sshrl.u32 s16, $0x2;
	v1 =	vld [tilespmem:s17+$0xFFFFFFC0];
	[tilespmem:s18+$0x420 ss:$0x21] =	vst.msk $0xffff, v5;
	s17 =	sadd.s32 $0x80, s17  }
0x3f: {  	s20 =	simm.s32 $0x4;
	s21 =	simm.s32 $0x8;
	s16 =	sor.u32 $0x2000, s16;
	[tilespmem:s18+$0x630 ss:$0x21] =	vst.msk $0xffff, v6;
	v0 =	vld [tilespmem:s17+$0x30]  }
.LBB1_3:
0x40: {  	p1 =	sne.s32 s21, $0x7C;
	v5 =	vld [tilespmem:s17+$0xFFFFFFD0];
	[tilespmem:s18+$0x840 ss:$0x21] =	vst.msk $0xffff, v4  }
0x41: {  	v6 =	vld [tilespmem:s17+$0xFFFFFFE0];
	[tilespmem:s18+$0xA50 ss:$0x21] =	vst.msk $0xffff, v3  }
0x42: {  	s22 =	sshra.s32 s20, $0x2;
	s20 =	smov.u32 s21;
	v7 =	vld [tilespmem:s17+$0xFFFFFFF0];
	[tilespmem:s18+$0xC60 ss:$0x21] =	vst.msk $0xffff, v2  }
.Ltmp3:
0x43: {  	v4 =	vld [tilespmem:s17+$0x0];
	[tilespmem:s18+$0x0 ss:$0x21] =	vst.msk $0xffff, v1;
	s18 =	sadd.s32 s22, s19;
	(pc) =	sbr.rel @p1 .LBB1_3-.Ltmp3, $4  }
0x44: {  	v3 =	vld [tilespmem:s17+$0x10];
	[tilespmem:s18+$0xE70 ss:$0x21] =	vst.msk $0xffff, v0  }
0x45: {  	[tilespmem:s18+$0x210 ss:$0x21] =	vst.msk $0xffff, v5;
	v2 =	vld [tilespmem:s17+$0x20]  }
0x46: {  	v1 =	vld [tilespmem:s17+$0xFFFFFFC0];
	[tilespmem:s18+$0x420 ss:$0x21] =	vst.msk $0xffff, v6;
	s17 =	sadd.s32 $0x80, s17  }
0x47: {  	s21 =	sadd.s32 $0x4, s21;
	v0 =	vld [tilespmem:s17+$0x30];
	[tilespmem:s18+$0x630 ss:$0x21] =	vst.msk $0xffff, v7  }
0x48: {  	s21 =	sshll.u32 s9, $0x7;
	s22 =	sshll.u32 s10, $0x3;
	s20 =	sshra.s32 s20, $0x2  }
0x49: {  	p1 =	sgt.s32 s9, $0xF41C0;
	s30 =	sshra.s32 s9, $0x1F;
	s25 =	sshra.s32 s10, $0x1F  }
0x4a: {  	v5 =	vld [tilespmem:s17+$0xFFFFFFD0];
	s28 =	sshrl.u32 s10, $0x3;
	s23 =	sand.u32 $0xFFFFFC00, s21;
	s22 =	sand.u32 $0xFFFFFC00, s22  }
0x4b: {  	[tilespmem:s18+$0x840 ss:$0x21] =	vst.msk $0xffff, v4;
	v58 =	vld [tilespmem:s17+$0xFFFFFFE0];
	s21 =	sand.u32 $0x380, s21;
	s19 =	sadd.s32 s20, s19;
	s22 =	sadd.s32 s22, s23  }
0x4c: {  	v59 =	vld [tilespmem:s17+$0xFFFFFFF0];
	[tilespmem:s18+$0xA50 ss:$0x21] =	vst.msk $0xffff, v3;
	s29 =	sor.u32 s21, s22;
	s21 =	smov.u32 s9;
	s22 =	sand.u32 s30, s9  }
0x4d: {  	v60 =	vld [tilespmem:s17+$0x0];
	[tilespmem:s18+$0xC60 ss:$0x21] =	vst.msk $0xffff, v2;
	s30 =	sand.u32 $0x7, s10;
	s20 =	sshrl.u32 s29, $0x7;
	s21 =	simm.s32 @!p1 $0xF41C0  }
0x4e: {  	v61 =	vld [tilespmem:s17+$0x10];
	[tilespmem:s18+$0x0 ss:$0x21] =	vst.msk $0xffff, v1;
	p1 =	sgt.s32 s10, $0x60;
	s24 =	ssub.s32 s21, s22;
	s21 =	smov.u32 s10  }
0x4f: {  	v62 =	vld [tilespmem:s17+$0x20];
	[tilespmem:s19+$0xE70 ss:$0x21] =	vst.msk $0xffff, v0;
	s31 =	smulhi.u32 $0x218DEF5, s20;
	s22 =	sand.u32 s25, s10;
	s21 =	simm.s32 @!p1 $0x60  }
0x50: {  	v63 =	vld [tilespmem:s17+$0xFFFFFFC0];
	[tilespmem:s19+$0x210 ss:$0x21] =	vst.msk $0xffff, v5;
	s26 =	sadd.s32 $0xFFF0BE40, s24;
	s17 =	ssub.s32 $0xF4240, s24;
	s21 =	ssub.s32 s21, s22  }
0x51: {  	[tilespmem:s19+$0x420 ss:$0x21] =	vst.msk $0xffff, v58;
	s23 =	sshrl.u32 s31, $0xD;
	p1 =	sgt.s32 s26, $0x7F;
	s27 =	sadd.s32 $0xFFFFFFA0, s21  }
0x52: {  	[tilespmem:s19+$0x630 ss:$0x21] =	vst.msk $0xffff, v59;
	s23 =	smul.u32 $0xF4240, s23;
	s18 =	ssub.s32 $0x80, s21;
	p2 =	sgt.s32 s27, $0x1F  }
.Ltmp4:
0x53: {  	[tilespmem:s19+$0x840 ss:$0x21] =	vst.msk $0xffff, v60;
	s17 =	simm.s32 @p1 $0x0;
	s18 =	simm.s32 @p2 $0x0;
	(pc) =	sbr.rel .LBB1_5-.Ltmp4, $4  }
0x54: {  	s29 =	sand.u32 $0xF, s28;
	[tilespmem:s19+$0xA50 ss:$0x21] =	vst.msk $0xffff, v61;
	s20 =	ssub.s32 s20, s23;
	s17 =	smul.u32 s18, s17  }
0x55: {  	[tilespmem:s19+$0xC60 ss:$0x21] =	vst.msk $0xffff, v62;
	s21 =	sshll.u32 s30, $0x12;
	s20 =	sshll.u32 s20, $0x4;
	s18 =	sadd.s32 s5, s29  }
0x56: {  	[tilespmem:s19+$0x0 ss:$0x21] =	vst.msk $0xffff, v63;
	s31 =	sor.u32 $0x20, s21;
	s18 =	sadd.s32 s20, s18;
	s17 =	sand.u32 $0x3FFFFFFF, s17  }
0x57: {  	[hbm4b:s18+s31] =	stream.strided.scatter [tilespmem:s16], [sflag:$0x2], s17, s8, s31, $0x10;
	[tilespmem:$0x4100] =	vst v63  }
.LBB1_6:
0x58: {  	_ =	sfence.sel $0x180000  }
0x59: {  	s2 =	simm.s32 $0x1;
	[bflag:$0x0] =	sbarrier.arrive $0xFFFF  }
0x5a: {  	s31 =	simm.s32 $0x2;
	[sflag:s2] =	ssyncpa.u1 $0x1  }
0x5b: {  	[sflag:s31] =	ssyncpa.u1 $0x1  }
0x5c: {  	p0 =	sne.s32 s1, $0x0;
	_ =	strace $0x90000047  }
0x5d: {  	s0 =	sadd.s32 @!p0 $0x100000, s0;
	[bflag:$0x2] =	sbarrier.arrive $0xFFFF  }
0x5e: {  	[sflag:s0] =	ssyncadd.tile.s32 @!p0 $0x1;
	_ =	shalt  }
.Lfunc_end1:
_tile_overlayer_lowered:
.L_overlay_start_2:
0x5f: {  	(tag) =	ssettag $0x2  }
0x60: {  	s0 =	rddreg [dreg:$0x0];
	s2 =	stileid.u32  }
0x61: {  	s1 =	rddreg [dreg:$0x1];
	p0 =	sne.s32 s2, $0x0  }
0x62: {  	s3 =	rddreg [dreg:$0x2];
	[bflag:$0x3] =	sbarrier.arrive $0xFFFF;
	s2 =	simm.s32 @!p0 $0x1C01  }
0x63: {  	[timem:s3], [sflag:s2] =	dma.local @!p0 [hbm:s0], s1  }
0x64: {  	s0 =	simm.s32 @!p0 $0x1  }
0x65: {  	_ =	swait.ge @!p0 [sflag:s0], s1  }
0x66: {  	s1 =	ssub.s32 @!p0 $0x0, s1;
	[sflag:s0] =	ssyncset.done @!p0 $0x0  }
0x67: {  	[sflag:s0] =	ssyncadd.s32 @!p0 s1  }
0x68: {  	[bflag:$0x3] =	sbarrier.arrive $0xFFFF  }
0x69: {  	_ =	shalt  }

</sc_bundles>
